<compile_context>
chip_gen: v7x
topology: tpu7x:2x2x1
jax: 0.10.2.dev20260603
libtpu: 0.0.44.dev20260713+nightly
codegen_flags: <defaults>
</compile_context>

<pallas_src>
import functools

import jax
import jax.numpy as jnp
from jax import lax
from jax.experimental import pallas as pl
from jax.experimental.pallas import tpu as pltpu
from jax.experimental.pallas import tpu_sc as plsc

N = 10000
D = 128
H2 = 256
E = 320000
NC, NS = 2, 16
NW = NC * NS
CK = 80
EPT = E // NW
CPT = EPT // CK
ZR = 624
VL = 16
_R = 1000

_mesh = plsc.VectorSubcoreMesh(core_axis_name="c", subcore_axis_name="s")


@functools.partial(
    pl.kernel,
    out_type=[
        jax.ShapeDtypeStruct((N, D), jnp.float32),
        jax.ShapeDtypeStruct((NW * N,), jnp.float32),
    ],
    mesh=_mesh,
    scratch_types=[
        pltpu.VMEM((EPT,), jnp.int32),
        pltpu.VMEM((N,), jnp.float32),
        pltpu.VMEM((CK,), jnp.int32),
        pltpu.VMEM((CK, D), jnp.float32),
        pltpu.SemaphoreType.DMA,
    ],
    compiler_params=pltpu.CompilerParams(needs_layout_passes=False),
)
def _sc_emb_deg(x1, dst1, emb, h_out, degp_out, dst_v, acc, x_v, rows_v, sem):
    c = lax.axis_index("c")
    s = lax.axis_index("s")
    wid = c * NS + s

    pltpu.sync_copy(dst1.at[pl.ds(wid * EPT, EPT)], dst_v)

    def zero_body(j, carry):
        acc[pl.ds(VL * j, VL)] = jnp.zeros((VL,), jnp.float32)
        return carry

    lax.fori_loop(0, N // VL, zero_body, 0)

    ones = jnp.ones((VL,), jnp.float32)

    def deg_body(j, carry):
        iv = dst_v[pl.ds(VL * j, VL)]
        plsc.addupdate_scatter(acc, [iv], ones)
        return carry

    lax.fori_loop(0, EPT // VL, deg_body, 0)

    def wr_body(b, carry):
        pltpu.sync_copy(acc.at[pl.ds(b * _R, _R)],
                        degp_out.at[pl.ds((b * NW + wid) * _R, _R)])
        return carry

    lax.fori_loop(0, N // _R, wr_body, 0)

    nch = jnp.where(wid < NW - 1, 4, 1)

    def emb_body(j, carry):
        pltpu.sync_copy(x1.at[pl.ds(wid * 320 + j * CK, CK)], x_v)
        pltpu.async_copy(emb.at[x_v], rows_v, sem).wait()
        pltpu.sync_copy(rows_v, h_out.at[pl.ds(wid * 320 + j * CK, CK)])
        return carry

    lax.fori_loop(0, nch, emb_body, 0)


CK2 = 80
CPT2 = EPT // CK2
PH = 64
NB = 3


@functools.partial(
    pl.kernel,
    out_type=jax.ShapeDtypeStruct((NC, N, D), jnp.float32),
    mesh=_mesh,
    scratch_types=[
        pltpu.VMEM_SHARED((N, D), jnp.float32),
        pltpu.VMEM((PH * CK2,), jnp.int32),
        pltpu.VMEM((PH, CK2), jnp.int32),
        pltpu.VMEM((CK2, D), jnp.float32),
        pltpu.VMEM((CK2, D), jnp.float32),
        pltpu.VMEM((CK2, D), jnp.float32),
        pltpu.SemaphoreType.DMA,
        pltpu.SemaphoreType.DMA,
        pltpu.SemaphoreType.DMA,
    ],
)
def _sc_segsum(hs, src1, dst3p, zf80, out, acc, srcs, dsts, rb0, rb1, rb2,
               sem0, sem1, sem2):
    c = lax.axis_index("c")
    s = lax.axis_index("s")
    wid = c * NS + s
    bufs = (rb0, rb1, rb2)
    sems = (sem0, sem1, sem2)

    def fire(j, b):
        pltpu.async_copy(hs.at[srcs.at[pl.ds(j * CK2, CK2)]], bufs[b],
                         sems[b])

    def wait_scat(j, b):
        pltpu.make_async_copy(hs.at[srcs.at[pl.ds(j * CK2, CK2)]],
                              bufs[b], sems[b]).wait()
        pltpu.sync_copy(bufs[b], acc.at[dsts.at[j]], add=True)

    def run_phase(nchunks):
        for b in range(NB):
            fire(b, b)

        def body(g, carry):
            for b in range(NB):
                j = g * NB + b
                wait_scat(j, b)
                fire(j + NB, b)
            return carry

        lax.fori_loop(0, (nchunks - 4) // NB, body, 0)
        j0 = nchunks - 4
        wait_scat(j0, j0 % NB)
        fire(nchunks - 1, (nchunks - 1) % NB)
        for j in range(j0 + 1, nchunks):
            wait_scat(j, j % NB)

    pltpu.sync_copy(src1.at[pl.ds(wid * EPT, PH * CK2)], srcs)
    pltpu.sync_copy(dst3p.at[wid, pl.ds(0, PH)], dsts)

    pltpu.sync_copy(zf80, rb0)
    for k in range(7):
        pltpu.sync_copy(rb0, acc.at[pl.ds(s * ZR + k * CK2, CK2)])
    pltpu.sync_copy(rb0.at[pl.ds(0, 64)], acc.at[pl.ds(s * ZR + 560, 64)])

    @pl.when(s == NS - 1)
    def _():
        pltpu.sync_copy(rb0.at[pl.ds(0, N - NS * ZR)],
                        acc.at[pl.ds(NS * ZR, N - NS * ZR)])

    plsc.subcore_barrier()

    run_phase(PH)

    pltpu.sync_copy(src1.at[pl.ds(wid * EPT + PH * CK2, EPT - PH * CK2)],
                    srcs.at[pl.ds(0, EPT - PH * CK2)])
    pltpu.sync_copy(dst3p.at[wid, pl.ds(PH, PH)], dsts)

    run_phase(CPT2 - PH)

    plsc.subcore_barrier()
    pltpu.sync_copy(acc.at[pl.ds(s * ZR, ZR)], out.at[c, pl.ds(s * ZR, ZR)])

    @pl.when(s == NS - 1)
    def _():
        pltpu.sync_copy(acc.at[pl.ds(NS * ZR, N - NS * ZR)],
                        out.at[c, pl.ds(NS * ZR, N - NS * ZR)])


def _tc_scale_body(dps, h, hs1, dinv_out):
    dp = dps[...].reshape(NW, _R)
    ones = jnp.ones((NW, 1), jnp.float32)
    deg = lax.dot_general(dp, ones, (((0,), (0,)), ((), ())),
                          preferred_element_type=jnp.float32) + 1.0
    dcol = lax.rsqrt(deg)
    hs1[...] = h[...] * dcol
    dinv_out[...] = dcol


def _tc_mid_body(dinv, t0, t1, hs1, w1, b1, w2, hs2):
    dcol = dinv[...]
    aggh = (t0[...] + t1[...] + hs1[...]) * dcol
    o1 = jnp.dot(aggh, w1[...], preferred_element_type=jnp.float32) + b1[...]
    h2 = jnp.maximum(o1, 0.0)
    xw2 = jnp.dot(h2, w2[...], preferred_element_type=jnp.float32)
    hs2[...] = xw2 * dcol


def _tc_out_body(dinv, t0, t1, hs2, b2, out):
    out[...] = (t0[...] + t1[...] + hs2[...]) * dinv[...] + b2[...]


def _row_spec(w):
    return pl.BlockSpec((_R, w), lambda i: (i, 0))


def _full_spec(r, w):
    return pl.BlockSpec((r, w), lambda i: (0, 0))


def _tc_scale(dps, h):
    return pl.pallas_call(
        _tc_scale_body,
        grid=(N // _R,),
        in_specs=[pl.BlockSpec((1, NW, _R), lambda i: (i, 0, 0)),
                  _row_spec(D)],
        out_specs=[_row_spec(D), _row_spec(1)],
        out_shape=[jax.ShapeDtypeStruct((N, D), jnp.float32),
                   jax.ShapeDtypeStruct((N, 1), jnp.float32)],
    )(dps, h)


def _tc_mid(dinv, t0, t1, hs1, w1, b1, w2):
    return pl.pallas_call(
        _tc_mid_body,
        grid=(N // _R,),
        in_specs=[_row_spec(1), _row_spec(D), _row_spec(D), _row_spec(D),
                  _full_spec(D, H2), _full_spec(1, H2), _full_spec(H2, D)],
        out_specs=_row_spec(D),
        out_shape=jax.ShapeDtypeStruct((N, D), jnp.float32),
    )(dinv, t0, t1, hs1, w1, b1, w2)


def _tc_out(dinv, t0, t1, hs2, b2):
    return pl.pallas_call(
        _tc_out_body,
        grid=(N // _R,),
        in_specs=[_row_spec(1), _row_spec(D), _row_spec(D), _row_spec(D),
                  _full_spec(1, D)],
        out_specs=_row_spec(D),
        out_shape=jax.ShapeDtypeStruct((N, D), jnp.float32),
    )(dinv, t0, t1, hs2, b2)


def kernel(x, edge_index, emb_table, W1, b1, W2, b2):
    src1 = edge_index[0]
    dst1 = edge_index[1]
    dst3p = jnp.pad(edge_index[1].reshape(NW, CPT2, CK2),
                    ((0, 0), (0, 2 * PH - CPT2), (0, 0)))
    x1 = x[:, 0]
    zf80 = jnp.zeros((CK2, D), jnp.float32)

    h, degp = _sc_emb_deg(x1, dst1, emb_table)
    hs1, dinv = _tc_scale(degp.reshape(N // _R, NW, _R), h)

    t1 = _sc_segsum(hs1, src1, dst3p, zf80)
    hs2 = _tc_mid(dinv, t1[0], t1[1], hs1, W1, b1.reshape(1, H2), W2)
    t2 = _sc_segsum(hs2, src1, dst3p, zf80)
    return _tc_out(dinv, t2[0], t2[1], hs2, b2.reshape(1, D))

# --- scband reference (transcript-rebuilt; emitter-appended) ---
"""Pipeline reference for scband-encoder-np-21603685498928 (READ-ONLY COPY).

The authoritative reference and input builder live on the scoring server;
editing this copy changes nothing except your own understanding.
"""

import jax, jax.numpy as jnp
import numpy as np

N_NODES = 10000
NODE_DIM = 128
HIDDEN = 128
N_EDGES = 320000


def gcn_conv(x, edge_index, W, b, num_nodes):
    src = edge_index[0]
    dst = edge_index[1]
    # add self loops (PyG GCNConv default add_self_loops=True)
    loop = jnp.arange(num_nodes, dtype=src.dtype)
    src = jnp.concatenate([src, loop])
    dst = jnp.concatenate([dst, loop])
    # symmetric normalization: deg computed at target nodes with unit edge weights
    deg = jnp.zeros((num_nodes,), dtype=x.dtype).at[dst].add(1.0)
    dinv = jnp.where(deg > 0, deg ** -0.5, 0.0)
    norm = dinv[src] * dinv[dst]
    xw = x @ W
    msg = xw[src] * norm[:, None]
    out = jnp.zeros((num_nodes, W.shape[1]), dtype=x.dtype).at[dst].add(msg)
    return out + b


def setup_inputs(seed: int = 0) -> dict:
    key = jax.random.key(seed)
    k1, k2, k3, k4, k5, k6, k7 = jax.random.split(key, 7)
    x = jax.random.randint(k1, (N_NODES, 1), 0, N_NODES, dtype=jnp.int64 if jax.config.jax_enable_x64 else jnp.int32).astype(jnp.int32)
    edge_index = jax.random.randint(k2, (2, N_EDGES), 0, N_NODES).astype(jnp.int32)
    # learned parameters
    emb_table = jax.random.normal(k3, (N_NODES, NODE_DIM), dtype=jnp.float32) * (NODE_DIM ** -0.5)
    W1 = jax.random.normal(k4, (NODE_DIM, 2 * HIDDEN), dtype=jnp.float32) * (NODE_DIM ** -0.5)
    b1 = jnp.zeros((2 * HIDDEN,), dtype=jnp.float32)
    W2 = jax.random.normal(k5, (2 * HIDDEN, HIDDEN), dtype=jnp.float32) * ((2 * HIDDEN) ** -0.5)
    b2 = jnp.zeros((HIDDEN,), dtype=jnp.float32)
    return {"x": x, "edge_index": edge_index, "emb_table": emb_table,
            "W1": W1, "b1": b1, "W2": W2, "b2": b2}


def reference(x, edge_index, emb_table, W1, b1, W2, b2):
    # Embedding lookup then squeeze(1): [N,1] -> [N,1,D] -> [N,D]
    h = jnp.take(emb_table, x[:, 0], axis=0)
    h = gcn_conv(h, edge_index, W1, b1, N_NODES)
    h = jax.nn.relu(h)
    out = gcn_conv(h, edge_index, W2, b2, N_NODES)
    return out

if __name__ == "__main__":
    import jax
    _d = setup_inputs()
    print(jax.jit(kernel)(*tuple(_d.values())))

</pallas_src>

<mosaic_0001>
#map = affine_map<(d0, d1) -> (0)>
#map1 = affine_map<(d0, d1) -> (0, 0)>
module attributes {stable_mosaic.version = 14 : i64} {
  func.func @_sc_emb_deg(%arg0: i32, %arg1: i32, %arg2: memref<10000xi32, #tpu.memory_space<hbm>>, %arg3: memref<320000xi32, #tpu.memory_space<hbm>>, %arg4: memref<10000x128xf32, #tpu.memory_space<hbm>>, %arg5: memref<10000x128xf32, #tpu.memory_space<hbm>>, %arg6: memref<320000xf32, #tpu.memory_space<hbm>>, %arg7: memref<10000xi32, #tpu.memory_space<vmem>>, %arg8: memref<10000xf32, #tpu.memory_space<vmem>>, %arg9: memref<80xi32, #tpu.memory_space<vmem>>, %arg10: memref<80x128xf32, #tpu.memory_space<vmem>>, %arg11: memref<!tpu.dma_semaphore, #tpu.memory_space<semaphore_mem>>) attributes {dimension_semantics = [#tpu.dimension_semantics<core_parallel>, #tpu.dimension_semantics<subcore_parallel>], iteration_bounds = array<i64: 2, 16>, scalar_prefetch = 0 : i64, scratch_operands = 5 : i64, tpu.core_type = #tpu.core_type<sc_vector_subcore>, window_params = [{transform_indices = #map}, {transform_indices = #map}, {transform_indices = #map1}, {transform_indices = #map1}, {transform_indices = #map}]} {
    %mul3A = arith.constant 16 : i32
    %mul3A_0 = arith.muli %arg0, %mul3A : i32
    %add3A = arith.addi %mul3A_0, %arg1 : i32
    %mul3A_1 = arith.constant 10000 : i32
    %mul3A_2 = arith.muli %add3A, %mul3A_1 : i32
    "tpu.region"() ({
      %run_scoped3A = tpu.sem_alloc : memref<!tpu.dma_semaphore, #tpu.memory_space<semaphore_mem>>
      %dma_start3A = tpu.memref_slice %arg3[%mul3A_2] : memref<320000xi32, #tpu.memory_space<hbm>> -> memref<10000xi32, #tpu.memory_space<hbm>>
      %dma_start3A_32 = tpu.memref_slice %arg3[%mul3A_2] : memref<320000xi32, #tpu.memory_space<hbm>> -> memref<10000xi32, #tpu.memory_space<hbm>>
      tpu.enqueue_dma source(%dma_start3A_32 : memref<10000xi32, #tpu.memory_space<hbm>>) target(%arg7 : memref<10000xi32, #tpu.memory_space<vmem>>) target_semaphore(%run_scoped3A : memref<!tpu.dma_semaphore, #tpu.memory_space<semaphore_mem>>)
      %dma_wait3A = tpu.memref_slice %arg3[%mul3A_2] : memref<320000xi32, #tpu.memory_space<hbm>> -> memref<10000xi32, #tpu.memory_space<hbm>>
      %dma_wait3A_33 = tpu.memref_slice %arg3[%mul3A_2] : memref<320000xi32, #tpu.memory_space<hbm>> -> memref<10000xi32, #tpu.memory_space<hbm>>
      tpu.wait_dma2 semaphore(%run_scoped3A : memref<!tpu.dma_semaphore, #tpu.memory_space<semaphore_mem>>) src(%dma_wait3A_33 : memref<10000xi32, #tpu.memory_space<hbm>>) dst(%arg7 : memref<10000xi32, #tpu.memory_space<vmem>>)
      tpu.yield
    }) : () -> ()
    %scan3A = arith.constant 0 : i32
    %scan3A_3 = arith.constant 0 : i32
    %scan3A_4 = arith.constant 625 : i32
    %scan3A_5 = arith.addi %scan3A_3, %scan3A_4 : i32
    %scan3A_6 = arith.constant 1 : i32
    scf.for %scan3A_32 = %scan3A_3 to %scan3A_5 step %scan3A_6  : i32 {
      %broadcast_in_dim3A_33 = arith.constant 0.000000e+00 : f32
      %broadcast_in_dim3A_34 = vector.broadcast %broadcast_in_dim3A_33 : f32 to vector<16xf32>
      %mul3A_35 = arith.constant 16 : i32
      %mul3A_36 = arith.muli %mul3A_35, %scan3A_32 : i32
      %swap3A = arith.index_cast %mul3A_36 : i32 to index
      %swap3A_37 = tpu.vector_load %arg8[%swap3A] {strides = array<i32>} : memref<10000xf32, #tpu.memory_space<vmem>>, vector<16xf32>,
      tpu.vector_store %arg8[%swap3A], %broadcast_in_dim3A_34 {strides = array<i32>} : memref<10000xf32, #tpu.memory_space<vmem>>, vector<16xf32>,
    }
    %scan3A_7 = arith.constant 625 : i32
    %broadcast_in_dim3A = arith.constant 1.000000e+00 : f32
    %broadcast_in_dim3A_8 = vector.broadcast %broadcast_in_dim3A : f32 to vector<16xf32>
    %scan3A_9 = arith.constant 0 : i32
    %scan3A_10 = arith.constant 0 : i32
    %scan3A_11 = arith.constant 625 : i32
    %scan3A_12 = arith.addi %scan3A_10, %scan3A_11 : i32
    %scan3A_13 = arith.constant 1 : i32
    scf.for %scan3A_32 = %scan3A_10 to %scan3A_12 step %scan3A_13  : i32 {
      %mul3A_33 = arith.constant 16 : i32
      %mul3A_34 = arith.muli %mul3A_33, %scan3A_32 : i32
      %get3A = arith.index_cast %mul3A_34 : i32 to index
      %get3A_35 = tpu.vector_load %arg7[%get3A] {strides = array<i32>} : memref<10000xi32, #tpu.memory_space<vmem>>, vector<16xi32>,
      tpu.vector_store_idx %arg8[%get3A_35], %broadcast_in_dim3A_8 {add = true} : memref<10000xf32, #tpu.memory_space<vmem>>[vector<16xi32>], vector<16xf32>,
    }
    %scan3A_14 = arith.constant 625 : i32
    %scan3A_15 = arith.constant 0 : i32
    %scan3A_16 = arith.constant 0 : i32
    %scan3A_17 = arith.constant 10 : i32
    %scan3A_18 = arith.addi %scan3A_16, %scan3A_17 : i32
    %scan3A_19 = arith.constant 1 : i32
    scf.for %scan3A_32 = %scan3A_16 to %scan3A_18 step %scan3A_19  : i32 {
      %mul3A_33 = arith.constant 1000 : i32
      %mul3A_34 = arith.muli %scan3A_32, %mul3A_33 : i32
      %mul3A_35 = arith.constant 32 : i32
      %mul3A_36 = arith.muli %scan3A_32, %mul3A_35 : i32
      %add3A_37 = arith.addi %mul3A_36, %add3A : i32
      %mul3A_38 = arith.constant 1000 : i32
      %mul3A_39 = arith.muli %add3A_37, %mul3A_38 : i32
      "tpu.region"() ({
        %run_scoped3A = tpu.sem_alloc : memref<!tpu.dma_semaphore, #tpu.memory_space<semaphore_mem>>
        %dma_start3A = tpu.memref_slice %arg8[%mul3A_34] : memref<10000xf32, #tpu.memory_space<vmem>> -> memref<1000xf32, #tpu.memory_space<vmem>>
        %dma_start3A_40 = tpu.memref_slice %arg6[%mul3A_39] : memref<320000xf32, #tpu.memory_space<hbm>> -> memref<1000xf32, #tpu.memory_space<hbm>>
        %dma_start3A_41 = tpu.memref_slice %arg6[%mul3A_39] : memref<320000xf32, #tpu.memory_space<hbm>> -> memref<1000xf32, #tpu.memory_space<hbm>>
        %dma_start3A_42 = tpu.memref_slice %arg8[%mul3A_34] : memref<10000xf32, #tpu.memory_space<vmem>> -> memref<1000xf32, #tpu.memory_space<vmem>>
        tpu.enqueue_dma source(%dma_start3A_42 : memref<1000xf32, #tpu.memory_space<vmem>>) target(%dma_start3A_41 : memref<1000xf32, #tpu.memory_space<hbm>>) target_semaphore(%run_scoped3A : memref<!tpu.dma_semaphore, #tpu.memory_space<semaphore_mem>>)
        %dma_wait3A = tpu.memref_slice %arg8[%mul3A_34] : memref<10000xf32, #tpu.memory_space<vmem>> -> memref<1000xf32, #tpu.memory_space<vmem>>
        %dma_wait3A_43 = tpu.memref_slice %arg6[%mul3A_39] : memref<320000xf32, #tpu.memory_space<hbm>> -> memref<1000xf32, #tpu.memory_space<hbm>>
        %dma_wait3A_44 = tpu.memref_slice %arg6[%mul3A_39] : memref<320000xf32, #tpu.memory_space<hbm>> -> memref<1000xf32, #tpu.memory_space<hbm>>
        %dma_wait3A_45 = tpu.memref_slice %arg8[%mul3A_34] : memref<10000xf32, #tpu.memory_space<vmem>> -> memref<1000xf32, #tpu.memory_space<vmem>>
        tpu.wait_dma2 semaphore(%run_scoped3A : memref<!tpu.dma_semaphore, #tpu.memory_space<semaphore_mem>>) src(%dma_wait3A_45 : memref<1000xf32, #tpu.memory_space<vmem>>) dst(%dma_wait3A_44 : memref<1000xf32, #tpu.memory_space<hbm>>)
        tpu.yield
      }) : () -> ()
    }
    %scan3A_20 = arith.constant 10 : i32
    %lt3A = arith.constant 31 : i32
    %lt3A_21 = arith.cmpi slt, %add3A, %lt3A : i32
    %jit3A = arith.constant 4 : i32
    %jit3A_22 = arith.constant 1 : i32
    %select_n3A = arith.select %lt3A_21, %jit3A, %jit3A_22 : i32
    %while3A = arith.constant 0 : i32
    %while3A_23 = arith.constant 0 : i32
    %while3A_24 = arith.subi %select_n3A, %while3A_23 : i32
    %while3A_25 = arith.addi %while3A_23, %while3A_24 : i32
    %while3A_26 = arith.constant 1 : i32
    %while3A_27 = arith.divsi %while3A_24, %while3A_26 : i32
    %while3A_28 = arith.muli %while3A_27, %while3A_26 : i32
    %while3A_29 = arith.addi %while3A_23, %while3A_28 : i32
    %while3A_30 = arith.constant 1 : i32
    scf.for %while3A_32 = %while3A_23 to %while3A_29 step %while3A_30  : i32 {
      %mul3A_33 = arith.constant 320 : i32
      %mul3A_34 = arith.muli %add3A, %mul3A_33 : i32
      %mul3A_35 = arith.constant 80 : i32
      %mul3A_36 = arith.muli %while3A_32, %mul3A_35 : i32
      %add3A_37 = arith.addi %mul3A_34, %mul3A_36 : i32
      "tpu.region"() ({
        %run_scoped3A = tpu.sem_alloc : memref<!tpu.dma_semaphore, #tpu.memory_space<semaphore_mem>>
        %dma_start3A_47 = tpu.memref_slice %arg2[%add3A_37] : memref<10000xi32, #tpu.memory_space<hbm>> -> memref<80xi32, #tpu.memory_space<hbm>>
        %dma_start3A_48 = tpu.memref_slice %arg2[%add3A_37] : memref<10000xi32, #tpu.memory_space<hbm>> -> memref<80xi32, #tpu.memory_space<hbm>>
        tpu.enqueue_dma source(%dma_start3A_48 : memref<80xi32, #tpu.memory_space<hbm>>) target(%arg9 : memref<80xi32, #tpu.memory_space<vmem>>) target_semaphore(%run_scoped3A : memref<!tpu.dma_semaphore, #tpu.memory_space<semaphore_mem>>)
        %dma_wait3A_49 = tpu.memref_slice %arg2[%add3A_37] : memref<10000xi32, #tpu.memory_space<hbm>> -> memref<80xi32, #tpu.memory_space<hbm>>
        %dma_wait3A_50 = tpu.memref_slice %arg2[%add3A_37] : memref<10000xi32, #tpu.memory_space<hbm>> -> memref<80xi32, #tpu.memory_space<hbm>>
        tpu.wait_dma2 semaphore(%run_scoped3A : memref<!tpu.dma_semaphore, #tpu.memory_space<semaphore_mem>>) src(%dma_wait3A_50 : memref<80xi32, #tpu.memory_space<hbm>>) dst(%arg9 : memref<80xi32, #tpu.memory_space<vmem>>)
        tpu.yield
      }) : () -> ()
      %dma_start3A = arith.constant 0 : i32
      %dma_start3A_38 = arith.constant 0 : i32
      %dma_start3A_39 = tpu.memref_slice %arg4[%dma_start3A, %dma_start3A_38] : memref<10000x128xf32, #tpu.memory_space<hbm>> -> memref<10000x128xf32, #tpu.memory_space<hbm>>
      tpu.enqueue_indirect_dma source(%dma_start3A_39 : memref<10000x128xf32, #tpu.memory_space<hbm>>) target(%arg10 : memref<80x128xf32, #tpu.memory_space<vmem>>) offsets(%arg9 : memref<80xi32, #tpu.memory_space<vmem>>) semaphore(%arg11 : memref<!tpu.dma_semaphore, #tpu.memory_space<semaphore_mem>>)
      %dma_wait3A = arith.constant 0 : i32
      %dma_wait3A_40 = arith.constant 0 : i32
      %dma_wait3A_41 = tpu.memref_slice %arg4[%dma_wait3A, %dma_wait3A_40] : memref<10000x128xf32, #tpu.memory_space<hbm>> -> memref<10000x128xf32, #tpu.memory_space<hbm>>
      tpu.wait_indirect_dma semaphore(%arg11 : memref<!tpu.dma_semaphore, #tpu.memory_space<semaphore_mem>>) src(%dma_wait3A_41 : memref<10000x128xf32, #tpu.memory_space<hbm>>) dst(%arg10 : memref<80x128xf32, #tpu.memory_space<vmem>>)
      %mul3A_42 = arith.constant 320 : i32
      %mul3A_43 = arith.muli %add3A, %mul3A_42 : i32
      %mul3A_44 = arith.constant 80 : i32
      %mul3A_45 = arith.muli %while3A_32, %mul3A_44 : i32
      %add3A_46 = arith.addi %mul3A_43, %mul3A_45 : i32
      "tpu.region"() ({
        %run_scoped3A = tpu.sem_alloc : memref<!tpu.dma_semaphore, #tpu.memory_space<semaphore_mem>>
        %dma_start3A_47 = arith.constant 0 : i32
        %dma_start3A_48 = tpu.memref_slice %arg5[%add3A_46, %dma_start3A_47] : memref<10000x128xf32, #tpu.memory_space<hbm>> -> memref<80x128xf32, #tpu.memory_space<hbm>>
        %dma_start3A_49 = arith.constant 0 : i32
        %dma_start3A_50 = tpu.memref_slice %arg5[%add3A_46, %dma_start3A_49] : memref<10000x128xf32, #tpu.memory_space<hbm>> -> memref<80x128xf32, #tpu.memory_space<hbm>>
        tpu.enqueue_dma source(%arg10 : memref<80x128xf32, #tpu.memory_space<vmem>>) target(%dma_start3A_50 : memref<80x128xf32, #tpu.memory_space<hbm>>) target_semaphore(%run_scoped3A : memref<!tpu.dma_semaphore, #tpu.memory_space<semaphore_mem>>)
        %dma_wait3A_51 = arith.constant 0 : i32
        %dma_wait3A_52 = tpu.memref_slice %arg5[%add3A_46, %dma_wait3A_51] : memref<10000x128xf32, #tpu.memory_space<hbm>> -> memref<80x128xf32, #tpu.memory_space<hbm>>
        %dma_wait3A_53 = arith.constant 0 : i32
        %dma_wait3A_54 = tpu.memref_slice %arg5[%add3A_46, %dma_wait3A_53] : memref<10000x128xf32, #tpu.memory_space<hbm>> -> memref<80x128xf32, #tpu.memory_space<hbm>>
        tpu.wait_dma2 semaphore(%run_scoped3A : memref<!tpu.dma_semaphore, #tpu.memory_space<semaphore_mem>>) src(%arg10 : memref<80x128xf32, #tpu.memory_space<vmem>>) dst(%dma_wait3A_54 : memref<80x128xf32, #tpu.memory_space<hbm>>)
        tpu.yield
      }) : () -> ()
    }
    %while3A_31 = arith.constant 1 : i32
    scf.for %while3A_32 = %while3A_29 to %while3A_25 step %while3A_31  : i32 {
      %mul3A_33 = arith.constant 320 : i32
      %mul3A_34 = arith.muli %add3A, %mul3A_33 : i32
      %mul3A_35 = arith.constant 80 : i32
      %mul3A_36 = arith.muli %while3A_32, %mul3A_35 : i32
      %add3A_37 = arith.addi %mul3A_34, %mul3A_36 : i32
      "tpu.region"() ({
        %run_scoped3A = tpu.sem_alloc : memref<!tpu.dma_semaphore, #tpu.memory_space<semaphore_mem>>
        %dma_start3A_47 = tpu.memref_slice %arg2[%add3A_37] : memref<10000xi32, #tpu.memory_space<hbm>> -> memref<80xi32, #tpu.memory_space<hbm>>
        %dma_start3A_48 = tpu.memref_slice %arg2[%add3A_37] : memref<10000xi32, #tpu.memory_space<hbm>> -> memref<80xi32, #tpu.memory_space<hbm>>
        tpu.enqueue_dma source(%dma_start3A_48 : memref<80xi32, #tpu.memory_space<hbm>>) target(%arg9 : memref<80xi32, #tpu.memory_space<vmem>>) target_semaphore(%run_scoped3A : memref<!tpu.dma_semaphore, #tpu.memory_space<semaphore_mem>>)
        %dma_wait3A_49 = tpu.memref_slice %arg2[%add3A_37] : memref<10000xi32, #tpu.memory_space<hbm>> -> memref<80xi32, #tpu.memory_space<hbm>>
        %dma_wait3A_50 = tpu.memref_slice %arg2[%add3A_37] : memref<10000xi32, #tpu.memory_space<hbm>> -> memref<80xi32, #tpu.memory_space<hbm>>
        tpu.wait_dma2 semaphore(%run_scoped3A : memref<!tpu.dma_semaphore, #tpu.memory_space<semaphore_mem>>) src(%dma_wait3A_50 : memref<80xi32, #tpu.memory_space<hbm>>) dst(%arg9 : memref<80xi32, #tpu.memory_space<vmem>>)
        tpu.yield
      }) : () -> ()
      %dma_start3A = arith.constant 0 : i32
      %dma_start3A_38 = arith.constant 0 : i32
      %dma_start3A_39 = tpu.memref_slice %arg4[%dma_start3A, %dma_start3A_38] : memref<10000x128xf32, #tpu.memory_space<hbm>> -> memref<10000x128xf32, #tpu.memory_space<hbm>>
      tpu.enqueue_indirect_dma source(%dma_start3A_39 : memref<10000x128xf32, #tpu.memory_space<hbm>>) target(%arg10 : memref<80x128xf32, #tpu.memory_space<vmem>>) offsets(%arg9 : memref<80xi32, #tpu.memory_space<vmem>>) semaphore(%arg11 : memref<!tpu.dma_semaphore, #tpu.memory_space<semaphore_mem>>)
      %dma_wait3A = arith.constant 0 : i32
      %dma_wait3A_40 = arith.constant 0 : i32
      %dma_wait3A_41 = tpu.memref_slice %arg4[%dma_wait3A, %dma_wait3A_40] : memref<10000x128xf32, #tpu.memory_space<hbm>> -> memref<10000x128xf32, #tpu.memory_space<hbm>>
      tpu.wait_indirect_dma semaphore(%arg11 : memref<!tpu.dma_semaphore, #tpu.memory_space<semaphore_mem>>) src(%dma_wait3A_41 : memref<10000x128xf32, #tpu.memory_space<hbm>>) dst(%arg10 : memref<80x128xf32, #tpu.memory_space<vmem>>)
      %mul3A_42 = arith.constant 320 : i32
      %mul3A_43 = arith.muli %add3A, %mul3A_42 : i32
      %mul3A_44 = arith.constant 80 : i32
      %mul3A_45 = arith.muli %while3A_32, %mul3A_44 : i32
      %add3A_46 = arith.addi %mul3A_43, %mul3A_45 : i32
      "tpu.region"() ({
        %run_scoped3A = tpu.sem_alloc : memref<!tpu.dma_semaphore, #tpu.memory_space<semaphore_mem>>
        %dma_start3A_47 = arith.constant 0 : i32
        %dma_start3A_48 = tpu.memref_slice %arg5[%add3A_46, %dma_start3A_47] : memref<10000x128xf32, #tpu.memory_space<hbm>> -> memref<80x128xf32, #tpu.memory_space<hbm>>
        %dma_start3A_49 = arith.constant 0 : i32
        %dma_start3A_50 = tpu.memref_slice %arg5[%add3A_46, %dma_start3A_49] : memref<10000x128xf32, #tpu.memory_space<hbm>> -> memref<80x128xf32, #tpu.memory_space<hbm>>
        tpu.enqueue_dma source(%arg10 : memref<80x128xf32, #tpu.memory_space<vmem>>) target(%dma_start3A_50 : memref<80x128xf32, #tpu.memory_space<hbm>>) target_semaphore(%run_scoped3A : memref<!tpu.dma_semaphore, #tpu.memory_space<semaphore_mem>>)
        %dma_wait3A_51 = arith.constant 0 : i32
        %dma_wait3A_52 = tpu.memref_slice %arg5[%add3A_46, %dma_wait3A_51] : memref<10000x128xf32, #tpu.memory_space<hbm>> -> memref<80x128xf32, #tpu.memory_space<hbm>>
        %dma_wait3A_53 = arith.constant 0 : i32
        %dma_wait3A_54 = tpu.memref_slice %arg5[%add3A_46, %dma_wait3A_53] : memref<10000x128xf32, #tpu.memory_space<hbm>> -> memref<80x128xf32, #tpu.memory_space<hbm>>
        tpu.wait_dma2 semaphore(%run_scoped3A : memref<!tpu.dma_semaphore, #tpu.memory_space<semaphore_mem>>) src(%arg10 : memref<80x128xf32, #tpu.memory_space<vmem>>) dst(%dma_wait3A_54 : memref<80x128xf32, #tpu.memory_space<hbm>>)
        tpu.yield
      }) : () -> ()
    }
    return
  }
}

#map = affine_map<(d0, d1) -> (0, 0)>
#map1 = affine_map<(d0, d1) -> (0)>
#map2 = affine_map<(d0, d1) -> (0, 0, 0)>
module attributes {stable_mosaic.version = 14 : i64} {
  func.func @_sc_segsum(%arg0: i32, %arg1: i32, %arg2: memref<10000x128xf32, #tpu.memory_space<hbm>>, %arg3: memref<320000xi32, #tpu.memory_space<hbm>>, %arg4: memref<32x128x80xi32, #tpu.memory_space<hbm>>, %arg5: memref<80x128xf32, #tpu.memory_space<hbm>>, %arg6: memref<2x10000x128xf32, #tpu.memory_space<hbm>>, %arg7: memref<10000x128xf32, #tpu.memory_space<vmem_shared>>, %arg8: memref<5120xi32, #tpu.memory_space<vmem>>, %arg9: memref<64x80xi32, #tpu.memory_space<vmem>>, %arg10: memref<80x128xf32, #tpu.memory_space<vmem>>, %arg11: memref<80x128xf32, #tpu.memory_space<vmem>>, %arg12: memref<80x128xf32, #tpu.memory_space<vmem>>, %arg13: memref<!tpu.dma_semaphore, #tpu.memory_space<semaphore_mem>>, %arg14: memref<!tpu.dma_semaphore, #tpu.memory_space<semaphore_mem>>, %arg15: memref<!tpu.dma_semaphore, #tpu.memory_space<semaphore_mem>>) attributes {dimension_semantics = [#tpu.dimension_semantics<core_parallel>, #tpu.dimension_semantics<subcore_parallel>], iteration_bounds = array<i64: 2, 16>, scalar_prefetch = 0 : i64, scratch_operands = 9 : i64, tpu.core_type = #tpu.core_type<sc_vector_subcore>, window_params = [{transform_indices = #map}, {transform_indices = #map1}, {transform_indices = #map2}, {transform_indices = #map}, {transform_indices = #map2}]} {
    %mul3A = arith.constant 16 : i32
    %mul3A_0 = arith.muli %arg0, %mul3A : i32
    %add3A = arith.addi %mul3A_0, %arg1 : i32
    %mul3A_1 = arith.constant 10000 : i32
    %mul3A_2 = arith.muli %add3A, %mul3A_1 : i32
    "tpu.region"() ({
      %run_scoped3A_147 = tpu.sem_alloc : memref<!tpu.dma_semaphore, #tpu.memory_space<semaphore_mem>>
      %dma_start3A_148 = tpu.memref_slice %arg3[%mul3A_2] : memref<320000xi32, #tpu.memory_space<hbm>> -> memref<5120xi32, #tpu.memory_space<hbm>>
      %dma_start3A_149 = tpu.memref_slice %arg3[%mul3A_2] : memref<320000xi32, #tpu.memory_space<hbm>> -> memref<5120xi32, #tpu.memory_space<hbm>>
      tpu.enqueue_dma source(%dma_start3A_149 : memref<5120xi32, #tpu.memory_space<hbm>>) target(%arg8 : memref<5120xi32, #tpu.memory_space<vmem>>) target_semaphore(%run_scoped3A_147 : memref<!tpu.dma_semaphore, #tpu.memory_space<semaphore_mem>>)
      %dma_wait3A_150 = tpu.memref_slice %arg3[%mul3A_2] : memref<320000xi32, #tpu.memory_space<hbm>> -> memref<5120xi32, #tpu.memory_space<hbm>>
      %dma_wait3A_151 = tpu.memref_slice %arg3[%mul3A_2] : memref<320000xi32, #tpu.memory_space<hbm>> -> memref<5120xi32, #tpu.memory_space<hbm>>
      tpu.wait_dma2 semaphore(%run_scoped3A_147 : memref<!tpu.dma_semaphore, #tpu.memory_space<semaphore_mem>>) src(%dma_wait3A_151 : memref<5120xi32, #tpu.memory_space<hbm>>) dst(%arg8 : memref<5120xi32, #tpu.memory_space<vmem>>)
      tpu.yield
    }) : () -> ()
    "tpu.region"() ({
      %run_scoped3A_147 = tpu.sem_alloc : memref<!tpu.dma_semaphore, #tpu.memory_space<semaphore_mem>>
      %dma_start3A_148 = arith.constant 0 : i32
      %dma_start3A_149 = arith.constant 0 : i32
      %dma_start3A_150 = tpu.memref_slice %arg4[%add3A, %dma_start3A_148, %dma_start3A_149] : memref<32x128x80xi32, #tpu.memory_space<hbm>> -> memref<1x64x80xi32, #tpu.memory_space<hbm>>
      %dma_start3A_151 = tpu.memref_squeeze %dma_start3A_150 : memref<1x64x80xi32, #tpu.memory_space<hbm>> -> memref<64x80xi32, #tpu.memory_space<hbm>>
      %dma_start3A_152 = arith.constant 0 : i32
      %dma_start3A_153 = arith.constant 0 : i32
      %dma_start3A_154 = tpu.memref_slice %arg4[%add3A, %dma_start3A_152, %dma_start3A_153] : memref<32x128x80xi32, #tpu.memory_space<hbm>> -> memref<1x64x80xi32, #tpu.memory_space<hbm>>
      %dma_start3A_155 = tpu.memref_squeeze %dma_start3A_154 : memref<1x64x80xi32, #tpu.memory_space<hbm>> -> memref<64x80xi32, #tpu.memory_space<hbm>>
      tpu.enqueue_dma source(%dma_start3A_155 : memref<64x80xi32, #tpu.memory_space<hbm>>) target(%arg9 : memref<64x80xi32, #tpu.memory_space<vmem>>) target_semaphore(%run_scoped3A_147 : memref<!tpu.dma_semaphore, #tpu.memory_space<semaphore_mem>>)
      %dma_wait3A_156 = arith.constant 0 : i32
      %dma_wait3A_157 = arith.constant 0 : i32
      %dma_wait3A_158 = tpu.memref_slice %arg4[%add3A, %dma_wait3A_156, %dma_wait3A_157] : memref<32x128x80xi32, #tpu.memory_space<hbm>> -> memref<1x64x80xi32, #tpu.memory_space<hbm>>
      %dma_wait3A_159 = tpu.memref_squeeze %dma_wait3A_158 : memref<1x64x80xi32, #tpu.memory_space<hbm>> -> memref<64x80xi32, #tpu.memory_space<hbm>>
      %dma_wait3A_160 = arith.constant 0 : i32
      %dma_wait3A_161 = arith.constant 0 : i32
      %dma_wait3A_162 = tpu.memref_slice %arg4[%add3A, %dma_wait3A_160, %dma_wait3A_161] : memref<32x128x80xi32, #tpu.memory_space<hbm>> -> memref<1x64x80xi32, #tpu.memory_space<hbm>>
      %dma_wait3A_163 = tpu.memref_squeeze %dma_wait3A_162 : memref<1x64x80xi32, #tpu.memory_space<hbm>> -> memref<64x80xi32, #tpu.memory_space<hbm>>
      tpu.wait_dma2 semaphore(%run_scoped3A_147 : memref<!tpu.dma_semaphore, #tpu.memory_space<semaphore_mem>>) src(%dma_wait3A_163 : memref<64x80xi32, #tpu.memory_space<hbm>>) dst(%arg9 : memref<64x80xi32, #tpu.memory_space<vmem>>)
      tpu.yield
    }) : () -> ()
    "tpu.region"() ({
      %run_scoped3A_147 = tpu.sem_alloc : memref<!tpu.dma_semaphore, #tpu.memory_space<semaphore_mem>>
      tpu.enqueue_dma source(%arg5 : memref<80x128xf32, #tpu.memory_space<hbm>>) target(%arg10 : memref<80x128xf32, #tpu.memory_space<vmem>>) target_semaphore(%run_scoped3A_147 : memref<!tpu.dma_semaphore, #tpu.memory_space<semaphore_mem>>)
      tpu.wait_dma2 semaphore(%run_scoped3A_147 : memref<!tpu.dma_semaphore, #tpu.memory_space<semaphore_mem>>) src(%arg5 : memref<80x128xf32, #tpu.memory_space<hbm>>) dst(%arg10 : memref<80x128xf32, #tpu.memory_space<vmem>>)
      tpu.yield
    }) : () -> ()
    %mul3A_3 = arith.constant 624 : i32
    %mul3A_4 = arith.muli %arg1, %mul3A_3 : i32
    %add3A_5 = arith.constant 0 : i32
    %add3A_6 = arith.addi %mul3A_4, %add3A_5 : i32
    "tpu.region"() ({
      %run_scoped3A_147 = tpu.sem_alloc : memref<!tpu.dma_semaphore, #tpu.memory_space<semaphore_mem>>
      %dma_start3A_148 = arith.constant 0 : i32
      %dma_start3A_149 = tpu.memref_slice %arg7[%add3A_6, %dma_start3A_148] : memref<10000x128xf32, #tpu.memory_space<vmem_shared>> -> memref<80x128xf32, #tpu.memory_space<vmem_shared>>
      %dma_start3A_150 = arith.constant 0 : i32
      %dma_start3A_151 = tpu.memref_slice %arg7[%add3A_6, %dma_start3A_150] : memref<10000x128xf32, #tpu.memory_space<vmem_shared>> -> memref<80x128xf32, #tpu.memory_space<vmem_shared>>
      tpu.enqueue_dma source(%arg10 : memref<80x128xf32, #tpu.memory_space<vmem>>) target(%dma_start3A_151 : memref<80x128xf32, #tpu.memory_space<vmem_shared>>) target_semaphore(%run_scoped3A_147 : memref<!tpu.dma_semaphore, #tpu.memory_space<semaphore_mem>>)
      %dma_wait3A_152 = arith.constant 0 : i32
      %dma_wait3A_153 = tpu.memref_slice %arg7[%add3A_6, %dma_wait3A_152] : memref<10000x128xf32, #tpu.memory_space<vmem_shared>> -> memref<80x128xf32, #tpu.memory_space<vmem_shared>>
      %dma_wait3A_154 = arith.constant 0 : i32
      %dma_wait3A_155 = tpu.memref_slice %arg7[%add3A_6, %dma_wait3A_154] : memref<10000x128xf32, #tpu.memory_space<vmem_shared>> -> memref<80x128xf32, #tpu.memory_space<vmem_shared>>
      tpu.wait_dma2 semaphore(%run_scoped3A_147 : memref<!tpu.dma_semaphore, #tpu.memory_space<semaphore_mem>>) src(%arg10 : memref<80x128xf32, #tpu.memory_space<vmem>>) dst(%dma_wait3A_155 : memref<80x128xf32, #tpu.memory_space<vmem_shared>>)
      tpu.yield
    }) : () -> ()
    %mul3A_7 = arith.constant 624 : i32
    %mul3A_8 = arith.muli %arg1, %mul3A_7 : i32
    %add3A_9 = arith.constant 80 : i32
    %add3A_10 = arith.addi %mul3A_8, %add3A_9 : i32
    "tpu.region"() ({
      %run_scoped3A_147 = tpu.sem_alloc : memref<!tpu.dma_semaphore, #tpu.memory_space<semaphore_mem>>
      %dma_start3A_148 = arith.constant 0 : i32
      %dma_start3A_149 = tpu.memref_slice %arg7[%add3A_10, %dma_start3A_148] : memref<10000x128xf32, #tpu.memory_space<vmem_shared>> -> memref<80x128xf32, #tpu.memory_space<vmem_shared>>
      %dma_start3A_150 = arith.constant 0 : i32
      %dma_start3A_151 = tpu.memref_slice %arg7[%add3A_10, %dma_start3A_150] : memref<10000x128xf32, #tpu.memory_space<vmem_shared>> -> memref<80x128xf32, #tpu.memory_space<vmem_shared>>
      tpu.enqueue_dma source(%arg10 : memref<80x128xf32, #tpu.memory_space<vmem>>) target(%dma_start3A_151 : memref<80x128xf32, #tpu.memory_space<vmem_shared>>) target_semaphore(%run_scoped3A_147 : memref<!tpu.dma_semaphore, #tpu.memory_space<semaphore_mem>>)
      %dma_wait3A_152 = arith.constant 0 : i32
      %dma_wait3A_153 = tpu.memref_slice %arg7[%add3A_10, %dma_wait3A_152] : memref<10000x128xf32, #tpu.memory_space<vmem_shared>> -> memref<80x128xf32, #tpu.memory_space<vmem_shared>>
      %dma_wait3A_154 = arith.constant 0 : i32
      %dma_wait3A_155 = tpu.memref_slice %arg7[%add3A_10, %dma_wait3A_154] : memref<10000x128xf32, #tpu.memory_space<vmem_shared>> -> memref<80x128xf32, #tpu.memory_space<vmem_shared>>
      tpu.wait_dma2 semaphore(%run_scoped3A_147 : memref<!tpu.dma_semaphore, #tpu.memory_space<semaphore_mem>>) src(%arg10 : memref<80x128xf32, #tpu.memory_space<vmem>>) dst(%dma_wait3A_155 : memref<80x128xf32, #tpu.memory_space<vmem_shared>>)
      tpu.yield
    }) : () -> ()
    %mul3A_11 = arith.constant 624 : i32
    %mul3A_12 = arith.muli %arg1, %mul3A_11 : i32
    %add3A_13 = arith.constant 160 : i32
    %add3A_14 = arith.addi %mul3A_12, %add3A_13 : i32
    "tpu.region"() ({
      %run_scoped3A_147 = tpu.sem_alloc : memref<!tpu.dma_semaphore, #tpu.memory_space<semaphore_mem>>
      %dma_start3A_148 = arith.constant 0 : i32
      %dma_start3A_149 = tpu.memref_slice %arg7[%add3A_14, %dma_start3A_148] : memref<10000x128xf32, #tpu.memory_space<vmem_shared>> -> memref<80x128xf32, #tpu.memory_space<vmem_shared>>
      %dma_start3A_150 = arith.constant 0 : i32
      %dma_start3A_151 = tpu.memref_slice %arg7[%add3A_14, %dma_start3A_150] : memref<10000x128xf32, #tpu.memory_space<vmem_shared>> -> memref<80x128xf32, #tpu.memory_space<vmem_shared>>
      tpu.enqueue_dma source(%arg10 : memref<80x128xf32, #tpu.memory_space<vmem>>) target(%dma_start3A_151 : memref<80x128xf32, #tpu.memory_space<vmem_shared>>) target_semaphore(%run_scoped3A_147 : memref<!tpu.dma_semaphore, #tpu.memory_space<semaphore_mem>>)
      %dma_wait3A_152 = arith.constant 0 : i32
      %dma_wait3A_153 = tpu.memref_slice %arg7[%add3A_14, %dma_wait3A_152] : memref<10000x128xf32, #tpu.memory_space<vmem_shared>> -> memref<80x128xf32, #tpu.memory_space<vmem_shared>>
      %dma_wait3A_154 = arith.constant 0 : i32
      %dma_wait3A_155 = tpu.memref_slice %arg7[%add3A_14, %dma_wait3A_154] : memref<10000x128xf32, #tpu.memory_space<vmem_shared>> -> memref<80x128xf32, #tpu.memory_space<vmem_shared>>
      tpu.wait_dma2 semaphore(%run_scoped3A_147 : memref<!tpu.dma_semaphore, #tpu.memory_space<semaphore_mem>>) src(%arg10 : memref<80x128xf32, #tpu.memory_space<vmem>>) dst(%dma_wait3A_155 : memref<80x128xf32, #tpu.memory_space<vmem_shared>>)
      tpu.yield
    }) : () -> ()
    %mul3A_15 = arith.constant 624 : i32
    %mul3A_16 = arith.muli %arg1, %mul3A_15 : i32
    %add3A_17 = arith.constant 240 : i32
    %add3A_18 = arith.addi %mul3A_16, %add3A_17 : i32
    "tpu.region"() ({
      %run_scoped3A_147 = tpu.sem_alloc : memref<!tpu.dma_semaphore, #tpu.memory_space<semaphore_mem>>
      %dma_start3A_148 = arith.constant 0 : i32
      %dma_start3A_149 = tpu.memref_slice %arg7[%add3A_18, %dma_start3A_148] : memref<10000x128xf32, #tpu.memory_space<vmem_shared>> -> memref<80x128xf32, #tpu.memory_space<vmem_shared>>
      %dma_start3A_150 = arith.constant 0 : i32
      %dma_start3A_151 = tpu.memref_slice %arg7[%add3A_18, %dma_start3A_150] : memref<10000x128xf32, #tpu.memory_space<vmem_shared>> -> memref<80x128xf32, #tpu.memory_space<vmem_shared>>
      tpu.enqueue_dma source(%arg10 : memref<80x128xf32, #tpu.memory_space<vmem>>) target(%dma_start3A_151 : memref<80x128xf32, #tpu.memory_space<vmem_shared>>) target_semaphore(%run_scoped3A_147 : memref<!tpu.dma_semaphore, #tpu.memory_space<semaphore_mem>>)
      %dma_wait3A_152 = arith.constant 0 : i32
      %dma_wait3A_153 = tpu.memref_slice %arg7[%add3A_18, %dma_wait3A_152] : memref<10000x128xf32, #tpu.memory_space<vmem_shared>> -> memref<80x128xf32, #tpu.memory_space<vmem_shared>>
      %dma_wait3A_154 = arith.constant 0 : i32
      %dma_wait3A_155 = tpu.memref_slice %arg7[%add3A_18, %dma_wait3A_154] : memref<10000x128xf32, #tpu.memory_space<vmem_shared>> -> memref<80x128xf32, #tpu.memory_space<vmem_shared>>
      tpu.wait_dma2 semaphore(%run_scoped3A_147 : memref<!tpu.dma_semaphore, #tpu.memory_space<semaphore_mem>>) src(%arg10 : memref<80x128xf32, #tpu.memory_space<vmem>>) dst(%dma_wait3A_155 : memref<80x128xf32, #tpu.memory_space<vmem_shared>>)
      tpu.yield
    }) : () -> ()
    %mul3A_19 = arith.constant 624 : i32
    %mul3A_20 = arith.muli %arg1, %mul3A_19 : i32
    %add3A_21 = arith.constant 320 : i32
    %add3A_22 = arith.addi %mul3A_20, %add3A_21 : i32
    "tpu.region"() ({
      %run_scoped3A_147 = tpu.sem_alloc : memref<!tpu.dma_semaphore, #tpu.memory_space<semaphore_mem>>
      %dma_start3A_148 = arith.constant 0 : i32
      %dma_start3A_149 = tpu.memref_slice %arg7[%add3A_22, %dma_start3A_148] : memref<10000x128xf32, #tpu.memory_space<vmem_shared>> -> memref<80x128xf32, #tpu.memory_space<vmem_shared>>
      %dma_start3A_150 = arith.constant 0 : i32
      %dma_start3A_151 = tpu.memref_slice %arg7[%add3A_22, %dma_start3A_150] : memref<10000x128xf32, #tpu.memory_space<vmem_shared>> -> memref<80x128xf32, #tpu.memory_space<vmem_shared>>
      tpu.enqueue_dma source(%arg10 : memref<80x128xf32, #tpu.memory_space<vmem>>) target(%dma_start3A_151 : memref<80x128xf32, #tpu.memory_space<vmem_shared>>) target_semaphore(%run_scoped3A_147 : memref<!tpu.dma_semaphore, #tpu.memory_space<semaphore_mem>>)
      %dma_wait3A_152 = arith.constant 0 : i32
      %dma_wait3A_153 = tpu.memref_slice %arg7[%add3A_22, %dma_wait3A_152] : memref<10000x128xf32, #tpu.memory_space<vmem_shared>> -> memref<80x128xf32, #tpu.memory_space<vmem_shared>>
      %dma_wait3A_154 = arith.constant 0 : i32
      %dma_wait3A_155 = tpu.memref_slice %arg7[%add3A_22, %dma_wait3A_154] : memref<10000x128xf32, #tpu.memory_space<vmem_shared>> -> memref<80x128xf32, #tpu.memory_space<vmem_shared>>
      tpu.wait_dma2 semaphore(%run_scoped3A_147 : memref<!tpu.dma_semaphore, #tpu.memory_space<semaphore_mem>>) src(%arg10 : memref<80x128xf32, #tpu.memory_space<vmem>>) dst(%dma_wait3A_155 : memref<80x128xf32, #tpu.memory_space<vmem_shared>>)
      tpu.yield
    }) : () -> ()
    %mul3A_23 = arith.constant 624 : i32
    %mul3A_24 = arith.muli %arg1, %mul3A_23 : i32
    %add3A_25 = arith.constant 400 : i32
    %add3A_26 = arith.addi %mul3A_24, %add3A_25 : i32
    "tpu.region"() ({
      %run_scoped3A_147 = tpu.sem_alloc : memref<!tpu.dma_semaphore, #tpu.memory_space<semaphore_mem>>
      %dma_start3A_148 = arith.constant 0 : i32
      %dma_start3A_149 = tpu.memref_slice %arg7[%add3A_26, %dma_start3A_148] : memref<10000x128xf32, #tpu.memory_space<vmem_shared>> -> memref<80x128xf32, #tpu.memory_space<vmem_shared>>
      %dma_start3A_150 = arith.constant 0 : i32
      %dma_start3A_151 = tpu.memref_slice %arg7[%add3A_26, %dma_start3A_150] : memref<10000x128xf32, #tpu.memory_space<vmem_shared>> -> memref<80x128xf32, #tpu.memory_space<vmem_shared>>
      tpu.enqueue_dma source(%arg10 : memref<80x128xf32, #tpu.memory_space<vmem>>) target(%dma_start3A_151 : memref<80x128xf32, #tpu.memory_space<vmem_shared>>) target_semaphore(%run_scoped3A_147 : memref<!tpu.dma_semaphore, #tpu.memory_space<semaphore_mem>>)
      %dma_wait3A_152 = arith.constant 0 : i32
      %dma_wait3A_153 = tpu.memref_slice %arg7[%add3A_26, %dma_wait3A_152] : memref<10000x128xf32, #tpu.memory_space<vmem_shared>> -> memref<80x128xf32, #tpu.memory_space<vmem_shared>>
      %dma_wait3A_154 = arith.constant 0 : i32
      %dma_wait3A_155 = tpu.memref_slice %arg7[%add3A_26, %dma_wait3A_154] : memref<10000x128xf32, #tpu.memory_space<vmem_shared>> -> memref<80x128xf32, #tpu.memory_space<vmem_shared>>
      tpu.wait_dma2 semaphore(%run_scoped3A_147 : memref<!tpu.dma_semaphore, #tpu.memory_space<semaphore_mem>>) src(%arg10 : memref<80x128xf32, #tpu.memory_space<vmem>>) dst(%dma_wait3A_155 : memref<80x128xf32, #tpu.memory_space<vmem_shared>>)
      tpu.yield
    }) : () -> ()
    %mul3A_27 = arith.constant 624 : i32
    %mul3A_28 = arith.muli %arg1, %mul3A_27 : i32
    %add3A_29 = arith.constant 480 : i32
    %add3A_30 = arith.addi %mul3A_28, %add3A_29 : i32
    "tpu.region"() ({
      %run_scoped3A_147 = tpu.sem_alloc : memref<!tpu.dma_semaphore, #tpu.memory_space<semaphore_mem>>
      %dma_start3A_148 = arith.constant 0 : i32
      %dma_start3A_149 = tpu.memref_slice %arg7[%add3A_30, %dma_start3A_148] : memref<10000x128xf32, #tpu.memory_space<vmem_shared>> -> memref<80x128xf32, #tpu.memory_space<vmem_shared>>
      %dma_start3A_150 = arith.constant 0 : i32
      %dma_start3A_151 = tpu.memref_slice %arg7[%add3A_30, %dma_start3A_150] : memref<10000x128xf32, #tpu.memory_space<vmem_shared>> -> memref<80x128xf32, #tpu.memory_space<vmem_shared>>
      tpu.enqueue_dma source(%arg10 : memref<80x128xf32, #tpu.memory_space<vmem>>) target(%dma_start3A_151 : memref<80x128xf32, #tpu.memory_space<vmem_shared>>) target_semaphore(%run_scoped3A_147 : memref<!tpu.dma_semaphore, #tpu.memory_space<semaphore_mem>>)
      %dma_wait3A_152 = arith.constant 0 : i32
      %dma_wait3A_153 = tpu.memref_slice %arg7[%add3A_30, %dma_wait3A_152] : memref<10000x128xf32, #tpu.memory_space<vmem_shared>> -> memref<80x128xf32, #tpu.memory_space<vmem_shared>>
      %dma_wait3A_154 = arith.constant 0 : i32
      %dma_wait3A_155 = tpu.memref_slice %arg7[%add3A_30, %dma_wait3A_154] : memref<10000x128xf32, #tpu.memory_space<vmem_shared>> -> memref<80x128xf32, #tpu.memory_space<vmem_shared>>
      tpu.wait_dma2 semaphore(%run_scoped3A_147 : memref<!tpu.dma_semaphore, #tpu.memory_space<semaphore_mem>>) src(%arg10 : memref<80x128xf32, #tpu.memory_space<vmem>>) dst(%dma_wait3A_155 : memref<80x128xf32, #tpu.memory_space<vmem_shared>>)
      tpu.yield
    }) : () -> ()
    %mul3A_31 = arith.constant 624 : i32
    %mul3A_32 = arith.muli %arg1, %mul3A_31 : i32
    %add3A_33 = arith.constant 560 : i32
    %add3A_34 = arith.addi %mul3A_32, %add3A_33 : i32
    "tpu.region"() ({
      %run_scoped3A_147 = tpu.sem_alloc : memref<!tpu.dma_semaphore, #tpu.memory_space<semaphore_mem>>
      %dma_start3A_148 = arith.constant 0 : i32
      %dma_start3A_149 = arith.constant 0 : i32
      %dma_start3A_150 = tpu.memref_slice %arg10[%dma_start3A_148, %dma_start3A_149] : memref<80x128xf32, #tpu.memory_space<vmem>> -> memref<64x128xf32, #tpu.memory_space<vmem>>
      %dma_start3A_151 = arith.constant 0 : i32
      %dma_start3A_152 = tpu.memref_slice %arg7[%add3A_34, %dma_start3A_151] : memref<10000x128xf32, #tpu.memory_space<vmem_shared>> -> memref<64x128xf32, #tpu.memory_space<vmem_shared>>
      %dma_start3A_153 = arith.constant 0 : i32
      %dma_start3A_154 = tpu.memref_slice %arg7[%add3A_34, %dma_start3A_153] : memref<10000x128xf32, #tpu.memory_space<vmem_shared>> -> memref<64x128xf32, #tpu.memory_space<vmem_shared>>
      %dma_start3A_155 = arith.constant 0 : i32
      %dma_start3A_156 = arith.constant 0 : i32
      %dma_start3A_157 = tpu.memref_slice %arg10[%dma_start3A_155, %dma_start3A_156] : memref<80x128xf32, #tpu.memory_space<vmem>> -> memref<64x128xf32, #tpu.memory_space<vmem>>
      tpu.enqueue_dma source(%dma_start3A_157 : memref<64x128xf32, #tpu.memory_space<vmem>>) target(%dma_start3A_154 : memref<64x128xf32, #tpu.memory_space<vmem_shared>>) target_semaphore(%run_scoped3A_147 : memref<!tpu.dma_semaphore, #tpu.memory_space<semaphore_mem>>)
      %dma_wait3A_158 = arith.constant 0 : i32
      %dma_wait3A_159 = arith.constant 0 : i32
      %dma_wait3A_160 = tpu.memref_slice %arg10[%dma_wait3A_158, %dma_wait3A_159] : memref<80x128xf32, #tpu.memory_space<vmem>> -> memref<64x128xf32, #tpu.memory_space<vmem>>
      %dma_wait3A_161 = arith.constant 0 : i32
      %dma_wait3A_162 = tpu.memref_slice %arg7[%add3A_34, %dma_wait3A_161] : memref<10000x128xf32, #tpu.memory_space<vmem_shared>> -> memref<64x128xf32, #tpu.memory_space<vmem_shared>>
      %dma_wait3A_163 = arith.constant 0 : i32
      %dma_wait3A_164 = tpu.memref_slice %arg7[%add3A_34, %dma_wait3A_163] : memref<10000x128xf32, #tpu.memory_space<vmem_shared>> -> memref<64x128xf32, #tpu.memory_space<vmem_shared>>
      %dma_wait3A_165 = arith.constant 0 : i32
      %dma_wait3A_166 = arith.constant 0 : i32
      %dma_wait3A_167 = tpu.memref_slice %arg10[%dma_wait3A_165, %dma_wait3A_166] : memref<80x128xf32, #tpu.memory_space<vmem>> -> memref<64x128xf32, #tpu.memory_space<vmem>>
      tpu.wait_dma2 semaphore(%run_scoped3A_147 : memref<!tpu.dma_semaphore, #tpu.memory_space<semaphore_mem>>) src(%dma_wait3A_167 : memref<64x128xf32, #tpu.memory_space<vmem>>) dst(%dma_wait3A_164 : memref<64x128xf32, #tpu.memory_space<vmem_shared>>)
      tpu.yield
    }) : () -> ()
    %eq3A = arith.constant 15 : i32
    %eq3A_35 = arith.cmpi eq, %arg1, %eq3A : i32
    %convert_element_type3A = arith.extui %eq3A_35 : i1 to i32
    %cond3A = arith.constant 0 : i32
    %cond3A_36 = arith.cmpi ne, %convert_element_type3A, %cond3A : i32
    scf.if %cond3A_36 {
      "tpu.region"() ({
        %run_scoped3A_147 = tpu.sem_alloc : memref<!tpu.dma_semaphore, #tpu.memory_space<semaphore_mem>>
        %dma_start3A_148 = arith.constant 0 : i32
        %dma_start3A_149 = arith.constant 0 : i32
        %dma_start3A_150 = tpu.memref_slice %arg10[%dma_start3A_148, %dma_start3A_149] : memref<80x128xf32, #tpu.memory_space<vmem>> -> memref<16x128xf32, #tpu.memory_space<vmem>>
        %dma_start3A_151 = arith.constant 9984 : i32
        %dma_start3A_152 = arith.constant 0 : i32
        %dma_start3A_153 = tpu.memref_slice %arg7[%dma_start3A_151, %dma_start3A_152] : memref<10000x128xf32, #tpu.memory_space<vmem_shared>> -> memref<16x128xf32, #tpu.memory_space<vmem_shared>>
        %dma_start3A_154 = arith.constant 9984 : i32
        %dma_start3A_155 = arith.constant 0 : i32
        %dma_start3A_156 = tpu.memref_slice %arg7[%dma_start3A_154, %dma_start3A_155] : memref<10000x128xf32, #tpu.memory_space<vmem_shared>> -> memref<16x128xf32, #tpu.memory_space<vmem_shared>>
        %dma_start3A_157 = arith.constant 0 : i32
        %dma_start3A_158 = arith.constant 0 : i32
        %dma_start3A_159 = tpu.memref_slice %arg10[%dma_start3A_157, %dma_start3A_158] : memref<80x128xf32, #tpu.memory_space<vmem>> -> memref<16x128xf32, #tpu.memory_space<vmem>>
        tpu.enqueue_dma source(%dma_start3A_159 : memref<16x128xf32, #tpu.memory_space<vmem>>) target(%dma_start3A_156 : memref<16x128xf32, #tpu.memory_space<vmem_shared>>) target_semaphore(%run_scoped3A_147 : memref<!tpu.dma_semaphore, #tpu.memory_space<semaphore_mem>>)
        %dma_wait3A_160 = arith.constant 0 : i32
        %dma_wait3A_161 = arith.constant 0 : i32
        %dma_wait3A_162 = tpu.memref_slice %arg10[%dma_wait3A_160, %dma_wait3A_161] : memref<80x128xf32, #tpu.memory_space<vmem>> -> memref<16x128xf32, #tpu.memory_space<vmem>>
        %dma_wait3A_163 = arith.constant 9984 : i32
        %dma_wait3A_164 = arith.constant 0 : i32
        %dma_wait3A_165 = tpu.memref_slice %arg7[%dma_wait3A_163, %dma_wait3A_164] : memref<10000x128xf32, #tpu.memory_space<vmem_shared>> -> memref<16x128xf32, #tpu.memory_space<vmem_shared>>
        %dma_wait3A_166 = arith.constant 9984 : i32
        %dma_wait3A_167 = arith.constant 0 : i32
        %dma_wait3A_168 = tpu.memref_slice %arg7[%dma_wait3A_166, %dma_wait3A_167] : memref<10000x128xf32, #tpu.memory_space<vmem_shared>> -> memref<16x128xf32, #tpu.memory_space<vmem_shared>>
        %dma_wait3A_169 = arith.constant 0 : i32
        %dma_wait3A_170 = arith.constant 0 : i32
        %dma_wait3A_171 = tpu.memref_slice %arg10[%dma_wait3A_169, %dma_wait3A_170] : memref<80x128xf32, #tpu.memory_space<vmem>> -> memref<16x128xf32, #tpu.memory_space<vmem>>
        tpu.wait_dma2 semaphore(%run_scoped3A_147 : memref<!tpu.dma_semaphore, #tpu.memory_space<semaphore_mem>>) src(%dma_wait3A_171 : memref<16x128xf32, #tpu.memory_space<vmem>>) dst(%dma_wait3A_168 : memref<16x128xf32, #tpu.memory_space<vmem_shared>>)
        tpu.yield
      }) : () -> ()
    } else {
    }
    %barrier3A = arith.constant 0 : index
    tpu.barrier barrier_id(%barrier3A)
    %dma_start3A = arith.constant 0 : i32
    %dma_start3A_37 = tpu.memref_slice %arg8[%dma_start3A] : memref<5120xi32, #tpu.memory_space<vmem>> -> memref<80xi32, #tpu.memory_space<vmem>>
    %dma_start3A_38 = arith.constant 0 : i32
    %dma_start3A_39 = arith.constant 0 : i32
    %dma_start3A_40 = tpu.memref_slice %arg2[%dma_start3A_38, %dma_start3A_39] : memref<10000x128xf32, #tpu.memory_space<hbm>> -> memref<10000x128xf32, #tpu.memory_space<hbm>>
    tpu.enqueue_indirect_dma source(%dma_start3A_40 : memref<10000x128xf32, #tpu.memory_space<hbm>>) target(%arg10 : memref<80x128xf32, #tpu.memory_space<vmem>>) offsets(%dma_start3A_37 : memref<80xi32, #tpu.memory_space<vmem>>) semaphore(%arg13 : memref<!tpu.dma_semaphore, #tpu.memory_space<semaphore_mem>>)
    %dma_start3A_41 = arith.constant 80 : i32
    %dma_start3A_42 = tpu.memref_slice %arg8[%dma_start3A_41] : memref<5120xi32, #tpu.memory_space<vmem>> -> memref<80xi32, #tpu.memory_space<vmem>>
    %dma_start3A_43 = arith.constant 0 : i32
    %dma_start3A_44 = arith.constant 0 : i32
    %dma_start3A_45 = tpu.memref_slice %arg2[%dma_start3A_43, %dma_start3A_44] : memref<10000x128xf32, #tpu.memory_space<hbm>> -> memref<10000x128xf32, #tpu.memory_space<hbm>>
    tpu.enqueue_indirect_dma source(%dma_start3A_45 : memref<10000x128xf32, #tpu.memory_space<hbm>>) target(%arg11 : memref<80x128xf32, #tpu.memory_space<vmem>>) offsets(%dma_start3A_42 : memref<80xi32, #tpu.memory_space<vmem>>) semaphore(%arg14 : memref<!tpu.dma_semaphore, #tpu.memory_space<semaphore_mem>>)
    %dma_start3A_46 = arith.constant 160 : i32
    %dma_start3A_47 = tpu.memref_slice %arg8[%dma_start3A_46] : memref<5120xi32, #tpu.memory_space<vmem>> -> memref<80xi32, #tpu.memory_space<vmem>>
    %dma_start3A_48 = arith.constant 0 : i32
    %dma_start3A_49 = arith.constant 0 : i32
    %dma_start3A_50 = tpu.memref_slice %arg2[%dma_start3A_48, %dma_start3A_49] : memref<10000x128xf32, #tpu.memory_space<hbm>> -> memref<10000x128xf32, #tpu.memory_space<hbm>>
    tpu.enqueue_indirect_dma source(%dma_start3A_50 : memref<10000x128xf32, #tpu.memory_space<hbm>>) target(%arg12 : memref<80x128xf32, #tpu.memory_space<vmem>>) offsets(%dma_start3A_47 : memref<80xi32, #tpu.memory_space<vmem>>) semaphore(%arg15 : memref<!tpu.dma_semaphore, #tpu.memory_space<semaphore_mem>>)
    %scan3A = arith.constant 0 : i32
    %scan3A_51 = arith.constant 0 : i32
    %scan3A_52 = arith.constant 20 : i32
    %scan3A_53 = arith.addi %scan3A_51, %scan3A_52 : i32
    %scan3A_54 = arith.constant 1 : i32
    scf.for %scan3A_147 = %scan3A_51 to %scan3A_53 step %scan3A_54  : i32 {
      %mul3A_148 = arith.constant 3 : i32
      %mul3A_149 = arith.muli %scan3A_147, %mul3A_148 : i32
      %add3A_150 = arith.constant 0 : i32
      %add3A_151 = arith.addi %mul3A_149, %add3A_150 : i32
      %mul3A_152 = arith.constant 80 : i32
      %mul3A_153 = arith.muli %add3A_151, %mul3A_152 : i32
      %dma_wait3A_154 = tpu.memref_slice %arg8[%mul3A_153] : memref<5120xi32, #tpu.memory_space<vmem>> -> memref<80xi32, #tpu.memory_space<vmem>>
      %dma_wait3A_155 = arith.constant 0 : i32
      %dma_wait3A_156 = arith.constant 0 : i32
      %dma_wait3A_157 = tpu.memref_slice %arg2[%dma_wait3A_155, %dma_wait3A_156] : memref<10000x128xf32, #tpu.memory_space<hbm>> -> memref<10000x128xf32, #tpu.memory_space<hbm>>
      tpu.wait_indirect_dma semaphore(%arg13 : memref<!tpu.dma_semaphore, #tpu.memory_space<semaphore_mem>>) src(%dma_wait3A_157 : memref<10000x128xf32, #tpu.memory_space<hbm>>) dst(%arg10 : memref<80x128xf32, #tpu.memory_space<vmem>>)
      "tpu.region"() ({
        %run_scoped3A_202 = tpu.sem_alloc : memref<!tpu.dma_semaphore, #tpu.memory_space<semaphore_mem>>
        %dma_start3A_203 = arith.constant 0 : i32
        %dma_start3A_204 = tpu.memref_slice %arg9[%add3A_151, %dma_start3A_203] : memref<64x80xi32, #tpu.memory_space<vmem>> -> memref<1x80xi32, #tpu.memory_space<vmem>>
        %dma_start3A_205 = tpu.memref_squeeze %dma_start3A_204 : memref<1x80xi32, #tpu.memory_space<vmem>> -> memref<80xi32, #tpu.memory_space<vmem>>
        %dma_start3A_206 = arith.constant 0 : i32
        %dma_start3A_207 = arith.constant 0 : i32
        %dma_start3A_208 = tpu.memref_slice %arg7[%dma_start3A_206, %dma_start3A_207] : memref<10000x128xf32, #tpu.memory_space<vmem_shared>> -> memref<10000x128xf32, #tpu.memory_space<vmem_shared>>
        tpu.enqueue_indirect_dma source(%arg10 : memref<80x128xf32, #tpu.memory_space<vmem>>) target(%dma_start3A_208 : memref<10000x128xf32, #tpu.memory_space<vmem_shared>>) offsets(%dma_start3A_205 : memref<80xi32, #tpu.memory_space<vmem>>) semaphore(%run_scoped3A_202 : memref<!tpu.dma_semaphore, #tpu.memory_space<semaphore_mem>>) {add = true}
        %dma_wait3A_209 = arith.constant 0 : i32
        %dma_wait3A_210 = tpu.memref_slice %arg9[%add3A_151, %dma_wait3A_209] : memref<64x80xi32, #tpu.memory_space<vmem>> -> memref<1x80xi32, #tpu.memory_space<vmem>>
        %dma_wait3A_211 = tpu.memref_squeeze %dma_wait3A_210 : memref<1x80xi32, #tpu.memory_space<vmem>> -> memref<80xi32, #tpu.memory_space<vmem>>
        %dma_wait3A_212 = arith.constant 0 : i32
        %dma_wait3A_213 = arith.constant 0 : i32
        %dma_wait3A_214 = tpu.memref_slice %arg7[%dma_wait3A_212, %dma_wait3A_213] : memref<10000x128xf32, #tpu.memory_space<vmem_shared>> -> memref<10000x128xf32, #tpu.memory_space<vmem_shared>>
        tpu.wait_indirect_dma semaphore(%run_scoped3A_202 : memref<!tpu.dma_semaphore, #tpu.memory_space<semaphore_mem>>) src(%arg10 : memref<80x128xf32, #tpu.memory_space<vmem>>) dst(%dma_wait3A_214 : memref<10000x128xf32, #tpu.memory_space<vmem_shared>>)
        tpu.yield
      }) : () -> ()
      %add3A_158 = arith.constant 3 : i32
      %add3A_159 = arith.addi %add3A_151, %add3A_158 : i32
      %mul3A_160 = arith.constant 80 : i32
      %mul3A_161 = arith.muli %add3A_159, %mul3A_160 : i32
      %dma_start3A_162 = tpu.memref_slice %arg8[%mul3A_161] : memref<5120xi32, #tpu.memory_space<vmem>> -> memref<80xi32, #tpu.memory_space<vmem>>
      %dma_start3A_163 = arith.constant 0 : i32
      %dma_start3A_164 = arith.constant 0 : i32
      %dma_start3A_165 = tpu.memref_slice %arg2[%dma_start3A_163, %dma_start3A_164] : memref<10000x128xf32, #tpu.memory_space<hbm>> -> memref<10000x128xf32, #tpu.memory_space<hbm>>
      tpu.enqueue_indirect_dma source(%dma_start3A_165 : memref<10000x128xf32, #tpu.memory_space<hbm>>) target(%arg10 : memref<80x128xf32, #tpu.memory_space<vmem>>) offsets(%dma_start3A_162 : memref<80xi32, #tpu.memory_space<vmem>>) semaphore(%arg13 : memref<!tpu.dma_semaphore, #tpu.memory_space<semaphore_mem>>)
      %mul3A_166 = arith.constant 3 : i32
      %mul3A_167 = arith.muli %scan3A_147, %mul3A_166 : i32
      %add3A_168 = arith.constant 1 : i32
      %add3A_169 = arith.addi %mul3A_167, %add3A_168 : i32
      %mul3A_170 = arith.constant 80 : i32
      %mul3A_171 = arith.muli %add3A_169, %mul3A_170 : i32
      %dma_wait3A_172 = tpu.memref_slice %arg8[%mul3A_171] : memref<5120xi32, #tpu.memory_space<vmem>> -> memref<80xi32, #tpu.memory_space<vmem>>
      %dma_wait3A_173 = arith.constant 0 : i32
      %dma_wait3A_174 = arith.constant 0 : i32
      %dma_wait3A_175 = tpu.memref_slice %arg2[%dma_wait3A_173, %dma_wait3A_174] : memref<10000x128xf32, #tpu.memory_space<hbm>> -> memref<10000x128xf32, #tpu.memory_space<hbm>>
      tpu.wait_indirect_dma semaphore(%arg14 : memref<!tpu.dma_semaphore, #tpu.memory_space<semaphore_mem>>) src(%dma_wait3A_175 : memref<10000x128xf32, #tpu.memory_space<hbm>>) dst(%arg11 : memref<80x128xf32, #tpu.memory_space<vmem>>)
      "tpu.region"() ({
        %run_scoped3A_202 = tpu.sem_alloc : memref<!tpu.dma_semaphore, #tpu.memory_space<semaphore_mem>>
        %dma_start3A_203 = arith.constant 0 : i32
        %dma_start3A_204 = tpu.memref_slice %arg9[%add3A_169, %dma_start3A_203] : memref<64x80xi32, #tpu.memory_space<vmem>> -> memref<1x80xi32, #tpu.memory_space<vmem>>
        %dma_start3A_205 = tpu.memref_squeeze %dma_start3A_204 : memref<1x80xi32, #tpu.memory_space<vmem>> -> memref<80xi32, #tpu.memory_space<vmem>>
        %dma_start3A_206 = arith.constant 0 : i32
        %dma_start3A_207 = arith.constant 0 : i32
        %dma_start3A_208 = tpu.memref_slice %arg7[%dma_start3A_206, %dma_start3A_207] : memref<10000x128xf32, #tpu.memory_space<vmem_shared>> -> memref<10000x128xf32, #tpu.memory_space<vmem_shared>>
        tpu.enqueue_indirect_dma source(%arg11 : memref<80x128xf32, #tpu.memory_space<vmem>>) target(%dma_start3A_208 : memref<10000x128xf32, #tpu.memory_space<vmem_shared>>) offsets(%dma_start3A_205 : memref<80xi32, #tpu.memory_space<vmem>>) semaphore(%run_scoped3A_202 : memref<!tpu.dma_semaphore, #tpu.memory_space<semaphore_mem>>) {add = true}
        %dma_wait3A_209 = arith.constant 0 : i32
        %dma_wait3A_210 = tpu.memref_slice %arg9[%add3A_169, %dma_wait3A_209] : memref<64x80xi32, #tpu.memory_space<vmem>> -> memref<1x80xi32, #tpu.memory_space<vmem>>
        %dma_wait3A_211 = tpu.memref_squeeze %dma_wait3A_210 : memref<1x80xi32, #tpu.memory_space<vmem>> -> memref<80xi32, #tpu.memory_space<vmem>>
        %dma_wait3A_212 = arith.constant 0 : i32
        %dma_wait3A_213 = arith.constant 0 : i32
        %dma_wait3A_214 = tpu.memref_slice %arg7[%dma_wait3A_212, %dma_wait3A_213] : memref<10000x128xf32, #tpu.memory_space<vmem_shared>> -> memref<10000x128xf32, #tpu.memory_space<vmem_shared>>
        tpu.wait_indirect_dma semaphore(%run_scoped3A_202 : memref<!tpu.dma_semaphore, #tpu.memory_space<semaphore_mem>>) src(%arg11 : memref<80x128xf32, #tpu.memory_space<vmem>>) dst(%dma_wait3A_214 : memref<10000x128xf32, #tpu.memory_space<vmem_shared>>)
        tpu.yield
      }) : () -> ()
      %add3A_176 = arith.constant 3 : i32
      %add3A_177 = arith.addi %add3A_169, %add3A_176 : i32
      %mul3A_178 = arith.constant 80 : i32
      %mul3A_179 = arith.muli %add3A_177, %mul3A_178 : i32
      %dma_start3A_180 = tpu.memref_slice %arg8[%mul3A_179] : memref<5120xi32, #tpu.memory_space<vmem>> -> memref<80xi32, #tpu.memory_space<vmem>>
      %dma_start3A_181 = arith.constant 0 : i32
      %dma_start3A_182 = arith.constant 0 : i32
      %dma_start3A_183 = tpu.memref_slice %arg2[%dma_start3A_181, %dma_start3A_182] : memref<10000x128xf32, #tpu.memory_space<hbm>> -> memref<10000x128xf32, #tpu.memory_space<hbm>>
      tpu.enqueue_indirect_dma source(%dma_start3A_183 : memref<10000x128xf32, #tpu.memory_space<hbm>>) target(%arg11 : memref<80x128xf32, #tpu.memory_space<vmem>>) offsets(%dma_start3A_180 : memref<80xi32, #tpu.memory_space<vmem>>) semaphore(%arg14 : memref<!tpu.dma_semaphore, #tpu.memory_space<semaphore_mem>>)
      %mul3A_184 = arith.constant 3 : i32
      %mul3A_185 = arith.muli %scan3A_147, %mul3A_184 : i32
      %add3A_186 = arith.constant 2 : i32
      %add3A_187 = arith.addi %mul3A_185, %add3A_186 : i32
      %mul3A_188 = arith.constant 80 : i32
      %mul3A_189 = arith.muli %add3A_187, %mul3A_188 : i32
      %dma_wait3A_190 = tpu.memref_slice %arg8[%mul3A_189] : memref<5120xi32, #tpu.memory_space<vmem>> -> memref<80xi32, #tpu.memory_space<vmem>>
      %dma_wait3A_191 = arith.constant 0 : i32
      %dma_wait3A_192 = arith.constant 0 : i32
      %dma_wait3A_193 = tpu.memref_slice %arg2[%dma_wait3A_191, %dma_wait3A_192] : memref<10000x128xf32, #tpu.memory_space<hbm>> -> memref<10000x128xf32, #tpu.memory_space<hbm>>
      tpu.wait_indirect_dma semaphore(%arg15 : memref<!tpu.dma_semaphore, #tpu.memory_space<semaphore_mem>>) src(%dma_wait3A_193 : memref<10000x128xf32, #tpu.memory_space<hbm>>) dst(%arg12 : memref<80x128xf32, #tpu.memory_space<vmem>>)
      "tpu.region"() ({
        %run_scoped3A_202 = tpu.sem_alloc : memref<!tpu.dma_semaphore, #tpu.memory_space<semaphore_mem>>
        %dma_start3A_203 = arith.constant 0 : i32
        %dma_start3A_204 = tpu.memref_slice %arg9[%add3A_187, %dma_start3A_203] : memref<64x80xi32, #tpu.memory_space<vmem>> -> memref<1x80xi32, #tpu.memory_space<vmem>>
        %dma_start3A_205 = tpu.memref_squeeze %dma_start3A_204 : memref<1x80xi32, #tpu.memory_space<vmem>> -> memref<80xi32, #tpu.memory_space<vmem>>
        %dma_start3A_206 = arith.constant 0 : i32
        %dma_start3A_207 = arith.constant 0 : i32
        %dma_start3A_208 = tpu.memref_slice %arg7[%dma_start3A_206, %dma_start3A_207] : memref<10000x128xf32, #tpu.memory_space<vmem_shared>> -> memref<10000x128xf32, #tpu.memory_space<vmem_shared>>
        tpu.enqueue_indirect_dma source(%arg12 : memref<80x128xf32, #tpu.memory_space<vmem>>) target(%dma_start3A_208 : memref<10000x128xf32, #tpu.memory_space<vmem_shared>>) offsets(%dma_start3A_205 : memref<80xi32, #tpu.memory_space<vmem>>) semaphore(%run_scoped3A_202 : memref<!tpu.dma_semaphore, #tpu.memory_space<semaphore_mem>>) {add = true}
        %dma_wait3A_209 = arith.constant 0 : i32
        %dma_wait3A_210 = tpu.memref_slice %arg9[%add3A_187, %dma_wait3A_209] : memref<64x80xi32, #tpu.memory_space<vmem>> -> memref<1x80xi32, #tpu.memory_space<vmem>>
        %dma_wait3A_211 = tpu.memref_squeeze %dma_wait3A_210 : memref<1x80xi32, #tpu.memory_space<vmem>> -> memref<80xi32, #tpu.memory_space<vmem>>
        %dma_wait3A_212 = arith.constant 0 : i32
        %dma_wait3A_213 = arith.constant 0 : i32
        %dma_wait3A_214 = tpu.memref_slice %arg7[%dma_wait3A_212, %dma_wait3A_213] : memref<10000x128xf32, #tpu.memory_space<vmem_shared>> -> memref<10000x128xf32, #tpu.memory_space<vmem_shared>>
        tpu.wait_indirect_dma semaphore(%run_scoped3A_202 : memref<!tpu.dma_semaphore, #tpu.memory_space<semaphore_mem>>) src(%arg12 : memref<80x128xf32, #tpu.memory_space<vmem>>) dst(%dma_wait3A_214 : memref<10000x128xf32, #tpu.memory_space<vmem_shared>>)
        tpu.yield
      }) : () -> ()
      %add3A_194 = arith.constant 3 : i32
      %add3A_195 = arith.addi %add3A_187, %add3A_194 : i32
      %mul3A_196 = arith.constant 80 : i32
      %mul3A_197 = arith.muli %add3A_195, %mul3A_196 : i32
      %dma_start3A_198 = tpu.memref_slice %arg8[%mul3A_197] : memref<5120xi32, #tpu.memory_space<vmem>> -> memref<80xi32, #tpu.memory_space<vmem>>
      %dma_start3A_199 = arith.constant 0 : i32
      %dma_start3A_200 = arith.constant 0 : i32
      %dma_start3A_201 = tpu.memref_slice %arg2[%dma_start3A_199, %dma_start3A_200] : memref<10000x128xf32, #tpu.memory_space<hbm>> -> memref<10000x128xf32, #tpu.memory_space<hbm>>
      tpu.enqueue_indirect_dma source(%dma_start3A_201 : memref<10000x128xf32, #tpu.memory_space<hbm>>) target(%arg12 : memref<80x128xf32, #tpu.memory_space<vmem>>) offsets(%dma_start3A_198 : memref<80xi32, #tpu.memory_space<vmem>>) semaphore(%arg15 : memref<!tpu.dma_semaphore, #tpu.memory_space<semaphore_mem>>)
    }
    %scan3A_55 = arith.constant 20 : i32
    %dma_wait3A = arith.constant 4800 : i32
    %dma_wait3A_56 = tpu.memref_slice %arg8[%dma_wait3A] : memref<5120xi32, #tpu.memory_space<vmem>> -> memref<80xi32, #tpu.memory_space<vmem>>
    %dma_wait3A_57 = arith.constant 0 : i32
    %dma_wait3A_58 = arith.constant 0 : i32
    %dma_wait3A_59 = tpu.memref_slice %arg2[%dma_wait3A_57, %dma_wait3A_58] : memref<10000x128xf32, #tpu.memory_space<hbm>> -> memref<10000x128xf32, #tpu.memory_space<hbm>>
    tpu.wait_indirect_dma semaphore(%arg13 : memref<!tpu.dma_semaphore, #tpu.memory_space<semaphore_mem>>) src(%dma_wait3A_59 : memref<10000x128xf32, #tpu.memory_space<hbm>>) dst(%arg10 : memref<80x128xf32, #tpu.memory_space<vmem>>)
    %run_scoped3A = arith.constant 60 : i32
    "tpu.region"() ({
      %run_scoped3A_147 = tpu.sem_alloc : memref<!tpu.dma_semaphore, #tpu.memory_space<semaphore_mem>>
      %dma_start3A_148 = arith.constant 0 : i32
      %dma_start3A_149 = tpu.memref_slice %arg9[%run_scoped3A, %dma_start3A_148] : memref<64x80xi32, #tpu.memory_space<vmem>> -> memref<1x80xi32, #tpu.memory_space<vmem>>
      %dma_start3A_150 = tpu.memref_squeeze %dma_start3A_149 : memref<1x80xi32, #tpu.memory_space<vmem>> -> memref<80xi32, #tpu.memory_space<vmem>>
      %dma_start3A_151 = arith.constant 0 : i32
      %dma_start3A_152 = arith.constant 0 : i32
      %dma_start3A_153 = tpu.memref_slice %arg7[%dma_start3A_151, %dma_start3A_152] : memref<10000x128xf32, #tpu.memory_space<vmem_shared>> -> memref<10000x128xf32, #tpu.memory_space<vmem_shared>>
      tpu.enqueue_indirect_dma source(%arg10 : memref<80x128xf32, #tpu.memory_space<vmem>>) target(%dma_start3A_153 : memref<10000x128xf32, #tpu.memory_space<vmem_shared>>) offsets(%dma_start3A_150 : memref<80xi32, #tpu.memory_space<vmem>>) semaphore(%run_scoped3A_147 : memref<!tpu.dma_semaphore, #tpu.memory_space<semaphore_mem>>) {add = true}
      %dma_wait3A_154 = arith.constant 0 : i32
      %dma_wait3A_155 = tpu.memref_slice %arg9[%run_scoped3A, %dma_wait3A_154] : memref<64x80xi32, #tpu.memory_space<vmem>> -> memref<1x80xi32, #tpu.memory_space<vmem>>
      %dma_wait3A_156 = tpu.memref_squeeze %dma_wait3A_155 : memref<1x80xi32, #tpu.memory_space<vmem>> -> memref<80xi32, #tpu.memory_space<vmem>>
      %dma_wait3A_157 = arith.constant 0 : i32
      %dma_wait3A_158 = arith.constant 0 : i32
      %dma_wait3A_159 = tpu.memref_slice %arg7[%dma_wait3A_157, %dma_wait3A_158] : memref<10000x128xf32, #tpu.memory_space<vmem_shared>> -> memref<10000x128xf32, #tpu.memory_space<vmem_shared>>
      tpu.wait_indirect_dma semaphore(%run_scoped3A_147 : memref<!tpu.dma_semaphore, #tpu.memory_space<semaphore_mem>>) src(%arg10 : memref<80x128xf32, #tpu.memory_space<vmem>>) dst(%dma_wait3A_159 : memref<10000x128xf32, #tpu.memory_space<vmem_shared>>)
      tpu.yield
    }) : () -> ()
    %dma_start3A_60 = arith.constant 5040 : i32
    %dma_start3A_61 = tpu.memref_slice %arg8[%dma_start3A_60] : memref<5120xi32, #tpu.memory_space<vmem>> -> memref<80xi32, #tpu.memory_space<vmem>>
    %dma_start3A_62 = arith.constant 0 : i32
    %dma_start3A_63 = arith.constant 0 : i32
    %dma_start3A_64 = tpu.memref_slice %arg2[%dma_start3A_62, %dma_start3A_63] : memref<10000x128xf32, #tpu.memory_space<hbm>> -> memref<10000x128xf32, #tpu.memory_space<hbm>>
    tpu.enqueue_indirect_dma source(%dma_start3A_64 : memref<10000x128xf32, #tpu.memory_space<hbm>>) target(%arg10 : memref<80x128xf32, #tpu.memory_space<vmem>>) offsets(%dma_start3A_61 : memref<80xi32, #tpu.memory_space<vmem>>) semaphore(%arg13 : memref<!tpu.dma_semaphore, #tpu.memory_space<semaphore_mem>>)
    %dma_wait3A_65 = arith.constant 4880 : i32
    %dma_wait3A_66 = tpu.memref_slice %arg8[%dma_wait3A_65] : memref<5120xi32, #tpu.memory_space<vmem>> -> memref<80xi32, #tpu.memory_space<vmem>>
    %dma_wait3A_67 = arith.constant 0 : i32
    %dma_wait3A_68 = arith.constant 0 : i32
    %dma_wait3A_69 = tpu.memref_slice %arg2[%dma_wait3A_67, %dma_wait3A_68] : memref<10000x128xf32, #tpu.memory_space<hbm>> -> memref<10000x128xf32, #tpu.memory_space<hbm>>
    tpu.wait_indirect_dma semaphore(%arg14 : memref<!tpu.dma_semaphore, #tpu.memory_space<semaphore_mem>>) src(%dma_wait3A_69 : memref<10000x128xf32, #tpu.memory_space<hbm>>) dst(%arg11 : memref<80x128xf32, #tpu.memory_space<vmem>>)
    %run_scoped3A_70 = arith.constant 61 : i32
    "tpu.region"() ({
      %run_scoped3A_147 = tpu.sem_alloc : memref<!tpu.dma_semaphore, #tpu.memory_space<semaphore_mem>>
      %dma_start3A_148 = arith.constant 0 : i32
      %dma_start3A_149 = tpu.memref_slice %arg9[%run_scoped3A_70, %dma_start3A_148] : memref<64x80xi32, #tpu.memory_space<vmem>> -> memref<1x80xi32, #tpu.memory_space<vmem>>
      %dma_start3A_150 = tpu.memref_squeeze %dma_start3A_149 : memref<1x80xi32, #tpu.memory_space<vmem>> -> memref<80xi32, #tpu.memory_space<vmem>>
      %dma_start3A_151 = arith.constant 0 : i32
      %dma_start3A_152 = arith.constant 0 : i32
      %dma_start3A_153 = tpu.memref_slice %arg7[%dma_start3A_151, %dma_start3A_152] : memref<10000x128xf32, #tpu.memory_space<vmem_shared>> -> memref<10000x128xf32, #tpu.memory_space<vmem_shared>>
      tpu.enqueue_indirect_dma source(%arg11 : memref<80x128xf32, #tpu.memory_space<vmem>>) target(%dma_start3A_153 : memref<10000x128xf32, #tpu.memory_space<vmem_shared>>) offsets(%dma_start3A_150 : memref<80xi32, #tpu.memory_space<vmem>>) semaphore(%run_scoped3A_147 : memref<!tpu.dma_semaphore, #tpu.memory_space<semaphore_mem>>) {add = true}
      %dma_wait3A_154 = arith.constant 0 : i32
      %dma_wait3A_155 = tpu.memref_slice %arg9[%run_scoped3A_70, %dma_wait3A_154] : memref<64x80xi32, #tpu.memory_space<vmem>> -> memref<1x80xi32, #tpu.memory_space<vmem>>
      %dma_wait3A_156 = tpu.memref_squeeze %dma_wait3A_155 : memref<1x80xi32, #tpu.memory_space<vmem>> -> memref<80xi32, #tpu.memory_space<vmem>>
      %dma_wait3A_157 = arith.constant 0 : i32
      %dma_wait3A_158 = arith.constant 0 : i32
      %dma_wait3A_159 = tpu.memref_slice %arg7[%dma_wait3A_157, %dma_wait3A_158] : memref<10000x128xf32, #tpu.memory_space<vmem_shared>> -> memref<10000x128xf32, #tpu.memory_space<vmem_shared>>
      tpu.wait_indirect_dma semaphore(%run_scoped3A_147 : memref<!tpu.dma_semaphore, #tpu.memory_space<semaphore_mem>>) src(%arg11 : memref<80x128xf32, #tpu.memory_space<vmem>>) dst(%dma_wait3A_159 : memref<10000x128xf32, #tpu.memory_space<vmem_shared>>)
      tpu.yield
    }) : () -> ()
    %dma_wait3A_71 = arith.constant 4960 : i32
    %dma_wait3A_72 = tpu.memref_slice %arg8[%dma_wait3A_71] : memref<5120xi32, #tpu.memory_space<vmem>> -> memref<80xi32, #tpu.memory_space<vmem>>
    %dma_wait3A_73 = arith.constant 0 : i32
    %dma_wait3A_74 = arith.constant 0 : i32
    %dma_wait3A_75 = tpu.memref_slice %arg2[%dma_wait3A_73, %dma_wait3A_74] : memref<10000x128xf32, #tpu.memory_space<hbm>> -> memref<10000x128xf32, #tpu.memory_space<hbm>>
    tpu.wait_indirect_dma semaphore(%arg15 : memref<!tpu.dma_semaphore, #tpu.memory_space<semaphore_mem>>) src(%dma_wait3A_75 : memref<10000x128xf32, #tpu.memory_space<hbm>>) dst(%arg12 : memref<80x128xf32, #tpu.memory_space<vmem>>)
    %run_scoped3A_76 = arith.constant 62 : i32
    "tpu.region"() ({
      %run_scoped3A_147 = tpu.sem_alloc : memref<!tpu.dma_semaphore, #tpu.memory_space<semaphore_mem>>
      %dma_start3A_148 = arith.constant 0 : i32
      %dma_start3A_149 = tpu.memref_slice %arg9[%run_scoped3A_76, %dma_start3A_148] : memref<64x80xi32, #tpu.memory_space<vmem>> -> memref<1x80xi32, #tpu.memory_space<vmem>>
      %dma_start3A_150 = tpu.memref_squeeze %dma_start3A_149 : memref<1x80xi32, #tpu.memory_space<vmem>> -> memref<80xi32, #tpu.memory_space<vmem>>
      %dma_start3A_151 = arith.constant 0 : i32
      %dma_start3A_152 = arith.constant 0 : i32
      %dma_start3A_153 = tpu.memref_slice %arg7[%dma_start3A_151, %dma_start3A_152] : memref<10000x128xf32, #tpu.memory_space<vmem_shared>> -> memref<10000x128xf32, #tpu.memory_space<vmem_shared>>
      tpu.enqueue_indirect_dma source(%arg12 : memref<80x128xf32, #tpu.memory_space<vmem>>) target(%dma_start3A_153 : memref<10000x128xf32, #tpu.memory_space<vmem_shared>>) offsets(%dma_start3A_150 : memref<80xi32, #tpu.memory_space<vmem>>) semaphore(%run_scoped3A_147 : memref<!tpu.dma_semaphore, #tpu.memory_space<semaphore_mem>>) {add = true}
      %dma_wait3A_154 = arith.constant 0 : i32
      %dma_wait3A_155 = tpu.memref_slice %arg9[%run_scoped3A_76, %dma_wait3A_154] : memref<64x80xi32, #tpu.memory_space<vmem>> -> memref<1x80xi32, #tpu.memory_space<vmem>>
      %dma_wait3A_156 = tpu.memref_squeeze %dma_wait3A_155 : memref<1x80xi32, #tpu.memory_space<vmem>> -> memref<80xi32, #tpu.memory_space<vmem>>
      %dma_wait3A_157 = arith.constant 0 : i32
      %dma_wait3A_158 = arith.constant 0 : i32
      %dma_wait3A_159 = tpu.memref_slice %arg7[%dma_wait3A_157, %dma_wait3A_158] : memref<10000x128xf32, #tpu.memory_space<vmem_shared>> -> memref<10000x128xf32, #tpu.memory_space<vmem_shared>>
      tpu.wait_indirect_dma semaphore(%run_scoped3A_147 : memref<!tpu.dma_semaphore, #tpu.memory_space<semaphore_mem>>) src(%arg12 : memref<80x128xf32, #tpu.memory_space<vmem>>) dst(%dma_wait3A_159 : memref<10000x128xf32, #tpu.memory_space<vmem_shared>>)
      tpu.yield
    }) : () -> ()
    %dma_wait3A_77 = arith.constant 5040 : i32
    %dma_wait3A_78 = tpu.memref_slice %arg8[%dma_wait3A_77] : memref<5120xi32, #tpu.memory_space<vmem>> -> memref<80xi32, #tpu.memory_space<vmem>>
    %dma_wait3A_79 = arith.constant 0 : i32
    %dma_wait3A_80 = arith.constant 0 : i32
    %dma_wait3A_81 = tpu.memref_slice %arg2[%dma_wait3A_79, %dma_wait3A_80] : memref<10000x128xf32, #tpu.memory_space<hbm>> -> memref<10000x128xf32, #tpu.memory_space<hbm>>
    tpu.wait_indirect_dma semaphore(%arg13 : memref<!tpu.dma_semaphore, #tpu.memory_space<semaphore_mem>>) src(%dma_wait3A_81 : memref<10000x128xf32, #tpu.memory_space<hbm>>) dst(%arg10 : memref<80x128xf32, #tpu.memory_space<vmem>>)
    %run_scoped3A_82 = arith.constant 63 : i32
    "tpu.region"() ({
      %run_scoped3A_147 = tpu.sem_alloc : memref<!tpu.dma_semaphore, #tpu.memory_space<semaphore_mem>>
      %dma_start3A_148 = arith.constant 0 : i32
      %dma_start3A_149 = tpu.memref_slice %arg9[%run_scoped3A_82, %dma_start3A_148] : memref<64x80xi32, #tpu.memory_space<vmem>> -> memref<1x80xi32, #tpu.memory_space<vmem>>
      %dma_start3A_150 = tpu.memref_squeeze %dma_start3A_149 : memref<1x80xi32, #tpu.memory_space<vmem>> -> memref<80xi32, #tpu.memory_space<vmem>>
      %dma_start3A_151 = arith.constant 0 : i32
      %dma_start3A_152 = arith.constant 0 : i32
      %dma_start3A_153 = tpu.memref_slice %arg7[%dma_start3A_151, %dma_start3A_152] : memref<10000x128xf32, #tpu.memory_space<vmem_shared>> -> memref<10000x128xf32, #tpu.memory_space<vmem_shared>>
      tpu.enqueue_indirect_dma source(%arg10 : memref<80x128xf32, #tpu.memory_space<vmem>>) target(%dma_start3A_153 : memref<10000x128xf32, #tpu.memory_space<vmem_shared>>) offsets(%dma_start3A_150 : memref<80xi32, #tpu.memory_space<vmem>>) semaphore(%run_scoped3A_147 : memref<!tpu.dma_semaphore, #tpu.memory_space<semaphore_mem>>) {add = true}
      %dma_wait3A_154 = arith.constant 0 : i32
      %dma_wait3A_155 = tpu.memref_slice %arg9[%run_scoped3A_82, %dma_wait3A_154] : memref<64x80xi32, #tpu.memory_space<vmem>> -> memref<1x80xi32, #tpu.memory_space<vmem>>
      %dma_wait3A_156 = tpu.memref_squeeze %dma_wait3A_155 : memref<1x80xi32, #tpu.memory_space<vmem>> -> memref<80xi32, #tpu.memory_space<vmem>>
      %dma_wait3A_157 = arith.constant 0 : i32
      %dma_wait3A_158 = arith.constant 0 : i32
      %dma_wait3A_159 = tpu.memref_slice %arg7[%dma_wait3A_157, %dma_wait3A_158] : memref<10000x128xf32, #tpu.memory_space<vmem_shared>> -> memref<10000x128xf32, #tpu.memory_space<vmem_shared>>
      tpu.wait_indirect_dma semaphore(%run_scoped3A_147 : memref<!tpu.dma_semaphore, #tpu.memory_space<semaphore_mem>>) src(%arg10 : memref<80x128xf32, #tpu.memory_space<vmem>>) dst(%dma_wait3A_159 : memref<10000x128xf32, #tpu.memory_space<vmem_shared>>)
      tpu.yield
    }) : () -> ()
    %mul3A_83 = arith.constant 10000 : i32
    %mul3A_84 = arith.muli %add3A, %mul3A_83 : i32
    %add3A_85 = arith.constant 5120 : i32
    %add3A_86 = arith.addi %mul3A_84, %add3A_85 : i32
    "tpu.region"() ({
      %run_scoped3A_147 = tpu.sem_alloc : memref<!tpu.dma_semaphore, #tpu.memory_space<semaphore_mem>>
      %dma_start3A_148 = arith.constant 0 : i32
      %dma_start3A_149 = tpu.memref_slice %arg8[%dma_start3A_148] : memref<5120xi32, #tpu.memory_space<vmem>> -> memref<4880xi32, #tpu.memory_space<vmem>>
      %dma_start3A_150 = tpu.memref_slice %arg3[%add3A_86] : memref<320000xi32, #tpu.memory_space<hbm>> -> memref<4880xi32, #tpu.memory_space<hbm>>
      %dma_start3A_151 = arith.constant 0 : i32
      %dma_start3A_152 = tpu.memref_slice %arg8[%dma_start3A_151] : memref<5120xi32, #tpu.memory_space<vmem>> -> memref<4880xi32, #tpu.memory_space<vmem>>
      %dma_start3A_153 = tpu.memref_slice %arg3[%add3A_86] : memref<320000xi32, #tpu.memory_space<hbm>> -> memref<4880xi32, #tpu.memory_space<hbm>>
      tpu.enqueue_dma source(%dma_start3A_153 : memref<4880xi32, #tpu.memory_space<hbm>>) target(%dma_start3A_152 : memref<4880xi32, #tpu.memory_space<vmem>>) target_semaphore(%run_scoped3A_147 : memref<!tpu.dma_semaphore, #tpu.memory_space<semaphore_mem>>)
      %dma_wait3A_154 = arith.constant 0 : i32
      %dma_wait3A_155 = tpu.memref_slice %arg8[%dma_wait3A_154] : memref<5120xi32, #tpu.memory_space<vmem>> -> memref<4880xi32, #tpu.memory_space<vmem>>
      %dma_wait3A_156 = tpu.memref_slice %arg3[%add3A_86] : memref<320000xi32, #tpu.memory_space<hbm>> -> memref<4880xi32, #tpu.memory_space<hbm>>
      %dma_wait3A_157 = arith.constant 0 : i32
      %dma_wait3A_158 = tpu.memref_slice %arg8[%dma_wait3A_157] : memref<5120xi32, #tpu.memory_space<vmem>> -> memref<4880xi32, #tpu.memory_space<vmem>>
      %dma_wait3A_159 = tpu.memref_slice %arg3[%add3A_86] : memref<320000xi32, #tpu.memory_space<hbm>> -> memref<4880xi32, #tpu.memory_space<hbm>>
      tpu.wait_dma2 semaphore(%run_scoped3A_147 : memref<!tpu.dma_semaphore, #tpu.memory_space<semaphore_mem>>) src(%dma_wait3A_159 : memref<4880xi32, #tpu.memory_space<hbm>>) dst(%dma_wait3A_158 : memref<4880xi32, #tpu.memory_space<vmem>>)
      tpu.yield
    }) : () -> ()
    "tpu.region"() ({
      %run_scoped3A_147 = tpu.sem_alloc : memref<!tpu.dma_semaphore, #tpu.memory_space<semaphore_mem>>
      %dma_start3A_148 = arith.constant 64 : i32
      %dma_start3A_149 = arith.constant 0 : i32
      %dma_start3A_150 = tpu.memref_slice %arg4[%add3A, %dma_start3A_148, %dma_start3A_149] : memref<32x128x80xi32, #tpu.memory_space<hbm>> -> memref<1x64x80xi32, #tpu.memory_space<hbm>>
      %dma_start3A_151 = tpu.memref_squeeze %dma_start3A_150 : memref<1x64x80xi32, #tpu.memory_space<hbm>> -> memref<64x80xi32, #tpu.memory_space<hbm>>
      %dma_start3A_152 = arith.constant 64 : i32
      %dma_start3A_153 = arith.constant 0 : i32
      %dma_start3A_154 = tpu.memref_slice %arg4[%add3A, %dma_start3A_152, %dma_start3A_153] : memref<32x128x80xi32, #tpu.memory_space<hbm>> -> memref<1x64x80xi32, #tpu.memory_space<hbm>>
      %dma_start3A_155 = tpu.memref_squeeze %dma_start3A_154 : memref<1x64x80xi32, #tpu.memory_space<hbm>> -> memref<64x80xi32, #tpu.memory_space<hbm>>
      tpu.enqueue_dma source(%dma_start3A_155 : memref<64x80xi32, #tpu.memory_space<hbm>>) target(%arg9 : memref<64x80xi32, #tpu.memory_space<vmem>>) target_semaphore(%run_scoped3A_147 : memref<!tpu.dma_semaphore, #tpu.memory_space<semaphore_mem>>)
      %dma_wait3A_156 = arith.constant 64 : i32
      %dma_wait3A_157 = arith.constant 0 : i32
      %dma_wait3A_158 = tpu.memref_slice %arg4[%add3A, %dma_wait3A_156, %dma_wait3A_157] : memref<32x128x80xi32, #tpu.memory_space<hbm>> -> memref<1x64x80xi32, #tpu.memory_space<hbm>>
      %dma_wait3A_159 = tpu.memref_squeeze %dma_wait3A_158 : memref<1x64x80xi32, #tpu.memory_space<hbm>> -> memref<64x80xi32, #tpu.memory_space<hbm>>
      %dma_wait3A_160 = arith.constant 64 : i32
      %dma_wait3A_161 = arith.constant 0 : i32
      %dma_wait3A_162 = tpu.memref_slice %arg4[%add3A, %dma_wait3A_160, %dma_wait3A_161] : memref<32x128x80xi32, #tpu.memory_space<hbm>> -> memref<1x64x80xi32, #tpu.memory_space<hbm>>
      %dma_wait3A_163 = tpu.memref_squeeze %dma_wait3A_162 : memref<1x64x80xi32, #tpu.memory_space<hbm>> -> memref<64x80xi32, #tpu.memory_space<hbm>>
      tpu.wait_dma2 semaphore(%run_scoped3A_147 : memref<!tpu.dma_semaphore, #tpu.memory_space<semaphore_mem>>) src(%dma_wait3A_163 : memref<64x80xi32, #tpu.memory_space<hbm>>) dst(%arg9 : memref<64x80xi32, #tpu.memory_space<vmem>>)
      tpu.yield
    }) : () -> ()
    %dma_start3A_87 = arith.constant 0 : i32
    %dma_start3A_88 = tpu.memref_slice %arg8[%dma_start3A_87] : memref<5120xi32, #tpu.memory_space<vmem>> -> memref<80xi32, #tpu.memory_space<vmem>>
    %dma_start3A_89 = arith.constant 0 : i32
    %dma_start3A_90 = arith.constant 0 : i32
    %dma_start3A_91 = tpu.memref_slice %arg2[%dma_start3A_89, %dma_start3A_90] : memref<10000x128xf32, #tpu.memory_space<hbm>> -> memref<10000x128xf32, #tpu.memory_space<hbm>>
    tpu.enqueue_indirect_dma source(%dma_start3A_91 : memref<10000x128xf32, #tpu.memory_space<hbm>>) target(%arg10 : memref<80x128xf32, #tpu.memory_space<vmem>>) offsets(%dma_start3A_88 : memref<80xi32, #tpu.memory_space<vmem>>) semaphore(%arg13 : memref<!tpu.dma_semaphore, #tpu.memory_space<semaphore_mem>>)
    %dma_start3A_92 = arith.constant 80 : i32
    %dma_start3A_93 = tpu.memref_slice %arg8[%dma_start3A_92] : memref<5120xi32, #tpu.memory_space<vmem>> -> memref<80xi32, #tpu.memory_space<vmem>>
    %dma_start3A_94 = arith.constant 0 : i32
    %dma_start3A_95 = arith.constant 0 : i32
    %dma_start3A_96 = tpu.memref_slice %arg2[%dma_start3A_94, %dma_start3A_95] : memref<10000x128xf32, #tpu.memory_space<hbm>> -> memref<10000x128xf32, #tpu.memory_space<hbm>>
    tpu.enqueue_indirect_dma source(%dma_start3A_96 : memref<10000x128xf32, #tpu.memory_space<hbm>>) target(%arg11 : memref<80x128xf32, #tpu.memory_space<vmem>>) offsets(%dma_start3A_93 : memref<80xi32, #tpu.memory_space<vmem>>) semaphore(%arg14 : memref<!tpu.dma_semaphore, #tpu.memory_space<semaphore_mem>>)
    %dma_start3A_97 = arith.constant 160 : i32
    %dma_start3A_98 = tpu.memref_slice %arg8[%dma_start3A_97] : memref<5120xi32, #tpu.memory_space<vmem>> -> memref<80xi32, #tpu.memory_space<vmem>>
    %dma_start3A_99 = arith.constant 0 : i32
    %dma_start3A_100 = arith.constant 0 : i32
    %dma_start3A_101 = tpu.memref_slice %arg2[%dma_start3A_99, %dma_start3A_100] : memref<10000x128xf32, #tpu.memory_space<hbm>> -> memref<10000x128xf32, #tpu.memory_space<hbm>>
    tpu.enqueue_indirect_dma source(%dma_start3A_101 : memref<10000x128xf32, #tpu.memory_space<hbm>>) target(%arg12 : memref<80x128xf32, #tpu.memory_space<vmem>>) offsets(%dma_start3A_98 : memref<80xi32, #tpu.memory_space<vmem>>) semaphore(%arg15 : memref<!tpu.dma_semaphore, #tpu.memory_space<semaphore_mem>>)
    %scan3A_102 = arith.constant 0 : i32
    %scan3A_103 = arith.constant 0 : i32
    %scan3A_104 = arith.constant 19 : i32
    %scan3A_105 = arith.addi %scan3A_103, %scan3A_104 : i32
    %scan3A_106 = arith.constant 1 : i32
    scf.for %scan3A_147 = %scan3A_103 to %scan3A_105 step %scan3A_106  : i32 {
      %mul3A_148 = arith.constant 3 : i32
      %mul3A_149 = arith.muli %scan3A_147, %mul3A_148 : i32
      %add3A_150 = arith.constant 0 : i32
      %add3A_151 = arith.addi %mul3A_149, %add3A_150 : i32
      %mul3A_152 = arith.constant 80 : i32
      %mul3A_153 = arith.muli %add3A_151, %mul3A_152 : i32
      %dma_wait3A_154 = tpu.memref_slice %arg8[%mul3A_153] : memref<5120xi32, #tpu.memory_space<vmem>> -> memref<80xi32, #tpu.memory_space<vmem>>
      %dma_wait3A_155 = arith.constant 0 : i32
      %dma_wait3A_156 = arith.constant 0 : i32
      %dma_wait3A_157 = tpu.memref_slice %arg2[%dma_wait3A_155, %dma_wait3A_156] : memref<10000x128xf32, #tpu.memory_space<hbm>> -> memref<10000x128xf32, #tpu.memory_space<hbm>>
      tpu.wait_indirect_dma semaphore(%arg13 : memref<!tpu.dma_semaphore, #tpu.memory_space<semaphore_mem>>) src(%dma_wait3A_157 : memref<10000x128xf32, #tpu.memory_space<hbm>>) dst(%arg10 : memref<80x128xf32, #tpu.memory_space<vmem>>)
      "tpu.region"() ({
        %run_scoped3A_202 = tpu.sem_alloc : memref<!tpu.dma_semaphore, #tpu.memory_space<semaphore_mem>>
        %dma_start3A_203 = arith.constant 0 : i32
        %dma_start3A_204 = tpu.memref_slice %arg9[%add3A_151, %dma_start3A_203] : memref<64x80xi32, #tpu.memory_space<vmem>> -> memref<1x80xi32, #tpu.memory_space<vmem>>
        %dma_start3A_205 = tpu.memref_squeeze %dma_start3A_204 : memref<1x80xi32, #tpu.memory_space<vmem>> -> memref<80xi32, #tpu.memory_space<vmem>>
        %dma_start3A_206 = arith.constant 0 : i32
        %dma_start3A_207 = arith.constant 0 : i32
        %dma_start3A_208 = tpu.memref_slice %arg7[%dma_start3A_206, %dma_start3A_207] : memref<10000x128xf32, #tpu.memory_space<vmem_shared>> -> memref<10000x128xf32, #tpu.memory_space<vmem_shared>>
        tpu.enqueue_indirect_dma source(%arg10 : memref<80x128xf32, #tpu.memory_space<vmem>>) target(%dma_start3A_208 : memref<10000x128xf32, #tpu.memory_space<vmem_shared>>) offsets(%dma_start3A_205 : memref<80xi32, #tpu.memory_space<vmem>>) semaphore(%run_scoped3A_202 : memref<!tpu.dma_semaphore, #tpu.memory_space<semaphore_mem>>) {add = true}
        %dma_wait3A_209 = arith.constant 0 : i32
        %dma_wait3A_210 = tpu.memref_slice %arg9[%add3A_151, %dma_wait3A_209] : memref<64x80xi32, #tpu.memory_space<vmem>> -> memref<1x80xi32, #tpu.memory_space<vmem>>
        %dma_wait3A_211 = tpu.memref_squeeze %dma_wait3A_210 : memref<1x80xi32, #tpu.memory_space<vmem>> -> memref<80xi32, #tpu.memory_space<vmem>>
        %dma_wait3A_212 = arith.constant 0 : i32
        %dma_wait3A_213 = arith.constant 0 : i32
        %dma_wait3A_214 = tpu.memref_slice %arg7[%dma_wait3A_212, %dma_wait3A_213] : memref<10000x128xf32, #tpu.memory_space<vmem_shared>> -> memref<10000x128xf32, #tpu.memory_space<vmem_shared>>
        tpu.wait_indirect_dma semaphore(%run_scoped3A_202 : memref<!tpu.dma_semaphore, #tpu.memory_space<semaphore_mem>>) src(%arg10 : memref<80x128xf32, #tpu.memory_space<vmem>>) dst(%dma_wait3A_214 : memref<10000x128xf32, #tpu.memory_space<vmem_shared>>)
        tpu.yield
      }) : () -> ()
      %add3A_158 = arith.constant 3 : i32
      %add3A_159 = arith.addi %add3A_151, %add3A_158 : i32
      %mul3A_160 = arith.constant 80 : i32
      %mul3A_161 = arith.muli %add3A_159, %mul3A_160 : i32
      %dma_start3A_162 = tpu.memref_slice %arg8[%mul3A_161] : memref<5120xi32, #tpu.memory_space<vmem>> -> memref<80xi32, #tpu.memory_space<vmem>>
      %dma_start3A_163 = arith.constant 0 : i32
      %dma_start3A_164 = arith.constant 0 : i32
      %dma_start3A_165 = tpu.memref_slice %arg2[%dma_start3A_163, %dma_start3A_164] : memref<10000x128xf32, #tpu.memory_space<hbm>> -> memref<10000x128xf32, #tpu.memory_space<hbm>>
      tpu.enqueue_indirect_dma source(%dma_start3A_165 : memref<10000x128xf32, #tpu.memory_space<hbm>>) target(%arg10 : memref<80x128xf32, #tpu.memory_space<vmem>>) offsets(%dma_start3A_162 : memref<80xi32, #tpu.memory_space<vmem>>) semaphore(%arg13 : memref<!tpu.dma_semaphore, #tpu.memory_space<semaphore_mem>>)
      %mul3A_166 = arith.constant 3 : i32
      %mul3A_167 = arith.muli %scan3A_147, %mul3A_166 : i32
      %add3A_168 = arith.constant 1 : i32
      %add3A_169 = arith.addi %mul3A_167, %add3A_168 : i32
      %mul3A_170 = arith.constant 80 : i32
      %mul3A_171 = arith.muli %add3A_169, %mul3A_170 : i32
      %dma_wait3A_172 = tpu.memref_slice %arg8[%mul3A_171] : memref<5120xi32, #tpu.memory_space<vmem>> -> memref<80xi32, #tpu.memory_space<vmem>>
      %dma_wait3A_173 = arith.constant 0 : i32
      %dma_wait3A_174 = arith.constant 0 : i32
      %dma_wait3A_175 = tpu.memref_slice %arg2[%dma_wait3A_173, %dma_wait3A_174] : memref<10000x128xf32, #tpu.memory_space<hbm>> -> memref<10000x128xf32, #tpu.memory_space<hbm>>
      tpu.wait_indirect_dma semaphore(%arg14 : memref<!tpu.dma_semaphore, #tpu.memory_space<semaphore_mem>>) src(%dma_wait3A_175 : memref<10000x128xf32, #tpu.memory_space<hbm>>) dst(%arg11 : memref<80x128xf32, #tpu.memory_space<vmem>>)
      "tpu.region"() ({
        %run_scoped3A_202 = tpu.sem_alloc : memref<!tpu.dma_semaphore, #tpu.memory_space<semaphore_mem>>
        %dma_start3A_203 = arith.constant 0 : i32
        %dma_start3A_204 = tpu.memref_slice %arg9[%add3A_169, %dma_start3A_203] : memref<64x80xi32, #tpu.memory_space<vmem>> -> memref<1x80xi32, #tpu.memory_space<vmem>>
        %dma_start3A_205 = tpu.memref_squeeze %dma_start3A_204 : memref<1x80xi32, #tpu.memory_space<vmem>> -> memref<80xi32, #tpu.memory_space<vmem>>
        %dma_start3A_206 = arith.constant 0 : i32
        %dma_start3A_207 = arith.constant 0 : i32
        %dma_start3A_208 = tpu.memref_slice %arg7[%dma_start3A_206, %dma_start3A_207] : memref<10000x128xf32, #tpu.memory_space<vmem_shared>> -> memref<10000x128xf32, #tpu.memory_space<vmem_shared>>
        tpu.enqueue_indirect_dma source(%arg11 : memref<80x128xf32, #tpu.memory_space<vmem>>) target(%dma_start3A_208 : memref<10000x128xf32, #tpu.memory_space<vmem_shared>>) offsets(%dma_start3A_205 : memref<80xi32, #tpu.memory_space<vmem>>) semaphore(%run_scoped3A_202 : memref<!tpu.dma_semaphore, #tpu.memory_space<semaphore_mem>>) {add = true}
        %dma_wait3A_209 = arith.constant 0 : i32
        %dma_wait3A_210 = tpu.memref_slice %arg9[%add3A_169, %dma_wait3A_209] : memref<64x80xi32, #tpu.memory_space<vmem>> -> memref<1x80xi32, #tpu.memory_space<vmem>>
        %dma_wait3A_211 = tpu.memref_squeeze %dma_wait3A_210 : memref<1x80xi32, #tpu.memory_space<vmem>> -> memref<80xi32, #tpu.memory_space<vmem>>
        %dma_wait3A_212 = arith.constant 0 : i32
        %dma_wait3A_213 = arith.constant 0 : i32
        %dma_wait3A_214 = tpu.memref_slice %arg7[%dma_wait3A_212, %dma_wait3A_213] : memref<10000x128xf32, #tpu.memory_space<vmem_shared>> -> memref<10000x128xf32, #tpu.memory_space<vmem_shared>>
        tpu.wait_indirect_dma semaphore(%run_scoped3A_202 : memref<!tpu.dma_semaphore, #tpu.memory_space<semaphore_mem>>) src(%arg11 : memref<80x128xf32, #tpu.memory_space<vmem>>) dst(%dma_wait3A_214 : memref<10000x128xf32, #tpu.memory_space<vmem_shared>>)
        tpu.yield
      }) : () -> ()
      %add3A_176 = arith.constant 3 : i32
      %add3A_177 = arith.addi %add3A_169, %add3A_176 : i32
      %mul3A_178 = arith.constant 80 : i32
      %mul3A_179 = arith.muli %add3A_177, %mul3A_178 : i32
      %dma_start3A_180 = tpu.memref_slice %arg8[%mul3A_179] : memref<5120xi32, #tpu.memory_space<vmem>> -> memref<80xi32, #tpu.memory_space<vmem>>
      %dma_start3A_181 = arith.constant 0 : i32
      %dma_start3A_182 = arith.constant 0 : i32
      %dma_start3A_183 = tpu.memref_slice %arg2[%dma_start3A_181, %dma_start3A_182] : memref<10000x128xf32, #tpu.memory_space<hbm>> -> memref<10000x128xf32, #tpu.memory_space<hbm>>
      tpu.enqueue_indirect_dma source(%dma_start3A_183 : memref<10000x128xf32, #tpu.memory_space<hbm>>) target(%arg11 : memref<80x128xf32, #tpu.memory_space<vmem>>) offsets(%dma_start3A_180 : memref<80xi32, #tpu.memory_space<vmem>>) semaphore(%arg14 : memref<!tpu.dma_semaphore, #tpu.memory_space<semaphore_mem>>)
      %mul3A_184 = arith.constant 3 : i32
      %mul3A_185 = arith.muli %scan3A_147, %mul3A_184 : i32
      %add3A_186 = arith.constant 2 : i32
      %add3A_187 = arith.addi %mul3A_185, %add3A_186 : i32
      %mul3A_188 = arith.constant 80 : i32
      %mul3A_189 = arith.muli %add3A_187, %mul3A_188 : i32
      %dma_wait3A_190 = tpu.memref_slice %arg8[%mul3A_189] : memref<5120xi32, #tpu.memory_space<vmem>> -> memref<80xi32, #tpu.memory_space<vmem>>
      %dma_wait3A_191 = arith.constant 0 : i32
      %dma_wait3A_192 = arith.constant 0 : i32
      %dma_wait3A_193 = tpu.memref_slice %arg2[%dma_wait3A_191, %dma_wait3A_192] : memref<10000x128xf32, #tpu.memory_space<hbm>> -> memref<10000x128xf32, #tpu.memory_space<hbm>>
      tpu.wait_indirect_dma semaphore(%arg15 : memref<!tpu.dma_semaphore, #tpu.memory_space<semaphore_mem>>) src(%dma_wait3A_193 : memref<10000x128xf32, #tpu.memory_space<hbm>>) dst(%arg12 : memref<80x128xf32, #tpu.memory_space<vmem>>)
      "tpu.region"() ({
        %run_scoped3A_202 = tpu.sem_alloc : memref<!tpu.dma_semaphore, #tpu.memory_space<semaphore_mem>>
        %dma_start3A_203 = arith.constant 0 : i32
        %dma_start3A_204 = tpu.memref_slice %arg9[%add3A_187, %dma_start3A_203] : memref<64x80xi32, #tpu.memory_space<vmem>> -> memref<1x80xi32, #tpu.memory_space<vmem>>
        %dma_start3A_205 = tpu.memref_squeeze %dma_start3A_204 : memref<1x80xi32, #tpu.memory_space<vmem>> -> memref<80xi32, #tpu.memory_space<vmem>>
        %dma_start3A_206 = arith.constant 0 : i32
        %dma_start3A_207 = arith.constant 0 : i32
        %dma_start3A_208 = tpu.memref_slice %arg7[%dma_start3A_206, %dma_start3A_207] : memref<10000x128xf32, #tpu.memory_space<vmem_shared>> -> memref<10000x128xf32, #tpu.memory_space<vmem_shared>>
        tpu.enqueue_indirect_dma source(%arg12 : memref<80x128xf32, #tpu.memory_space<vmem>>) target(%dma_start3A_208 : memref<10000x128xf32, #tpu.memory_space<vmem_shared>>) offsets(%dma_start3A_205 : memref<80xi32, #tpu.memory_space<vmem>>) semaphore(%run_scoped3A_202 : memref<!tpu.dma_semaphore, #tpu.memory_space<semaphore_mem>>) {add = true}
        %dma_wait3A_209 = arith.constant 0 : i32
        %dma_wait3A_210 = tpu.memref_slice %arg9[%add3A_187, %dma_wait3A_209] : memref<64x80xi32, #tpu.memory_space<vmem>> -> memref<1x80xi32, #tpu.memory_space<vmem>>
        %dma_wait3A_211 = tpu.memref_squeeze %dma_wait3A_210 : memref<1x80xi32, #tpu.memory_space<vmem>> -> memref<80xi32, #tpu.memory_space<vmem>>
        %dma_wait3A_212 = arith.constant 0 : i32
        %dma_wait3A_213 = arith.constant 0 : i32
        %dma_wait3A_214 = tpu.memref_slice %arg7[%dma_wait3A_212, %dma_wait3A_213] : memref<10000x128xf32, #tpu.memory_space<vmem_shared>> -> memref<10000x128xf32, #tpu.memory_space<vmem_shared>>
        tpu.wait_indirect_dma semaphore(%run_scoped3A_202 : memref<!tpu.dma_semaphore, #tpu.memory_space<semaphore_mem>>) src(%arg12 : memref<80x128xf32, #tpu.memory_space<vmem>>) dst(%dma_wait3A_214 : memref<10000x128xf32, #tpu.memory_space<vmem_shared>>)
        tpu.yield
      }) : () -> ()
      %add3A_194 = arith.constant 3 : i32
      %add3A_195 = arith.addi %add3A_187, %add3A_194 : i32
      %mul3A_196 = arith.constant 80 : i32
      %mul3A_197 = arith.muli %add3A_195, %mul3A_196 : i32
      %dma_start3A_198 = tpu.memref_slice %arg8[%mul3A_197] : memref<5120xi32, #tpu.memory_space<vmem>> -> memref<80xi32, #tpu.memory_space<vmem>>
      %dma_start3A_199 = arith.constant 0 : i32
      %dma_start3A_200 = arith.constant 0 : i32
      %dma_start3A_201 = tpu.memref_slice %arg2[%dma_start3A_199, %dma_start3A_200] : memref<10000x128xf32, #tpu.memory_space<hbm>> -> memref<10000x128xf32, #tpu.memory_space<hbm>>
      tpu.enqueue_indirect_dma source(%dma_start3A_201 : memref<10000x128xf32, #tpu.memory_space<hbm>>) target(%arg12 : memref<80x128xf32, #tpu.memory_space<vmem>>) offsets(%dma_start3A_198 : memref<80xi32, #tpu.memory_space<vmem>>) semaphore(%arg15 : memref<!tpu.dma_semaphore, #tpu.memory_space<semaphore_mem>>)
    }
    %scan3A_107 = arith.constant 19 : i32
    %dma_wait3A_108 = arith.constant 4560 : i32
    %dma_wait3A_109 = tpu.memref_slice %arg8[%dma_wait3A_108] : memref<5120xi32, #tpu.memory_space<vmem>> -> memref<80xi32, #tpu.memory_space<vmem>>
    %dma_wait3A_110 = arith.constant 0 : i32
    %dma_wait3A_111 = arith.constant 0 : i32
    %dma_wait3A_112 = tpu.memref_slice %arg2[%dma_wait3A_110, %dma_wait3A_111] : memref<10000x128xf32, #tpu.memory_space<hbm>> -> memref<10000x128xf32, #tpu.memory_space<hbm>>
    tpu.wait_indirect_dma semaphore(%arg13 : memref<!tpu.dma_semaphore, #tpu.memory_space<semaphore_mem>>) src(%dma_wait3A_112 : memref<10000x128xf32, #tpu.memory_space<hbm>>) dst(%arg10 : memref<80x128xf32, #tpu.memory_space<vmem>>)
    %run_scoped3A_113 = arith.constant 57 : i32
    "tpu.region"() ({
      %run_scoped3A_147 = tpu.sem_alloc : memref<!tpu.dma_semaphore, #tpu.memory_space<semaphore_mem>>
      %dma_start3A_148 = arith.constant 0 : i32
      %dma_start3A_149 = tpu.memref_slice %arg9[%run_scoped3A_113, %dma_start3A_148] : memref<64x80xi32, #tpu.memory_space<vmem>> -> memref<1x80xi32, #tpu.memory_space<vmem>>
      %dma_start3A_150 = tpu.memref_squeeze %dma_start3A_149 : memref<1x80xi32, #tpu.memory_space<vmem>> -> memref<80xi32, #tpu.memory_space<vmem>>
      %dma_start3A_151 = arith.constant 0 : i32
      %dma_start3A_152 = arith.constant 0 : i32
      %dma_start3A_153 = tpu.memref_slice %arg7[%dma_start3A_151, %dma_start3A_152] : memref<10000x128xf32, #tpu.memory_space<vmem_shared>> -> memref<10000x128xf32, #tpu.memory_space<vmem_shared>>
      tpu.enqueue_indirect_dma source(%arg10 : memref<80x128xf32, #tpu.memory_space<vmem>>) target(%dma_start3A_153 : memref<10000x128xf32, #tpu.memory_space<vmem_shared>>) offsets(%dma_start3A_150 : memref<80xi32, #tpu.memory_space<vmem>>) semaphore(%run_scoped3A_147 : memref<!tpu.dma_semaphore, #tpu.memory_space<semaphore_mem>>) {add = true}
      %dma_wait3A_154 = arith.constant 0 : i32
      %dma_wait3A_155 = tpu.memref_slice %arg9[%run_scoped3A_113, %dma_wait3A_154] : memref<64x80xi32, #tpu.memory_space<vmem>> -> memref<1x80xi32, #tpu.memory_space<vmem>>
      %dma_wait3A_156 = tpu.memref_squeeze %dma_wait3A_155 : memref<1x80xi32, #tpu.memory_space<vmem>> -> memref<80xi32, #tpu.memory_space<vmem>>
      %dma_wait3A_157 = arith.constant 0 : i32
      %dma_wait3A_158 = arith.constant 0 : i32
      %dma_wait3A_159 = tpu.memref_slice %arg7[%dma_wait3A_157, %dma_wait3A_158] : memref<10000x128xf32, #tpu.memory_space<vmem_shared>> -> memref<10000x128xf32, #tpu.memory_space<vmem_shared>>
      tpu.wait_indirect_dma semaphore(%run_scoped3A_147 : memref<!tpu.dma_semaphore, #tpu.memory_space<semaphore_mem>>) src(%arg10 : memref<80x128xf32, #tpu.memory_space<vmem>>) dst(%dma_wait3A_159 : memref<10000x128xf32, #tpu.memory_space<vmem_shared>>)
      tpu.yield
    }) : () -> ()
    %dma_start3A_114 = arith.constant 4800 : i32
    %dma_start3A_115 = tpu.memref_slice %arg8[%dma_start3A_114] : memref<5120xi32, #tpu.memory_space<vmem>> -> memref<80xi32, #tpu.memory_space<vmem>>
    %dma_start3A_116 = arith.constant 0 : i32
    %dma_start3A_117 = arith.constant 0 : i32
    %dma_start3A_118 = tpu.memref_slice %arg2[%dma_start3A_116, %dma_start3A_117] : memref<10000x128xf32, #tpu.memory_space<hbm>> -> memref<10000x128xf32, #tpu.memory_space<hbm>>
    tpu.enqueue_indirect_dma source(%dma_start3A_118 : memref<10000x128xf32, #tpu.memory_space<hbm>>) target(%arg10 : memref<80x128xf32, #tpu.memory_space<vmem>>) offsets(%dma_start3A_115 : memref<80xi32, #tpu.memory_space<vmem>>) semaphore(%arg13 : memref<!tpu.dma_semaphore, #tpu.memory_space<semaphore_mem>>)
    %dma_wait3A_119 = arith.constant 4640 : i32
    %dma_wait3A_120 = tpu.memref_slice %arg8[%dma_wait3A_119] : memref<5120xi32, #tpu.memory_space<vmem>> -> memref<80xi32, #tpu.memory_space<vmem>>
    %dma_wait3A_121 = arith.constant 0 : i32
    %dma_wait3A_122 = arith.constant 0 : i32
    %dma_wait3A_123 = tpu.memref_slice %arg2[%dma_wait3A_121, %dma_wait3A_122] : memref<10000x128xf32, #tpu.memory_space<hbm>> -> memref<10000x128xf32, #tpu.memory_space<hbm>>
    tpu.wait_indirect_dma semaphore(%arg14 : memref<!tpu.dma_semaphore, #tpu.memory_space<semaphore_mem>>) src(%dma_wait3A_123 : memref<10000x128xf32, #tpu.memory_space<hbm>>) dst(%arg11 : memref<80x128xf32, #tpu.memory_space<vmem>>)
    %run_scoped3A_124 = arith.constant 58 : i32
    "tpu.region"() ({
      %run_scoped3A_147 = tpu.sem_alloc : memref<!tpu.dma_semaphore, #tpu.memory_space<semaphore_mem>>
      %dma_start3A_148 = arith.constant 0 : i32
      %dma_start3A_149 = tpu.memref_slice %arg9[%run_scoped3A_124, %dma_start3A_148] : memref<64x80xi32, #tpu.memory_space<vmem>> -> memref<1x80xi32, #tpu.memory_space<vmem>>
      %dma_start3A_150 = tpu.memref_squeeze %dma_start3A_149 : memref<1x80xi32, #tpu.memory_space<vmem>> -> memref<80xi32, #tpu.memory_space<vmem>>
      %dma_start3A_151 = arith.constant 0 : i32
      %dma_start3A_152 = arith.constant 0 : i32
      %dma_start3A_153 = tpu.memref_slice %arg7[%dma_start3A_151, %dma_start3A_152] : memref<10000x128xf32, #tpu.memory_space<vmem_shared>> -> memref<10000x128xf32, #tpu.memory_space<vmem_shared>>
      tpu.enqueue_indirect_dma source(%arg11 : memref<80x128xf32, #tpu.memory_space<vmem>>) target(%dma_start3A_153 : memref<10000x128xf32, #tpu.memory_space<vmem_shared>>) offsets(%dma_start3A_150 : memref<80xi32, #tpu.memory_space<vmem>>) semaphore(%run_scoped3A_147 : memref<!tpu.dma_semaphore, #tpu.memory_space<semaphore_mem>>) {add = true}
      %dma_wait3A_154 = arith.constant 0 : i32
      %dma_wait3A_155 = tpu.memref_slice %arg9[%run_scoped3A_124, %dma_wait3A_154] : memref<64x80xi32, #tpu.memory_space<vmem>> -> memref<1x80xi32, #tpu.memory_space<vmem>>
      %dma_wait3A_156 = tpu.memref_squeeze %dma_wait3A_155 : memref<1x80xi32, #tpu.memory_space<vmem>> -> memref<80xi32, #tpu.memory_space<vmem>>
      %dma_wait3A_157 = arith.constant 0 : i32
      %dma_wait3A_158 = arith.constant 0 : i32
      %dma_wait3A_159 = tpu.memref_slice %arg7[%dma_wait3A_157, %dma_wait3A_158] : memref<10000x128xf32, #tpu.memory_space<vmem_shared>> -> memref<10000x128xf32, #tpu.memory_space<vmem_shared>>
      tpu.wait_indirect_dma semaphore(%run_scoped3A_147 : memref<!tpu.dma_semaphore, #tpu.memory_space<semaphore_mem>>) src(%arg11 : memref<80x128xf32, #tpu.memory_space<vmem>>) dst(%dma_wait3A_159 : memref<10000x128xf32, #tpu.memory_space<vmem_shared>>)
      tpu.yield
    }) : () -> ()
    %dma_wait3A_125 = arith.constant 4720 : i32
    %dma_wait3A_126 = tpu.memref_slice %arg8[%dma_wait3A_125] : memref<5120xi32, #tpu.memory_space<vmem>> -> memref<80xi32, #tpu.memory_space<vmem>>
    %dma_wait3A_127 = arith.constant 0 : i32
    %dma_wait3A_128 = arith.constant 0 : i32
    %dma_wait3A_129 = tpu.memref_slice %arg2[%dma_wait3A_127, %dma_wait3A_128] : memref<10000x128xf32, #tpu.memory_space<hbm>> -> memref<10000x128xf32, #tpu.memory_space<hbm>>
    tpu.wait_indirect_dma semaphore(%arg15 : memref<!tpu.dma_semaphore, #tpu.memory_space<semaphore_mem>>) src(%dma_wait3A_129 : memref<10000x128xf32, #tpu.memory_space<hbm>>) dst(%arg12 : memref<80x128xf32, #tpu.memory_space<vmem>>)
    %run_scoped3A_130 = arith.constant 59 : i32
    "tpu.region"() ({
      %run_scoped3A_147 = tpu.sem_alloc : memref<!tpu.dma_semaphore, #tpu.memory_space<semaphore_mem>>
      %dma_start3A_148 = arith.constant 0 : i32
      %dma_start3A_149 = tpu.memref_slice %arg9[%run_scoped3A_130, %dma_start3A_148] : memref<64x80xi32, #tpu.memory_space<vmem>> -> memref<1x80xi32, #tpu.memory_space<vmem>>
      %dma_start3A_150 = tpu.memref_squeeze %dma_start3A_149 : memref<1x80xi32, #tpu.memory_space<vmem>> -> memref<80xi32, #tpu.memory_space<vmem>>
      %dma_start3A_151 = arith.constant 0 : i32
      %dma_start3A_152 = arith.constant 0 : i32
      %dma_start3A_153 = tpu.memref_slice %arg7[%dma_start3A_151, %dma_start3A_152] : memref<10000x128xf32, #tpu.memory_space<vmem_shared>> -> memref<10000x128xf32, #tpu.memory_space<vmem_shared>>
      tpu.enqueue_indirect_dma source(%arg12 : memref<80x128xf32, #tpu.memory_space<vmem>>) target(%dma_start3A_153 : memref<10000x128xf32, #tpu.memory_space<vmem_shared>>) offsets(%dma_start3A_150 : memref<80xi32, #tpu.memory_space<vmem>>) semaphore(%run_scoped3A_147 : memref<!tpu.dma_semaphore, #tpu.memory_space<semaphore_mem>>) {add = true}
      %dma_wait3A_154 = arith.constant 0 : i32
      %dma_wait3A_155 = tpu.memref_slice %arg9[%run_scoped3A_130, %dma_wait3A_154] : memref<64x80xi32, #tpu.memory_space<vmem>> -> memref<1x80xi32, #tpu.memory_space<vmem>>
      %dma_wait3A_156 = tpu.memref_squeeze %dma_wait3A_155 : memref<1x80xi32, #tpu.memory_space<vmem>> -> memref<80xi32, #tpu.memory_space<vmem>>
      %dma_wait3A_157 = arith.constant 0 : i32
      %dma_wait3A_158 = arith.constant 0 : i32
      %dma_wait3A_159 = tpu.memref_slice %arg7[%dma_wait3A_157, %dma_wait3A_158] : memref<10000x128xf32, #tpu.memory_space<vmem_shared>> -> memref<10000x128xf32, #tpu.memory_space<vmem_shared>>
      tpu.wait_indirect_dma semaphore(%run_scoped3A_147 : memref<!tpu.dma_semaphore, #tpu.memory_space<semaphore_mem>>) src(%arg12 : memref<80x128xf32, #tpu.memory_space<vmem>>) dst(%dma_wait3A_159 : memref<10000x128xf32, #tpu.memory_space<vmem_shared>>)
      tpu.yield
    }) : () -> ()
    %dma_wait3A_131 = arith.constant 4800 : i32
    %dma_wait3A_132 = tpu.memref_slice %arg8[%dma_wait3A_131] : memref<5120xi32, #tpu.memory_space<vmem>> -> memref<80xi32, #tpu.memory_space<vmem>>
    %dma_wait3A_133 = arith.constant 0 : i32
    %dma_wait3A_134 = arith.constant 0 : i32
    %dma_wait3A_135 = tpu.memref_slice %arg2[%dma_wait3A_133, %dma_wait3A_134] : memref<10000x128xf32, #tpu.memory_space<hbm>> -> memref<10000x128xf32, #tpu.memory_space<hbm>>
    tpu.wait_indirect_dma semaphore(%arg13 : memref<!tpu.dma_semaphore, #tpu.memory_space<semaphore_mem>>) src(%dma_wait3A_135 : memref<10000x128xf32, #tpu.memory_space<hbm>>) dst(%arg10 : memref<80x128xf32, #tpu.memory_space<vmem>>)
    %run_scoped3A_136 = arith.constant 60 : i32
    "tpu.region"() ({
      %run_scoped3A_147 = tpu.sem_alloc : memref<!tpu.dma_semaphore, #tpu.memory_space<semaphore_mem>>
      %dma_start3A_148 = arith.constant 0 : i32
      %dma_start3A_149 = tpu.memref_slice %arg9[%run_scoped3A_136, %dma_start3A_148] : memref<64x80xi32, #tpu.memory_space<vmem>> -> memref<1x80xi32, #tpu.memory_space<vmem>>
      %dma_start3A_150 = tpu.memref_squeeze %dma_start3A_149 : memref<1x80xi32, #tpu.memory_space<vmem>> -> memref<80xi32, #tpu.memory_space<vmem>>
      %dma_start3A_151 = arith.constant 0 : i32
      %dma_start3A_152 = arith.constant 0 : i32
      %dma_start3A_153 = tpu.memref_slice %arg7[%dma_start3A_151, %dma_start3A_152] : memref<10000x128xf32, #tpu.memory_space<vmem_shared>> -> memref<10000x128xf32, #tpu.memory_space<vmem_shared>>
      tpu.enqueue_indirect_dma source(%arg10 : memref<80x128xf32, #tpu.memory_space<vmem>>) target(%dma_start3A_153 : memref<10000x128xf32, #tpu.memory_space<vmem_shared>>) offsets(%dma_start3A_150 : memref<80xi32, #tpu.memory_space<vmem>>) semaphore(%run_scoped3A_147 : memref<!tpu.dma_semaphore, #tpu.memory_space<semaphore_mem>>) {add = true}
      %dma_wait3A_154 = arith.constant 0 : i32
      %dma_wait3A_155 = tpu.memref_slice %arg9[%run_scoped3A_136, %dma_wait3A_154] : memref<64x80xi32, #tpu.memory_space<vmem>> -> memref<1x80xi32, #tpu.memory_space<vmem>>
      %dma_wait3A_156 = tpu.memref_squeeze %dma_wait3A_155 : memref<1x80xi32, #tpu.memory_space<vmem>> -> memref<80xi32, #tpu.memory_space<vmem>>
      %dma_wait3A_157 = arith.constant 0 : i32
      %dma_wait3A_158 = arith.constant 0 : i32
      %dma_wait3A_159 = tpu.memref_slice %arg7[%dma_wait3A_157, %dma_wait3A_158] : memref<10000x128xf32, #tpu.memory_space<vmem_shared>> -> memref<10000x128xf32, #tpu.memory_space<vmem_shared>>
      tpu.wait_indirect_dma semaphore(%run_scoped3A_147 : memref<!tpu.dma_semaphore, #tpu.memory_space<semaphore_mem>>) src(%arg10 : memref<80x128xf32, #tpu.memory_space<vmem>>) dst(%dma_wait3A_159 : memref<10000x128xf32, #tpu.memory_space<vmem_shared>>)
      tpu.yield
    }) : () -> ()
    %barrier3A_137 = arith.constant 0 : index
    tpu.barrier barrier_id(%barrier3A_137)
    %mul3A_138 = arith.constant 624 : i32
    %mul3A_139 = arith.muli %arg1, %mul3A_138 : i32
    %mul3A_140 = arith.constant 624 : i32
    %mul3A_141 = arith.muli %arg1, %mul3A_140 : i32
    "tpu.region"() ({
      %run_scoped3A_147 = tpu.sem_alloc : memref<!tpu.dma_semaphore, #tpu.memory_space<semaphore_mem>>
      %dma_start3A_148 = arith.constant 0 : i32
      %dma_start3A_149 = tpu.memref_slice %arg6[%arg0, %mul3A_141, %dma_start3A_148] : memref<2x10000x128xf32, #tpu.memory_space<hbm>> -> memref<1x624x128xf32, #tpu.memory_space<hbm>>
      %dma_start3A_150 = tpu.memref_squeeze %dma_start3A_149 : memref<1x624x128xf32, #tpu.memory_space<hbm>> -> memref<624x128xf32, #tpu.memory_space<hbm>>
      %dma_start3A_151 = arith.constant 0 : i32
      %dma_start3A_152 = tpu.memref_slice %arg7[%mul3A_139, %dma_start3A_151] : memref<10000x128xf32, #tpu.memory_space<vmem_shared>> -> memref<624x128xf32, #tpu.memory_space<vmem_shared>>
      tpu.enqueue_dma source(%dma_start3A_152 : memref<624x128xf32, #tpu.memory_space<vmem_shared>>) target(%dma_start3A_150 : memref<624x128xf32, #tpu.memory_space<hbm>>) target_semaphore(%run_scoped3A_147 : memref<!tpu.dma_semaphore, #tpu.memory_space<semaphore_mem>>)
      %dma_wait3A_153 = arith.constant 0 : i32
      %dma_wait3A_154 = tpu.memref_slice %arg6[%arg0, %mul3A_141, %dma_wait3A_153] : memref<2x10000x128xf32, #tpu.memory_space<hbm>> -> memref<1x624x128xf32, #tpu.memory_space<hbm>>
      %dma_wait3A_155 = tpu.memref_squeeze %dma_wait3A_154 : memref<1x624x128xf32, #tpu.memory_space<hbm>> -> memref<624x128xf32, #tpu.memory_space<hbm>>
      %dma_wait3A_156 = arith.constant 0 : i32
      %dma_wait3A_157 = tpu.memref_slice %arg7[%mul3A_139, %dma_wait3A_156] : memref<10000x128xf32, #tpu.memory_space<vmem_shared>> -> memref<624x128xf32, #tpu.memory_space<vmem_shared>>
      tpu.wait_dma2 semaphore(%run_scoped3A_147 : memref<!tpu.dma_semaphore, #tpu.memory_space<semaphore_mem>>) src(%dma_wait3A_157 : memref<624x128xf32, #tpu.memory_space<vmem_shared>>) dst(%dma_wait3A_155 : memref<624x128xf32, #tpu.memory_space<hbm>>)
      tpu.yield
    }) : () -> ()
    %eq3A_142 = arith.constant 15 : i32
    %eq3A_143 = arith.cmpi eq, %arg1, %eq3A_142 : i32
    %convert_element_type3A_144 = arith.extui %eq3A_143 : i1 to i32
    %cond3A_145 = arith.constant 0 : i32
    %cond3A_146 = arith.cmpi ne, %convert_element_type3A_144, %cond3A_145 : i32
    scf.if %cond3A_146 {
      "tpu.region"() ({
        %run_scoped3A_147 = tpu.sem_alloc : memref<!tpu.dma_semaphore, #tpu.memory_space<semaphore_mem>>
        %dma_start3A_148 = arith.constant 9984 : i32
        %dma_start3A_149 = arith.constant 0 : i32
        %dma_start3A_150 = tpu.memref_slice %arg6[%arg0, %dma_start3A_148, %dma_start3A_149] : memref<2x10000x128xf32, #tpu.memory_space<hbm>> -> memref<1x16x128xf32, #tpu.memory_space<hbm>>
        %dma_start3A_151 = tpu.memref_squeeze %dma_start3A_150 : memref<1x16x128xf32, #tpu.memory_space<hbm>> -> memref<16x128xf32, #tpu.memory_space<hbm>>
        %dma_start3A_152 = arith.constant 9984 : i32
        %dma_start3A_153 = arith.constant 0 : i32
        %dma_start3A_154 = tpu.memref_slice %arg7[%dma_start3A_152, %dma_start3A_153] : memref<10000x128xf32, #tpu.memory_space<vmem_shared>> -> memref<16x128xf32, #tpu.memory_space<vmem_shared>>
        tpu.enqueue_dma source(%dma_start3A_154 : memref<16x128xf32, #tpu.memory_space<vmem_shared>>) target(%dma_start3A_151 : memref<16x128xf32, #tpu.memory_space<hbm>>) target_semaphore(%run_scoped3A_147 : memref<!tpu.dma_semaphore, #tpu.memory_space<semaphore_mem>>)
        %dma_wait3A_155 = arith.constant 9984 : i32
        %dma_wait3A_156 = arith.constant 0 : i32
        %dma_wait3A_157 = tpu.memref_slice %arg6[%arg0, %dma_wait3A_155, %dma_wait3A_156] : memref<2x10000x128xf32, #tpu.memory_space<hbm>> -> memref<1x16x128xf32, #tpu.memory_space<hbm>>
        %dma_wait3A_158 = tpu.memref_squeeze %dma_wait3A_157 : memref<1x16x128xf32, #tpu.memory_space<hbm>> -> memref<16x128xf32, #tpu.memory_space<hbm>>
        %dma_wait3A_159 = arith.constant 9984 : i32
        %dma_wait3A_160 = arith.constant 0 : i32
        %dma_wait3A_161 = tpu.memref_slice %arg7[%dma_wait3A_159, %dma_wait3A_160] : memref<10000x128xf32, #tpu.memory_space<vmem_shared>> -> memref<16x128xf32, #tpu.memory_space<vmem_shared>>
        tpu.wait_dma2 semaphore(%run_scoped3A_147 : memref<!tpu.dma_semaphore, #tpu.memory_space<semaphore_mem>>) src(%dma_wait3A_161 : memref<16x128xf32, #tpu.memory_space<vmem_shared>>) dst(%dma_wait3A_158 : memref<16x128xf32, #tpu.memory_space<hbm>>)
        tpu.yield
      }) : () -> ()
    } else {
    }
    return
  }
}

#map = affine_map<(d0, d1) -> (0, 0)>
#map1 = affine_map<(d0, d1) -> (0)>
#map2 = affine_map<(d0, d1) -> (0, 0, 0)>
module attributes {stable_mosaic.version = 14 : i64} {
  func.func @_sc_segsum(%arg0: i32, %arg1: i32, %arg2: memref<10000x128xf32, #tpu.memory_space<hbm>>, %arg3: memref<320000xi32, #tpu.memory_space<hbm>>, %arg4: memref<32x128x80xi32, #tpu.memory_space<hbm>>, %arg5: memref<80x128xf32, #tpu.memory_space<hbm>>, %arg6: memref<2x10000x128xf32, #tpu.memory_space<hbm>>, %arg7: memref<10000x128xf32, #tpu.memory_space<vmem_shared>>, %arg8: memref<5120xi32, #tpu.memory_space<vmem>>, %arg9: memref<64x80xi32, #tpu.memory_space<vmem>>, %arg10: memref<80x128xf32, #tpu.memory_space<vmem>>, %arg11: memref<80x128xf32, #tpu.memory_space<vmem>>, %arg12: memref<80x128xf32, #tpu.memory_space<vmem>>, %arg13: memref<!tpu.dma_semaphore, #tpu.memory_space<semaphore_mem>>, %arg14: memref<!tpu.dma_semaphore, #tpu.memory_space<semaphore_mem>>, %arg15: memref<!tpu.dma_semaphore, #tpu.memory_space<semaphore_mem>>) attributes {dimension_semantics = [#tpu.dimension_semantics<core_parallel>, #tpu.dimension_semantics<subcore_parallel>], iteration_bounds = array<i64: 2, 16>, scalar_prefetch = 0 : i64, scratch_operands = 9 : i64, tpu.core_type = #tpu.core_type<sc_vector_subcore>, window_params = [{transform_indices = #map}, {transform_indices = #map1}, {transform_indices = #map2}, {transform_indices = #map}, {transform_indices = #map2}]} {
    %mul3A = arith.constant 16 : i32
    %mul3A_0 = arith.muli %arg0, %mul3A : i32
    %add3A = arith.addi %mul3A_0, %arg1 : i32
    %mul3A_1 = arith.constant 10000 : i32
    %mul3A_2 = arith.muli %add3A, %mul3A_1 : i32
    "tpu.region"() ({
      %run_scoped3A_147 = tpu.sem_alloc : memref<!tpu.dma_semaphore, #tpu.memory_space<semaphore_mem>>
      %dma_start3A_148 = tpu.memref_slice %arg3[%mul3A_2] : memref<320000xi32, #tpu.memory_space<hbm>> -> memref<5120xi32, #tpu.memory_space<hbm>>
      %dma_start3A_149 = tpu.memref_slice %arg3[%mul3A_2] : memref<320000xi32, #tpu.memory_space<hbm>> -> memref<5120xi32, #tpu.memory_space<hbm>>
      tpu.enqueue_dma source(%dma_start3A_149 : memref<5120xi32, #tpu.memory_space<hbm>>) target(%arg8 : memref<5120xi32, #tpu.memory_space<vmem>>) target_semaphore(%run_scoped3A_147 : memref<!tpu.dma_semaphore, #tpu.memory_space<semaphore_mem>>)
      %dma_wait3A_150 = tpu.memref_slice %arg3[%mul3A_2] : memref<320000xi32, #tpu.memory_space<hbm>> -> memref<5120xi32, #tpu.memory_space<hbm>>
      %dma_wait3A_151 = tpu.memref_slice %arg3[%mul3A_2] : memref<320000xi32, #tpu.memory_space<hbm>> -> memref<5120xi32, #tpu.memory_space<hbm>>
      tpu.wait_dma2 semaphore(%run_scoped3A_147 : memref<!tpu.dma_semaphore, #tpu.memory_space<semaphore_mem>>) src(%dma_wait3A_151 : memref<5120xi32, #tpu.memory_space<hbm>>) dst(%arg8 : memref<5120xi32, #tpu.memory_space<vmem>>)
      tpu.yield
    }) : () -> ()
    "tpu.region"() ({
      %run_scoped3A_147 = tpu.sem_alloc : memref<!tpu.dma_semaphore, #tpu.memory_space<semaphore_mem>>
      %dma_start3A_148 = arith.constant 0 : i32
      %dma_start3A_149 = arith.constant 0 : i32
      %dma_start3A_150 = tpu.memref_slice %arg4[%add3A, %dma_start3A_148, %dma_start3A_149] : memref<32x128x80xi32, #tpu.memory_space<hbm>> -> memref<1x64x80xi32, #tpu.memory_space<hbm>>
      %dma_start3A_151 = tpu.memref_squeeze %dma_start3A_150 : memref<1x64x80xi32, #tpu.memory_space<hbm>> -> memref<64x80xi32, #tpu.memory_space<hbm>>
      %dma_start3A_152 = arith.constant 0 : i32
      %dma_start3A_153 = arith.constant 0 : i32
      %dma_start3A_154 = tpu.memref_slice %arg4[%add3A, %dma_start3A_152, %dma_start3A_153] : memref<32x128x80xi32, #tpu.memory_space<hbm>> -> memref<1x64x80xi32, #tpu.memory_space<hbm>>
      %dma_start3A_155 = tpu.memref_squeeze %dma_start3A_154 : memref<1x64x80xi32, #tpu.memory_space<hbm>> -> memref<64x80xi32, #tpu.memory_space<hbm>>
      tpu.enqueue_dma source(%dma_start3A_155 : memref<64x80xi32, #tpu.memory_space<hbm>>) target(%arg9 : memref<64x80xi32, #tpu.memory_space<vmem>>) target_semaphore(%run_scoped3A_147 : memref<!tpu.dma_semaphore, #tpu.memory_space<semaphore_mem>>)
      %dma_wait3A_156 = arith.constant 0 : i32
      %dma_wait3A_157 = arith.constant 0 : i32
      %dma_wait3A_158 = tpu.memref_slice %arg4[%add3A, %dma_wait3A_156, %dma_wait3A_157] : memref<32x128x80xi32, #tpu.memory_space<hbm>> -> memref<1x64x80xi32, #tpu.memory_space<hbm>>
      %dma_wait3A_159 = tpu.memref_squeeze %dma_wait3A_158 : memref<1x64x80xi32, #tpu.memory_space<hbm>> -> memref<64x80xi32, #tpu.memory_space<hbm>>
      %dma_wait3A_160 = arith.constant 0 : i32
      %dma_wait3A_161 = arith.constant 0 : i32
      %dma_wait3A_162 = tpu.memref_slice %arg4[%add3A, %dma_wait3A_160, %dma_wait3A_161] : memref<32x128x80xi32, #tpu.memory_space<hbm>> -> memref<1x64x80xi32, #tpu.memory_space<hbm>>
      %dma_wait3A_163 = tpu.memref_squeeze %dma_wait3A_162 : memref<1x64x80xi32, #tpu.memory_space<hbm>> -> memref<64x80xi32, #tpu.memory_space<hbm>>
      tpu.wait_dma2 semaphore(%run_scoped3A_147 : memref<!tpu.dma_semaphore, #tpu.memory_space<semaphore_mem>>) src(%dma_wait3A_163 : memref<64x80xi32, #tpu.memory_space<hbm>>) dst(%arg9 : memref<64x80xi32, #tpu.memory_space<vmem>>)
      tpu.yield
    }) : () -> ()
    "tpu.region"() ({
      %run_scoped3A_147 = tpu.sem_alloc : memref<!tpu.dma_semaphore, #tpu.memory_space<semaphore_mem>>
      tpu.enqueue_dma source(%arg5 : memref<80x128xf32, #tpu.memory_space<hbm>>) target(%arg10 : memref<80x128xf32, #tpu.memory_space<vmem>>) target_semaphore(%run_scoped3A_147 : memref<!tpu.dma_semaphore, #tpu.memory_space<semaphore_mem>>)
      tpu.wait_dma2 semaphore(%run_scoped3A_147 : memref<!tpu.dma_semaphore, #tpu.memory_space<semaphore_mem>>) src(%arg5 : memref<80x128xf32, #tpu.memory_space<hbm>>) dst(%arg10 : memref<80x128xf32, #tpu.memory_space<vmem>>)
      tpu.yield
    }) : () -> ()
    %mul3A_3 = arith.constant 624 : i32
    %mul3A_4 = arith.muli %arg1, %mul3A_3 : i32
    %add3A_5 = arith.constant 0 : i32
    %add3A_6 = arith.addi %mul3A_4, %add3A_5 : i32
    "tpu.region"() ({
      %run_scoped3A_147 = tpu.sem_alloc : memref<!tpu.dma_semaphore, #tpu.memory_space<semaphore_mem>>
      %dma_start3A_148 = arith.constant 0 : i32
      %dma_start3A_149 = tpu.memref_slice %arg7[%add3A_6, %dma_start3A_148] : memref<10000x128xf32, #tpu.memory_space<vmem_shared>> -> memref<80x128xf32, #tpu.memory_space<vmem_shared>>
      %dma_start3A_150 = arith.constant 0 : i32
      %dma_start3A_151 = tpu.memref_slice %arg7[%add3A_6, %dma_start3A_150] : memref<10000x128xf32, #tpu.memory_space<vmem_shared>> -> memref<80x128xf32, #tpu.memory_space<vmem_shared>>
      tpu.enqueue_dma source(%arg10 : memref<80x128xf32, #tpu.memory_space<vmem>>) target(%dma_start3A_151 : memref<80x128xf32, #tpu.memory_space<vmem_shared>>) target_semaphore(%run_scoped3A_147 : memref<!tpu.dma_semaphore, #tpu.memory_space<semaphore_mem>>)
      %dma_wait3A_152 = arith.constant 0 : i32
      %dma_wait3A_153 = tpu.memref_slice %arg7[%add3A_6, %dma_wait3A_152] : memref<10000x128xf32, #tpu.memory_space<vmem_shared>> -> memref<80x128xf32, #tpu.memory_space<vmem_shared>>
      %dma_wait3A_154 = arith.constant 0 : i32
      %dma_wait3A_155 = tpu.memref_slice %arg7[%add3A_6, %dma_wait3A_154] : memref<10000x128xf32, #tpu.memory_space<vmem_shared>> -> memref<80x128xf32, #tpu.memory_space<vmem_shared>>
      tpu.wait_dma2 semaphore(%run_scoped3A_147 : memref<!tpu.dma_semaphore, #tpu.memory_space<semaphore_mem>>) src(%arg10 : memref<80x128xf32, #tpu.memory_space<vmem>>) dst(%dma_wait3A_155 : memref<80x128xf32, #tpu.memory_space<vmem_shared>>)
      tpu.yield
    }) : () -> ()
    %mul3A_7 = arith.constant 624 : i32
    %mul3A_8 = arith.muli %arg1, %mul3A_7 : i32
    %add3A_9 = arith.constant 80 : i32
    %add3A_10 = arith.addi %mul3A_8, %add3A_9 : i32
    "tpu.region"() ({
      %run_scoped3A_147 = tpu.sem_alloc : memref<!tpu.dma_semaphore, #tpu.memory_space<semaphore_mem>>
      %dma_start3A_148 = arith.constant 0 : i32
      %dma_start3A_149 = tpu.memref_slice %arg7[%add3A_10, %dma_start3A_148] : memref<10000x128xf32, #tpu.memory_space<vmem_shared>> -> memref<80x128xf32, #tpu.memory_space<vmem_shared>>
      %dma_start3A_150 = arith.constant 0 : i32
      %dma_start3A_151 = tpu.memref_slice %arg7[%add3A_10, %dma_start3A_150] : memref<10000x128xf32, #tpu.memory_space<vmem_shared>> -> memref<80x128xf32, #tpu.memory_space<vmem_shared>>
      tpu.enqueue_dma source(%arg10 : memref<80x128xf32, #tpu.memory_space<vmem>>) target(%dma_start3A_151 : memref<80x128xf32, #tpu.memory_space<vmem_shared>>) target_semaphore(%run_scoped3A_147 : memref<!tpu.dma_semaphore, #tpu.memory_space<semaphore_mem>>)
      %dma_wait3A_152 = arith.constant 0 : i32
      %dma_wait3A_153 = tpu.memref_slice %arg7[%add3A_10, %dma_wait3A_152] : memref<10000x128xf32, #tpu.memory_space<vmem_shared>> -> memref<80x128xf32, #tpu.memory_space<vmem_shared>>
      %dma_wait3A_154 = arith.constant 0 : i32
      %dma_wait3A_155 = tpu.memref_slice %arg7[%add3A_10, %dma_wait3A_154] : memref<10000x128xf32, #tpu.memory_space<vmem_shared>> -> memref<80x128xf32, #tpu.memory_space<vmem_shared>>
      tpu.wait_dma2 semaphore(%run_scoped3A_147 : memref<!tpu.dma_semaphore, #tpu.memory_space<semaphore_mem>>) src(%arg10 : memref<80x128xf32, #tpu.memory_space<vmem>>) dst(%dma_wait3A_155 : memref<80x128xf32, #tpu.memory_space<vmem_shared>>)
      tpu.yield
    }) : () -> ()
    %mul3A_11 = arith.constant 624 : i32
    %mul3A_12 = arith.muli %arg1, %mul3A_11 : i32
    %add3A_13 = arith.constant 160 : i32
    %add3A_14 = arith.addi %mul3A_12, %add3A_13 : i32
    "tpu.region"() ({
      %run_scoped3A_147 = tpu.sem_alloc : memref<!tpu.dma_semaphore, #tpu.memory_space<semaphore_mem>>
      %dma_start3A_148 = arith.constant 0 : i32
      %dma_start3A_149 = tpu.memref_slice %arg7[%add3A_14, %dma_start3A_148] : memref<10000x128xf32, #tpu.memory_space<vmem_shared>> -> memref<80x128xf32, #tpu.memory_space<vmem_shared>>
      %dma_start3A_150 = arith.constant 0 : i32
      %dma_start3A_151 = tpu.memref_slice %arg7[%add3A_14, %dma_start3A_150] : memref<10000x128xf32, #tpu.memory_space<vmem_shared>> -> memref<80x128xf32, #tpu.memory_space<vmem_shared>>
      tpu.enqueue_dma source(%arg10 : memref<80x128xf32, #tpu.memory_space<vmem>>) target(%dma_start3A_151 : memref<80x128xf32, #tpu.memory_space<vmem_shared>>) target_semaphore(%run_scoped3A_147 : memref<!tpu.dma_semaphore, #tpu.memory_space<semaphore_mem>>)
      %dma_wait3A_152 = arith.constant 0 : i32
      %dma_wait3A_153 = tpu.memref_slice %arg7[%add3A_14, %dma_wait3A_152] : memref<10000x128xf32, #tpu.memory_space<vmem_shared>> -> memref<80x128xf32, #tpu.memory_space<vmem_shared>>
      %dma_wait3A_154 = arith.constant 0 : i32
      %dma_wait3A_155 = tpu.memref_slice %arg7[%add3A_14, %dma_wait3A_154] : memref<10000x128xf32, #tpu.memory_space<vmem_shared>> -> memref<80x128xf32, #tpu.memory_space<vmem_shared>>
      tpu.wait_dma2 semaphore(%run_scoped3A_147 : memref<!tpu.dma_semaphore, #tpu.memory_space<semaphore_mem>>) src(%arg10 : memref<80x128xf32, #tpu.memory_space<vmem>>) dst(%dma_wait3A_155 : memref<80x128xf32, #tpu.memory_space<vmem_shared>>)
      tpu.yield
    }) : () -> ()
    %mul3A_15 = arith.constant 624 : i32
    %mul3A_16 = arith.muli %arg1, %mul3A_15 : i32
    %add3A_17 = arith.constant 240 : i32
    %add3A_18 = arith.addi %mul3A_16, %add3A_17 : i32
    "tpu.region"() ({
      %run_scoped3A_147 = tpu.sem_alloc : memref<!tpu.dma_semaphore, #tpu.memory_space<semaphore_mem>>
      %dma_start3A_148 = arith.constant 0 : i32
      %dma_start3A_149 = tpu.memref_slice %arg7[%add3A_18, %dma_start3A_148] : memref<10000x128xf32, #tpu.memory_space<vmem_shared>> -> memref<80x128xf32, #tpu.memory_space<vmem_shared>>
      %dma_start3A_150 = arith.constant 0 : i32
      %dma_start3A_151 = tpu.memref_slice %arg7[%add3A_18, %dma_start3A_150] : memref<10000x128xf32, #tpu.memory_space<vmem_shared>> -> memref<80x128xf32, #tpu.memory_space<vmem_shared>>
      tpu.enqueue_dma source(%arg10 : memref<80x128xf32, #tpu.memory_space<vmem>>) target(%dma_start3A_151 : memref<80x128xf32, #tpu.memory_space<vmem_shared>>) target_semaphore(%run_scoped3A_147 : memref<!tpu.dma_semaphore, #tpu.memory_space<semaphore_mem>>)
      %dma_wait3A_152 = arith.constant 0 : i32
      %dma_wait3A_153 = tpu.memref_slice %arg7[%add3A_18, %dma_wait3A_152] : memref<10000x128xf32, #tpu.memory_space<vmem_shared>> -> memref<80x128xf32, #tpu.memory_space<vmem_shared>>
      %dma_wait3A_154 = arith.constant 0 : i32
      %dma_wait3A_155 = tpu.memref_slice %arg7[%add3A_18, %dma_wait3A_154] : memref<10000x128xf32, #tpu.memory_space<vmem_shared>> -> memref<80x128xf32, #tpu.memory_space<vmem_shared>>
      tpu.wait_dma2 semaphore(%run_scoped3A_147 : memref<!tpu.dma_semaphore, #tpu.memory_space<semaphore_mem>>) src(%arg10 : memref<80x128xf32, #tpu.memory_space<vmem>>) dst(%dma_wait3A_155 : memref<80x128xf32, #tpu.memory_space<vmem_shared>>)
      tpu.yield
    }) : () -> ()
    %mul3A_19 = arith.constant 624 : i32
    %mul3A_20 = arith.muli %arg1, %mul3A_19 : i32
    %add3A_21 = arith.constant 320 : i32
    %add3A_22 = arith.addi %mul3A_20, %add3A_21 : i32
    "tpu.region"() ({
      %run_scoped3A_147 = tpu.sem_alloc : memref<!tpu.dma_semaphore, #tpu.memory_space<semaphore_mem>>
      %dma_start3A_148 = arith.constant 0 : i32
      %dma_start3A_149 = tpu.memref_slice %arg7[%add3A_22, %dma_start3A_148] : memref<10000x128xf32, #tpu.memory_space<vmem_shared>> -> memref<80x128xf32, #tpu.memory_space<vmem_shared>>
      %dma_start3A_150 = arith.constant 0 : i32
      %dma_start3A_151 = tpu.memref_slice %arg7[%add3A_22, %dma_start3A_150] : memref<10000x128xf32, #tpu.memory_space<vmem_shared>> -> memref<80x128xf32, #tpu.memory_space<vmem_shared>>
      tpu.enqueue_dma source(%arg10 : memref<80x128xf32, #tpu.memory_space<vmem>>) target(%dma_start3A_151 : memref<80x128xf32, #tpu.memory_space<vmem_shared>>) target_semaphore(%run_scoped3A_147 : memref<!tpu.dma_semaphore, #tpu.memory_space<semaphore_mem>>)
      %dma_wait3A_152 = arith.constant 0 : i32
      %dma_wait3A_153 = tpu.memref_slice %arg7[%add3A_22, %dma_wait3A_152] : memref<10000x128xf32, #tpu.memory_space<vmem_shared>> -> memref<80x128xf32, #tpu.memory_space<vmem_shared>>
      %dma_wait3A_154 = arith.constant 0 : i32
      %dma_wait3A_155 = tpu.memref_slice %arg7[%add3A_22, %dma_wait3A_154] : memref<10000x128xf32, #tpu.memory_space<vmem_shared>> -> memref<80x128xf32, #tpu.memory_space<vmem_shared>>
      tpu.wait_dma2 semaphore(%run_scoped3A_147 : memref<!tpu.dma_semaphore, #tpu.memory_space<semaphore_mem>>) src(%arg10 : memref<80x128xf32, #tpu.memory_space<vmem>>) dst(%dma_wait3A_155 : memref<80x128xf32, #tpu.memory_space<vmem_shared>>)
      tpu.yield
    }) : () -> ()
    %mul3A_23 = arith.constant 624 : i32
    %mul3A_24 = arith.muli %arg1, %mul3A_23 : i32
    %add3A_25 = arith.constant 400 : i32
    %add3A_26 = arith.addi %mul3A_24, %add3A_25 : i32
    "tpu.region"() ({
      %run_scoped3A_147 = tpu.sem_alloc : memref<!tpu.dma_semaphore, #tpu.memory_space<semaphore_mem>>
      %dma_start3A_148 = arith.constant 0 : i32
      %dma_start3A_149 = tpu.memref_slice %arg7[%add3A_26, %dma_start3A_148] : memref<10000x128xf32, #tpu.memory_space<vmem_shared>> -> memref<80x128xf32, #tpu.memory_space<vmem_shared>>
      %dma_start3A_150 = arith.constant 0 : i32
      %dma_start3A_151 = tpu.memref_slice %arg7[%add3A_26, %dma_start3A_150] : memref<10000x128xf32, #tpu.memory_space<vmem_shared>> -> memref<80x128xf32, #tpu.memory_space<vmem_shared>>
      tpu.enqueue_dma source(%arg10 : memref<80x128xf32, #tpu.memory_space<vmem>>) target(%dma_start3A_151 : memref<80x128xf32, #tpu.memory_space<vmem_shared>>) target_semaphore(%run_scoped3A_147 : memref<!tpu.dma_semaphore, #tpu.memory_space<semaphore_mem>>)
      %dma_wait3A_152 = arith.constant 0 : i32
      %dma_wait3A_153 = tpu.memref_slice %arg7[%add3A_26, %dma_wait3A_152] : memref<10000x128xf32, #tpu.memory_space<vmem_shared>> -> memref<80x128xf32, #tpu.memory_space<vmem_shared>>
      %dma_wait3A_154 = arith.constant 0 : i32
      %dma_wait3A_155 = tpu.memref_slice %arg7[%add3A_26, %dma_wait3A_154] : memref<10000x128xf32, #tpu.memory_space<vmem_shared>> -> memref<80x128xf32, #tpu.memory_space<vmem_shared>>
      tpu.wait_dma2 semaphore(%run_scoped3A_147 : memref<!tpu.dma_semaphore, #tpu.memory_space<semaphore_mem>>) src(%arg10 : memref<80x128xf32, #tpu.memory_space<vmem>>) dst(%dma_wait3A_155 : memref<80x128xf32, #tpu.memory_space<vmem_shared>>)
      tpu.yield
    }) : () -> ()
    %mul3A_27 = arith.constant 624 : i32
    %mul3A_28 = arith.muli %arg1, %mul3A_27 : i32
    %add3A_29 = arith.constant 480 : i32
    %add3A_30 = arith.addi %mul3A_28, %add3A_29 : i32
    "tpu.region"() ({
      %run_scoped3A_147 = tpu.sem_alloc : memref<!tpu.dma_semaphore, #tpu.memory_space<semaphore_mem>>
      %dma_start3A_148 = arith.constant 0 : i32
      %dma_start3A_149 = tpu.memref_slice %arg7[%add3A_30, %dma_start3A_148] : memref<10000x128xf32, #tpu.memory_space<vmem_shared>> -> memref<80x128xf32, #tpu.memory_space<vmem_shared>>
      %dma_start3A_150 = arith.constant 0 : i32
      %dma_start3A_151 = tpu.memref_slice %arg7[%add3A_30, %dma_start3A_150] : memref<10000x128xf32, #tpu.memory_space<vmem_shared>> -> memref<80x128xf32, #tpu.memory_space<vmem_shared>>
      tpu.enqueue_dma source(%arg10 : memref<80x128xf32, #tpu.memory_space<vmem>>) target(%dma_start3A_151 : memref<80x128xf32, #tpu.memory_space<vmem_shared>>) target_semaphore(%run_scoped3A_147 : memref<!tpu.dma_semaphore, #tpu.memory_space<semaphore_mem>>)
      %dma_wait3A_152 = arith.constant 0 : i32
      %dma_wait3A_153 = tpu.memref_slice %arg7[%add3A_30, %dma_wait3A_152] : memref<10000x128xf32, #tpu.memory_space<vmem_shared>> -> memref<80x128xf32, #tpu.memory_space<vmem_shared>>
      %dma_wait3A_154 = arith.constant 0 : i32
      %dma_wait3A_155 = tpu.memref_slice %arg7[%add3A_30, %dma_wait3A_154] : memref<10000x128xf32, #tpu.memory_space<vmem_shared>> -> memref<80x128xf32, #tpu.memory_space<vmem_shared>>
      tpu.wait_dma2 semaphore(%run_scoped3A_147 : memref<!tpu.dma_semaphore, #tpu.memory_space<semaphore_mem>>) src(%arg10 : memref<80x128xf32, #tpu.memory_space<vmem>>) dst(%dma_wait3A_155 : memref<80x128xf32, #tpu.memory_space<vmem_shared>>)
      tpu.yield
    }) : () -> ()
    %mul3A_31 = arith.constant 624 : i32
    %mul3A_32 = arith.muli %arg1, %mul3A_31 : i32
    %add3A_33 = arith.constant 560 : i32
    %add3A_34 = arith.addi %mul3A_32, %add3A_33 : i32
    "tpu.region"() ({
      %run_scoped3A_147 = tpu.sem_alloc : memref<!tpu.dma_semaphore, #tpu.memory_space<semaphore_mem>>
      %dma_start3A_148 = arith.constant 0 : i32
      %dma_start3A_149 = arith.constant 0 : i32
      %dma_start3A_150 = tpu.memref_slice %arg10[%dma_start3A_148, %dma_start3A_149] : memref<80x128xf32, #tpu.memory_space<vmem>> -> memref<64x128xf32, #tpu.memory_space<vmem>>
      %dma_start3A_151 = arith.constant 0 : i32
      %dma_start3A_152 = tpu.memref_slice %arg7[%add3A_34, %dma_start3A_151] : memref<10000x128xf32, #tpu.memory_space<vmem_shared>> -> memref<64x128xf32, #tpu.memory_space<vmem_shared>>
      %dma_start3A_153 = arith.constant 0 : i32
      %dma_start3A_154 = tpu.memref_slice %arg7[%add3A_34, %dma_start3A_153] : memref<10000x128xf32, #tpu.memory_space<vmem_shared>> -> memref<64x128xf32, #tpu.memory_space<vmem_shared>>
      %dma_start3A_155 = arith.constant 0 : i32
      %dma_start3A_156 = arith.constant 0 : i32
      %dma_start3A_157 = tpu.memref_slice %arg10[%dma_start3A_155, %dma_start3A_156] : memref<80x128xf32, #tpu.memory_space<vmem>> -> memref<64x128xf32, #tpu.memory_space<vmem>>
      tpu.enqueue_dma source(%dma_start3A_157 : memref<64x128xf32, #tpu.memory_space<vmem>>) target(%dma_start3A_154 : memref<64x128xf32, #tpu.memory_space<vmem_shared>>) target_semaphore(%run_scoped3A_147 : memref<!tpu.dma_semaphore, #tpu.memory_space<semaphore_mem>>)
      %dma_wait3A_158 = arith.constant 0 : i32
      %dma_wait3A_159 = arith.constant 0 : i32
      %dma_wait3A_160 = tpu.memref_slice %arg10[%dma_wait3A_158, %dma_wait3A_159] : memref<80x128xf32, #tpu.memory_space<vmem>> -> memref<64x128xf32, #tpu.memory_space<vmem>>
      %dma_wait3A_161 = arith.constant 0 : i32
      %dma_wait3A_162 = tpu.memref_slice %arg7[%add3A_34, %dma_wait3A_161] : memref<10000x128xf32, #tpu.memory_space<vmem_shared>> -> memref<64x128xf32, #tpu.memory_space<vmem_shared>>
      %dma_wait3A_163 = arith.constant 0 : i32
      %dma_wait3A_164 = tpu.memref_slice %arg7[%add3A_34, %dma_wait3A_163] : memref<10000x128xf32, #tpu.memory_space<vmem_shared>> -> memref<64x128xf32, #tpu.memory_space<vmem_shared>>
      %dma_wait3A_165 = arith.constant 0 : i32
      %dma_wait3A_166 = arith.constant 0 : i32
      %dma_wait3A_167 = tpu.memref_slice %arg10[%dma_wait3A_165, %dma_wait3A_166] : memref<80x128xf32, #tpu.memory_space<vmem>> -> memref<64x128xf32, #tpu.memory_space<vmem>>
      tpu.wait_dma2 semaphore(%run_scoped3A_147 : memref<!tpu.dma_semaphore, #tpu.memory_space<semaphore_mem>>) src(%dma_wait3A_167 : memref<64x128xf32, #tpu.memory_space<vmem>>) dst(%dma_wait3A_164 : memref<64x128xf32, #tpu.memory_space<vmem_shared>>)
      tpu.yield
    }) : () -> ()
    %eq3A = arith.constant 15 : i32
    %eq3A_35 = arith.cmpi eq, %arg1, %eq3A : i32
    %convert_element_type3A = arith.extui %eq3A_35 : i1 to i32
    %cond3A = arith.constant 0 : i32
    %cond3A_36 = arith.cmpi ne, %convert_element_type3A, %cond3A : i32
    scf.if %cond3A_36 {
      "tpu.region"() ({
        %run_scoped3A_147 = tpu.sem_alloc : memref<!tpu.dma_semaphore, #tpu.memory_space<semaphore_mem>>
        %dma_start3A_148 = arith.constant 0 : i32
        %dma_start3A_149 = arith.constant 0 : i32
        %dma_start3A_150 = tpu.memref_slice %arg10[%dma_start3A_148, %dma_start3A_149] : memref<80x128xf32, #tpu.memory_space<vmem>> -> memref<16x128xf32, #tpu.memory_space<vmem>>
        %dma_start3A_151 = arith.constant 9984 : i32
        %dma_start3A_152 = arith.constant 0 : i32
        %dma_start3A_153 = tpu.memref_slice %arg7[%dma_start3A_151, %dma_start3A_152] : memref<10000x128xf32, #tpu.memory_space<vmem_shared>> -> memref<16x128xf32, #tpu.memory_space<vmem_shared>>
        %dma_start3A_154 = arith.constant 9984 : i32
        %dma_start3A_155 = arith.constant 0 : i32
        %dma_start3A_156 = tpu.memref_slice %arg7[%dma_start3A_154, %dma_start3A_155] : memref<10000x128xf32, #tpu.memory_space<vmem_shared>> -> memref<16x128xf32, #tpu.memory_space<vmem_shared>>
        %dma_start3A_157 = arith.constant 0 : i32
        %dma_start3A_158 = arith.constant 0 : i32
        %dma_start3A_159 = tpu.memref_slice %arg10[%dma_start3A_157, %dma_start3A_158] : memref<80x128xf32, #tpu.memory_space<vmem>> -> memref<16x128xf32, #tpu.memory_space<vmem>>
        tpu.enqueue_dma source(%dma_start3A_159 : memref<16x128xf32, #tpu.memory_space<vmem>>) target(%dma_start3A_156 : memref<16x128xf32, #tpu.memory_space<vmem_shared>>) target_semaphore(%run_scoped3A_147 : memref<!tpu.dma_semaphore, #tpu.memory_space<semaphore_mem>>)
        %dma_wait3A_160 = arith.constant 0 : i32
        %dma_wait3A_161 = arith.constant 0 : i32
        %dma_wait3A_162 = tpu.memref_slice %arg10[%dma_wait3A_160, %dma_wait3A_161] : memref<80x128xf32, #tpu.memory_space<vmem>> -> memref<16x128xf32, #tpu.memory_space<vmem>>
        %dma_wait3A_163 = arith.constant 9984 : i32
        %dma_wait3A_164 = arith.constant 0 : i32
        %dma_wait3A_165 = tpu.memref_slice %arg7[%dma_wait3A_163, %dma_wait3A_164] : memref<10000x128xf32, #tpu.memory_space<vmem_shared>> -> memref<16x128xf32, #tpu.memory_space<vmem_shared>>
        %dma_wait3A_166 = arith.constant 9984 : i32
        %dma_wait3A_167 = arith.constant 0 : i32
        %dma_wait3A_168 = tpu.memref_slice %arg7[%dma_wait3A_166, %dma_wait3A_167] : memref<10000x128xf32, #tpu.memory_space<vmem_shared>> -> memref<16x128xf32, #tpu.memory_space<vmem_shared>>
        %dma_wait3A_169 = arith.constant 0 : i32
        %dma_wait3A_170 = arith.constant 0 : i32
        %dma_wait3A_171 = tpu.memref_slice %arg10[%dma_wait3A_169, %dma_wait3A_170] : memref<80x128xf32, #tpu.memory_space<vmem>> -> memref<16x128xf32, #tpu.memory_space<vmem>>
        tpu.wait_dma2 semaphore(%run_scoped3A_147 : memref<!tpu.dma_semaphore, #tpu.memory_space<semaphore_mem>>) src(%dma_wait3A_171 : memref<16x128xf32, #tpu.memory_space<vmem>>) dst(%dma_wait3A_168 : memref<16x128xf32, #tpu.memory_space<vmem_shared>>)
        tpu.yield
      }) : () -> ()
    } else {
    }
    %barrier3A = arith.constant 0 : index
    tpu.barrier barrier_id(%barrier3A)
    %dma_start3A = arith.constant 0 : i32
    %dma_start3A_37 = tpu.memref_slice %arg8[%dma_start3A] : memref<5120xi32, #tpu.memory_space<vmem>> -> memref<80xi32, #tpu.memory_space<vmem>>
    %dma_start3A_38 = arith.constant 0 : i32
    %dma_start3A_39 = arith.constant 0 : i32
    %dma_start3A_40 = tpu.memref_slice %arg2[%dma_start3A_38, %dma_start3A_39] : memref<10000x128xf32, #tpu.memory_space<hbm>> -> memref<10000x128xf32, #tpu.memory_space<hbm>>
    tpu.enqueue_indirect_dma source(%dma_start3A_40 : memref<10000x128xf32, #tpu.memory_space<hbm>>) target(%arg10 : memref<80x128xf32, #tpu.memory_space<vmem>>) offsets(%dma_start3A_37 : memref<80xi32, #tpu.memory_space<vmem>>) semaphore(%arg13 : memref<!tpu.dma_semaphore, #tpu.memory_space<semaphore_mem>>)
    %dma_start3A_41 = arith.constant 80 : i32
    %dma_start3A_42 = tpu.memref_slice %arg8[%dma_start3A_41] : memref<5120xi32, #tpu.memory_space<vmem>> -> memref<80xi32, #tpu.memory_space<vmem>>
    %dma_start3A_43 = arith.constant 0 : i32
    %dma_start3A_44 = arith.constant 0 : i32
    %dma_start3A_45 = tpu.memref_slice %arg2[%dma_start3A_43, %dma_start3A_44] : memref<10000x128xf32, #tpu.memory_space<hbm>> -> memref<10000x128xf32, #tpu.memory_space<hbm>>
    tpu.enqueue_indirect_dma source(%dma_start3A_45 : memref<10000x128xf32, #tpu.memory_space<hbm>>) target(%arg11 : memref<80x128xf32, #tpu.memory_space<vmem>>) offsets(%dma_start3A_42 : memref<80xi32, #tpu.memory_space<vmem>>) semaphore(%arg14 : memref<!tpu.dma_semaphore, #tpu.memory_space<semaphore_mem>>)
    %dma_start3A_46 = arith.constant 160 : i32
    %dma_start3A_47 = tpu.memref_slice %arg8[%dma_start3A_46] : memref<5120xi32, #tpu.memory_space<vmem>> -> memref<80xi32, #tpu.memory_space<vmem>>
    %dma_start3A_48 = arith.constant 0 : i32
    %dma_start3A_49 = arith.constant 0 : i32
    %dma_start3A_50 = tpu.memref_slice %arg2[%dma_start3A_48, %dma_start3A_49] : memref<10000x128xf32, #tpu.memory_space<hbm>> -> memref<10000x128xf32, #tpu.memory_space<hbm>>
    tpu.enqueue_indirect_dma source(%dma_start3A_50 : memref<10000x128xf32, #tpu.memory_space<hbm>>) target(%arg12 : memref<80x128xf32, #tpu.memory_space<vmem>>) offsets(%dma_start3A_47 : memref<80xi32, #tpu.memory_space<vmem>>) semaphore(%arg15 : memref<!tpu.dma_semaphore, #tpu.memory_space<semaphore_mem>>)
    %scan3A = arith.constant 0 : i32
    %scan3A_51 = arith.constant 0 : i32
    %scan3A_52 = arith.constant 20 : i32
    %scan3A_53 = arith.addi %scan3A_51, %scan3A_52 : i32
    %scan3A_54 = arith.constant 1 : i32
    scf.for %scan3A_147 = %scan3A_51 to %scan3A_53 step %scan3A_54  : i32 {
      %mul3A_148 = arith.constant 3 : i32
      %mul3A_149 = arith.muli %scan3A_147, %mul3A_148 : i32
      %add3A_150 = arith.constant 0 : i32
      %add3A_151 = arith.addi %mul3A_149, %add3A_150 : i32
      %mul3A_152 = arith.constant 80 : i32
      %mul3A_153 = arith.muli %add3A_151, %mul3A_152 : i32
      %dma_wait3A_154 = tpu.memref_slice %arg8[%mul3A_153] : memref<5120xi32, #tpu.memory_space<vmem>> -> memref<80xi32, #tpu.memory_space<vmem>>
      %dma_wait3A_155 = arith.constant 0 : i32
      %dma_wait3A_156 = arith.constant 0 : i32
      %dma_wait3A_157 = tpu.memref_slice %arg2[%dma_wait3A_155, %dma_wait3A_156] : memref<10000x128xf32, #tpu.memory_space<hbm>> -> memref<10000x128xf32, #tpu.memory_space<hbm>>
      tpu.wait_indirect_dma semaphore(%arg13 : memref<!tpu.dma_semaphore, #tpu.memory_space<semaphore_mem>>) src(%dma_wait3A_157 : memref<10000x128xf32, #tpu.memory_space<hbm>>) dst(%arg10 : memref<80x128xf32, #tpu.memory_space<vmem>>)
      "tpu.region"() ({
        %run_scoped3A_202 = tpu.sem_alloc : memref<!tpu.dma_semaphore, #tpu.memory_space<semaphore_mem>>
        %dma_start3A_203 = arith.constant 0 : i32
        %dma_start3A_204 = tpu.memref_slice %arg9[%add3A_151, %dma_start3A_203] : memref<64x80xi32, #tpu.memory_space<vmem>> -> memref<1x80xi32, #tpu.memory_space<vmem>>
        %dma_start3A_205 = tpu.memref_squeeze %dma_start3A_204 : memref<1x80xi32, #tpu.memory_space<vmem>> -> memref<80xi32, #tpu.memory_space<vmem>>
        %dma_start3A_206 = arith.constant 0 : i32
        %dma_start3A_207 = arith.constant 0 : i32
        %dma_start3A_208 = tpu.memref_slice %arg7[%dma_start3A_206, %dma_start3A_207] : memref<10000x128xf32, #tpu.memory_space<vmem_shared>> -> memref<10000x128xf32, #tpu.memory_space<vmem_shared>>
        tpu.enqueue_indirect_dma source(%arg10 : memref<80x128xf32, #tpu.memory_space<vmem>>) target(%dma_start3A_208 : memref<10000x128xf32, #tpu.memory_space<vmem_shared>>) offsets(%dma_start3A_205 : memref<80xi32, #tpu.memory_space<vmem>>) semaphore(%run_scoped3A_202 : memref<!tpu.dma_semaphore, #tpu.memory_space<semaphore_mem>>) {add = true}
        %dma_wait3A_209 = arith.constant 0 : i32
        %dma_wait3A_210 = tpu.memref_slice %arg9[%add3A_151, %dma_wait3A_209] : memref<64x80xi32, #tpu.memory_space<vmem>> -> memref<1x80xi32, #tpu.memory_space<vmem>>
        %dma_wait3A_211 = tpu.memref_squeeze %dma_wait3A_210 : memref<1x80xi32, #tpu.memory_space<vmem>> -> memref<80xi32, #tpu.memory_space<vmem>>
        %dma_wait3A_212 = arith.constant 0 : i32
        %dma_wait3A_213 = arith.constant 0 : i32
        %dma_wait3A_214 = tpu.memref_slice %arg7[%dma_wait3A_212, %dma_wait3A_213] : memref<10000x128xf32, #tpu.memory_space<vmem_shared>> -> memref<10000x128xf32, #tpu.memory_space<vmem_shared>>
        tpu.wait_indirect_dma semaphore(%run_scoped3A_202 : memref<!tpu.dma_semaphore, #tpu.memory_space<semaphore_mem>>) src(%arg10 : memref<80x128xf32, #tpu.memory_space<vmem>>) dst(%dma_wait3A_214 : memref<10000x128xf32, #tpu.memory_space<vmem_shared>>)
        tpu.yield
      }) : () -> ()
      %add3A_158 = arith.constant 3 : i32
      %add3A_159 = arith.addi %add3A_151, %add3A_158 : i32
      %mul3A_160 = arith.constant 80 : i32
      %mul3A_161 = arith.muli %add3A_159, %mul3A_160 : i32
      %dma_start3A_162 = tpu.memref_slice %arg8[%mul3A_161] : memref<5120xi32, #tpu.memory_space<vmem>> -> memref<80xi32, #tpu.memory_space<vmem>>
      %dma_start3A_163 = arith.constant 0 : i32
      %dma_start3A_164 = arith.constant 0 : i32
      %dma_start3A_165 = tpu.memref_slice %arg2[%dma_start3A_163, %dma_start3A_164] : memref<10000x128xf32, #tpu.memory_space<hbm>> -> memref<10000x128xf32, #tpu.memory_space<hbm>>
      tpu.enqueue_indirect_dma source(%dma_start3A_165 : memref<10000x128xf32, #tpu.memory_space<hbm>>) target(%arg10 : memref<80x128xf32, #tpu.memory_space<vmem>>) offsets(%dma_start3A_162 : memref<80xi32, #tpu.memory_space<vmem>>) semaphore(%arg13 : memref<!tpu.dma_semaphore, #tpu.memory_space<semaphore_mem>>)
      %mul3A_166 = arith.constant 3 : i32
      %mul3A_167 = arith.muli %scan3A_147, %mul3A_166 : i32
      %add3A_168 = arith.constant 1 : i32
      %add3A_169 = arith.addi %mul3A_167, %add3A_168 : i32
      %mul3A_170 = arith.constant 80 : i32
      %mul3A_171 = arith.muli %add3A_169, %mul3A_170 : i32
      %dma_wait3A_172 = tpu.memref_slice %arg8[%mul3A_171] : memref<5120xi32, #tpu.memory_space<vmem>> -> memref<80xi32, #tpu.memory_space<vmem>>
      %dma_wait3A_173 = arith.constant 0 : i32
      %dma_wait3A_174 = arith.constant 0 : i32
      %dma_wait3A_175 = tpu.memref_slice %arg2[%dma_wait3A_173, %dma_wait3A_174] : memref<10000x128xf32, #tpu.memory_space<hbm>> -> memref<10000x128xf32, #tpu.memory_space<hbm>>
      tpu.wait_indirect_dma semaphore(%arg14 : memref<!tpu.dma_semaphore, #tpu.memory_space<semaphore_mem>>) src(%dma_wait3A_175 : memref<10000x128xf32, #tpu.memory_space<hbm>>) dst(%arg11 : memref<80x128xf32, #tpu.memory_space<vmem>>)
      "tpu.region"() ({
        %run_scoped3A_202 = tpu.sem_alloc : memref<!tpu.dma_semaphore, #tpu.memory_space<semaphore_mem>>
        %dma_start3A_203 = arith.constant 0 : i32
        %dma_start3A_204 = tpu.memref_slice %arg9[%add3A_169, %dma_start3A_203] : memref<64x80xi32, #tpu.memory_space<vmem>> -> memref<1x80xi32, #tpu.memory_space<vmem>>
        %dma_start3A_205 = tpu.memref_squeeze %dma_start3A_204 : memref<1x80xi32, #tpu.memory_space<vmem>> -> memref<80xi32, #tpu.memory_space<vmem>>
        %dma_start3A_206 = arith.constant 0 : i32
        %dma_start3A_207 = arith.constant 0 : i32
        %dma_start3A_208 = tpu.memref_slice %arg7[%dma_start3A_206, %dma_start3A_207] : memref<10000x128xf32, #tpu.memory_space<vmem_shared>> -> memref<10000x128xf32, #tpu.memory_space<vmem_shared>>
        tpu.enqueue_indirect_dma source(%arg11 : memref<80x128xf32, #tpu.memory_space<vmem>>) target(%dma_start3A_208 : memref<10000x128xf32, #tpu.memory_space<vmem_shared>>) offsets(%dma_start3A_205 : memref<80xi32, #tpu.memory_space<vmem>>) semaphore(%run_scoped3A_202 : memref<!tpu.dma_semaphore, #tpu.memory_space<semaphore_mem>>) {add = true}
        %dma_wait3A_209 = arith.constant 0 : i32
        %dma_wait3A_210 = tpu.memref_slice %arg9[%add3A_169, %dma_wait3A_209] : memref<64x80xi32, #tpu.memory_space<vmem>> -> memref<1x80xi32, #tpu.memory_space<vmem>>
        %dma_wait3A_211 = tpu.memref_squeeze %dma_wait3A_210 : memref<1x80xi32, #tpu.memory_space<vmem>> -> memref<80xi32, #tpu.memory_space<vmem>>
        %dma_wait3A_212 = arith.constant 0 : i32
        %dma_wait3A_213 = arith.constant 0 : i32
        %dma_wait3A_214 = tpu.memref_slice %arg7[%dma_wait3A_212, %dma_wait3A_213] : memref<10000x128xf32, #tpu.memory_space<vmem_shared>> -> memref<10000x128xf32, #tpu.memory_space<vmem_shared>>
        tpu.wait_indirect_dma semaphore(%run_scoped3A_202 : memref<!tpu.dma_semaphore, #tpu.memory_space<semaphore_mem>>) src(%arg11 : memref<80x128xf32, #tpu.memory_space<vmem>>) dst(%dma_wait3A_214 : memref<10000x128xf32, #tpu.memory_space<vmem_shared>>)
        tpu.yield
      }) : () -> ()
      %add3A_176 = arith.constant 3 : i32
      %add3A_177 = arith.addi %add3A_169, %add3A_176 : i32
      %mul3A_178 = arith.constant 80 : i32
      %mul3A_179 = arith.muli %add3A_177, %mul3A_178 : i32
      %dma_start3A_180 = tpu.memref_slice %arg8[%mul3A_179] : memref<5120xi32, #tpu.memory_space<vmem>> -> memref<80xi32, #tpu.memory_space<vmem>>
      %dma_start3A_181 = arith.constant 0 : i32
      %dma_start3A_182 = arith.constant 0 : i32
      %dma_start3A_183 = tpu.memref_slice %arg2[%dma_start3A_181, %dma_start3A_182] : memref<10000x128xf32, #tpu.memory_space<hbm>> -> memref<10000x128xf32, #tpu.memory_space<hbm>>
      tpu.enqueue_indirect_dma source(%dma_start3A_183 : memref<10000x128xf32, #tpu.memory_space<hbm>>) target(%arg11 : memref<80x128xf32, #tpu.memory_space<vmem>>) offsets(%dma_start3A_180 : memref<80xi32, #tpu.memory_space<vmem>>) semaphore(%arg14 : memref<!tpu.dma_semaphore, #tpu.memory_space<semaphore_mem>>)
      %mul3A_184 = arith.constant 3 : i32
      %mul3A_185 = arith.muli %scan3A_147, %mul3A_184 : i32
      %add3A_186 = arith.constant 2 : i32
      %add3A_187 = arith.addi %mul3A_185, %add3A_186 : i32
      %mul3A_188 = arith.constant 80 : i32
      %mul3A_189 = arith.muli %add3A_187, %mul3A_188 : i32
      %dma_wait3A_190 = tpu.memref_slice %arg8[%mul3A_189] : memref<5120xi32, #tpu.memory_space<vmem>> -> memref<80xi32, #tpu.memory_space<vmem>>
      %dma_wait3A_191 = arith.constant 0 : i32
      %dma_wait3A_192 = arith.constant 0 : i32
      %dma_wait3A_193 = tpu.memref_slice %arg2[%dma_wait3A_191, %dma_wait3A_192] : memref<10000x128xf32, #tpu.memory_space<hbm>> -> memref<10000x128xf32, #tpu.memory_space<hbm>>
      tpu.wait_indirect_dma semaphore(%arg15 : memref<!tpu.dma_semaphore, #tpu.memory_space<semaphore_mem>>) src(%dma_wait3A_193 : memref<10000x128xf32, #tpu.memory_space<hbm>>) dst(%arg12 : memref<80x128xf32, #tpu.memory_space<vmem>>)
      "tpu.region"() ({
        %run_scoped3A_202 = tpu.sem_alloc : memref<!tpu.dma_semaphore, #tpu.memory_space<semaphore_mem>>
        %dma_start3A_203 = arith.constant 0 : i32
        %dma_start3A_204 = tpu.memref_slice %arg9[%add3A_187, %dma_start3A_203] : memref<64x80xi32, #tpu.memory_space<vmem>> -> memref<1x80xi32, #tpu.memory_space<vmem>>
        %dma_start3A_205 = tpu.memref_squeeze %dma_start3A_204 : memref<1x80xi32, #tpu.memory_space<vmem>> -> memref<80xi32, #tpu.memory_space<vmem>>
        %dma_start3A_206 = arith.constant 0 : i32
        %dma_start3A_207 = arith.constant 0 : i32
        %dma_start3A_208 = tpu.memref_slice %arg7[%dma_start3A_206, %dma_start3A_207] : memref<10000x128xf32, #tpu.memory_space<vmem_shared>> -> memref<10000x128xf32, #tpu.memory_space<vmem_shared>>
        tpu.enqueue_indirect_dma source(%arg12 : memref<80x128xf32, #tpu.memory_space<vmem>>) target(%dma_start3A_208 : memref<10000x128xf32, #tpu.memory_space<vmem_shared>>) offsets(%dma_start3A_205 : memref<80xi32, #tpu.memory_space<vmem>>) semaphore(%run_scoped3A_202 : memref<!tpu.dma_semaphore, #tpu.memory_space<semaphore_mem>>) {add = true}
        %dma_wait3A_209 = arith.constant 0 : i32
        %dma_wait3A_210 = tpu.memref_slice %arg9[%add3A_187, %dma_wait3A_209] : memref<64x80xi32, #tpu.memory_space<vmem>> -> memref<1x80xi32, #tpu.memory_space<vmem>>
        %dma_wait3A_211 = tpu.memref_squeeze %dma_wait3A_210 : memref<1x80xi32, #tpu.memory_space<vmem>> -> memref<80xi32, #tpu.memory_space<vmem>>
        %dma_wait3A_212 = arith.constant 0 : i32
        %dma_wait3A_213 = arith.constant 0 : i32
        %dma_wait3A_214 = tpu.memref_slice %arg7[%dma_wait3A_212, %dma_wait3A_213] : memref<10000x128xf32, #tpu.memory_space<vmem_shared>> -> memref<10000x128xf32, #tpu.memory_space<vmem_shared>>
        tpu.wait_indirect_dma semaphore(%run_scoped3A_202 : memref<!tpu.dma_semaphore, #tpu.memory_space<semaphore_mem>>) src(%arg12 : memref<80x128xf32, #tpu.memory_space<vmem>>) dst(%dma_wait3A_214 : memref<10000x128xf32, #tpu.memory_space<vmem_shared>>)
        tpu.yield
      }) : () -> ()
      %add3A_194 = arith.constant 3 : i32
      %add3A_195 = arith.addi %add3A_187, %add3A_194 : i32
      %mul3A_196 = arith.constant 80 : i32
      %mul3A_197 = arith.muli %add3A_195, %mul3A_196 : i32
      %dma_start3A_198 = tpu.memref_slice %arg8[%mul3A_197] : memref<5120xi32, #tpu.memory_space<vmem>> -> memref<80xi32, #tpu.memory_space<vmem>>
      %dma_start3A_199 = arith.constant 0 : i32
      %dma_start3A_200 = arith.constant 0 : i32
      %dma_start3A_201 = tpu.memref_slice %arg2[%dma_start3A_199, %dma_start3A_200] : memref<10000x128xf32, #tpu.memory_space<hbm>> -> memref<10000x128xf32, #tpu.memory_space<hbm>>
      tpu.enqueue_indirect_dma source(%dma_start3A_201 : memref<10000x128xf32, #tpu.memory_space<hbm>>) target(%arg12 : memref<80x128xf32, #tpu.memory_space<vmem>>) offsets(%dma_start3A_198 : memref<80xi32, #tpu.memory_space<vmem>>) semaphore(%arg15 : memref<!tpu.dma_semaphore, #tpu.memory_space<semaphore_mem>>)
    }
    %scan3A_55 = arith.constant 20 : i32
    %dma_wait3A = arith.constant 4800 : i32
    %dma_wait3A_56 = tpu.memref_slice %arg8[%dma_wait3A] : memref<5120xi32, #tpu.memory_space<vmem>> -> memref<80xi32, #tpu.memory_space<vmem>>
    %dma_wait3A_57 = arith.constant 0 : i32
    %dma_wait3A_58 = arith.constant 0 : i32
    %dma_wait3A_59 = tpu.memref_slice %arg2[%dma_wait3A_57, %dma_wait3A_58] : memref<10000x128xf32, #tpu.memory_space<hbm>> -> memref<10000x128xf32, #tpu.memory_space<hbm>>
    tpu.wait_indirect_dma semaphore(%arg13 : memref<!tpu.dma_semaphore, #tpu.memory_space<semaphore_mem>>) src(%dma_wait3A_59 : memref<10000x128xf32, #tpu.memory_space<hbm>>) dst(%arg10 : memref<80x128xf32, #tpu.memory_space<vmem>>)
    %run_scoped3A = arith.constant 60 : i32
    "tpu.region"() ({
      %run_scoped3A_147 = tpu.sem_alloc : memref<!tpu.dma_semaphore, #tpu.memory_space<semaphore_mem>>
      %dma_start3A_148 = arith.constant 0 : i32
      %dma_start3A_149 = tpu.memref_slice %arg9[%run_scoped3A, %dma_start3A_148] : memref<64x80xi32, #tpu.memory_space<vmem>> -> memref<1x80xi32, #tpu.memory_space<vmem>>
      %dma_start3A_150 = tpu.memref_squeeze %dma_start3A_149 : memref<1x80xi32, #tpu.memory_space<vmem>> -> memref<80xi32, #tpu.memory_space<vmem>>
      %dma_start3A_151 = arith.constant 0 : i32
      %dma_start3A_152 = arith.constant 0 : i32
      %dma_start3A_153 = tpu.memref_slice %arg7[%dma_start3A_151, %dma_start3A_152] : memref<10000x128xf32, #tpu.memory_space<vmem_shared>> -> memref<10000x128xf32, #tpu.memory_space<vmem_shared>>
      tpu.enqueue_indirect_dma source(%arg10 : memref<80x128xf32, #tpu.memory_space<vmem>>) target(%dma_start3A_153 : memref<10000x128xf32, #tpu.memory_space<vmem_shared>>) offsets(%dma_start3A_150 : memref<80xi32, #tpu.memory_space<vmem>>) semaphore(%run_scoped3A_147 : memref<!tpu.dma_semaphore, #tpu.memory_space<semaphore_mem>>) {add = true}
      %dma_wait3A_154 = arith.constant 0 : i32
      %dma_wait3A_155 = tpu.memref_slice %arg9[%run_scoped3A, %dma_wait3A_154] : memref<64x80xi32, #tpu.memory_space<vmem>> -> memref<1x80xi32, #tpu.memory_space<vmem>>
      %dma_wait3A_156 = tpu.memref_squeeze %dma_wait3A_155 : memref<1x80xi32, #tpu.memory_space<vmem>> -> memref<80xi32, #tpu.memory_space<vmem>>
      %dma_wait3A_157 = arith.constant 0 : i32
      %dma_wait3A_158 = arith.constant 0 : i32
      %dma_wait3A_159 = tpu.memref_slice %arg7[%dma_wait3A_157, %dma_wait3A_158] : memref<10000x128xf32, #tpu.memory_space<vmem_shared>> -> memref<10000x128xf32, #tpu.memory_space<vmem_shared>>
      tpu.wait_indirect_dma semaphore(%run_scoped3A_147 : memref<!tpu.dma_semaphore, #tpu.memory_space<semaphore_mem>>) src(%arg10 : memref<80x128xf32, #tpu.memory_space<vmem>>) dst(%dma_wait3A_159 : memref<10000x128xf32, #tpu.memory_space<vmem_shared>>)
      tpu.yield
    }) : () -> ()
    %dma_start3A_60 = arith.constant 5040 : i32
    %dma_start3A_61 = tpu.memref_slice %arg8[%dma_start3A_60] : memref<5120xi32, #tpu.memory_space<vmem>> -> memref<80xi32, #tpu.memory_space<vmem>>
    %dma_start3A_62 = arith.constant 0 : i32
    %dma_start3A_63 = arith.constant 0 : i32
    %dma_start3A_64 = tpu.memref_slice %arg2[%dma_start3A_62, %dma_start3A_63] : memref<10000x128xf32, #tpu.memory_space<hbm>> -> memref<10000x128xf32, #tpu.memory_space<hbm>>
    tpu.enqueue_indirect_dma source(%dma_start3A_64 : memref<10000x128xf32, #tpu.memory_space<hbm>>) target(%arg10 : memref<80x128xf32, #tpu.memory_space<vmem>>) offsets(%dma_start3A_61 : memref<80xi32, #tpu.memory_space<vmem>>) semaphore(%arg13 : memref<!tpu.dma_semaphore, #tpu.memory_space<semaphore_mem>>)
    %dma_wait3A_65 = arith.constant 4880 : i32
    %dma_wait3A_66 = tpu.memref_slice %arg8[%dma_wait3A_65] : memref<5120xi32, #tpu.memory_space<vmem>> -> memref<80xi32, #tpu.memory_space<vmem>>
    %dma_wait3A_67 = arith.constant 0 : i32
    %dma_wait3A_68 = arith.constant 0 : i32
    %dma_wait3A_69 = tpu.memref_slice %arg2[%dma_wait3A_67, %dma_wait3A_68] : memref<10000x128xf32, #tpu.memory_space<hbm>> -> memref<10000x128xf32, #tpu.memory_space<hbm>>
    tpu.wait_indirect_dma semaphore(%arg14 : memref<!tpu.dma_semaphore, #tpu.memory_space<semaphore_mem>>) src(%dma_wait3A_69 : memref<10000x128xf32, #tpu.memory_space<hbm>>) dst(%arg11 : memref<80x128xf32, #tpu.memory_space<vmem>>)
    %run_scoped3A_70 = arith.constant 61 : i32
    "tpu.region"() ({
      %run_scoped3A_147 = tpu.sem_alloc : memref<!tpu.dma_semaphore, #tpu.memory_space<semaphore_mem>>
      %dma_start3A_148 = arith.constant 0 : i32
      %dma_start3A_149 = tpu.memref_slice %arg9[%run_scoped3A_70, %dma_start3A_148] : memref<64x80xi32, #tpu.memory_space<vmem>> -> memref<1x80xi32, #tpu.memory_space<vmem>>
      %dma_start3A_150 = tpu.memref_squeeze %dma_start3A_149 : memref<1x80xi32, #tpu.memory_space<vmem>> -> memref<80xi32, #tpu.memory_space<vmem>>
      %dma_start3A_151 = arith.constant 0 : i32
      %dma_start3A_152 = arith.constant 0 : i32
      %dma_start3A_153 = tpu.memref_slice %arg7[%dma_start3A_151, %dma_start3A_152] : memref<10000x128xf32, #tpu.memory_space<vmem_shared>> -> memref<10000x128xf32, #tpu.memory_space<vmem_shared>>
      tpu.enqueue_indirect_dma source(%arg11 : memref<80x128xf32, #tpu.memory_space<vmem>>) target(%dma_start3A_153 : memref<10000x128xf32, #tpu.memory_space<vmem_shared>>) offsets(%dma_start3A_150 : memref<80xi32, #tpu.memory_space<vmem>>) semaphore(%run_scoped3A_147 : memref<!tpu.dma_semaphore, #tpu.memory_space<semaphore_mem>>) {add = true}
      %dma_wait3A_154 = arith.constant 0 : i32
      %dma_wait3A_155 = tpu.memref_slice %arg9[%run_scoped3A_70, %dma_wait3A_154] : memref<64x80xi32, #tpu.memory_space<vmem>> -> memref<1x80xi32, #tpu.memory_space<vmem>>
      %dma_wait3A_156 = tpu.memref_squeeze %dma_wait3A_155 : memref<1x80xi32, #tpu.memory_space<vmem>> -> memref<80xi32, #tpu.memory_space<vmem>>
      %dma_wait3A_157 = arith.constant 0 : i32
      %dma_wait3A_158 = arith.constant 0 : i32
      %dma_wait3A_159 = tpu.memref_slice %arg7[%dma_wait3A_157, %dma_wait3A_158] : memref<10000x128xf32, #tpu.memory_space<vmem_shared>> -> memref<10000x128xf32, #tpu.memory_space<vmem_shared>>
      tpu.wait_indirect_dma semaphore(%run_scoped3A_147 : memref<!tpu.dma_semaphore, #tpu.memory_space<semaphore_mem>>) src(%arg11 : memref<80x128xf32, #tpu.memory_space<vmem>>) dst(%dma_wait3A_159 : memref<10000x128xf32, #tpu.memory_space<vmem_shared>>)
      tpu.yield
    }) : () -> ()
    %dma_wait3A_71 = arith.constant 4960 : i32
    %dma_wait3A_72 = tpu.memref_slice %arg8[%dma_wait3A_71] : memref<5120xi32, #tpu.memory_space<vmem>> -> memref<80xi32, #tpu.memory_space<vmem>>
    %dma_wait3A_73 = arith.constant 0 : i32
    %dma_wait3A_74 = arith.constant 0 : i32
    %dma_wait3A_75 = tpu.memref_slice %arg2[%dma_wait3A_73, %dma_wait3A_74] : memref<10000x128xf32, #tpu.memory_space<hbm>> -> memref<10000x128xf32, #tpu.memory_space<hbm>>
    tpu.wait_indirect_dma semaphore(%arg15 : memref<!tpu.dma_semaphore, #tpu.memory_space<semaphore_mem>>) src(%dma_wait3A_75 : memref<10000x128xf32, #tpu.memory_space<hbm>>) dst(%arg12 : memref<80x128xf32, #tpu.memory_space<vmem>>)
    %run_scoped3A_76 = arith.constant 62 : i32
    "tpu.region"() ({
      %run_scoped3A_147 = tpu.sem_alloc : memref<!tpu.dma_semaphore, #tpu.memory_space<semaphore_mem>>
      %dma_start3A_148 = arith.constant 0 : i32
      %dma_start3A_149 = tpu.memref_slice %arg9[%run_scoped3A_76, %dma_start3A_148] : memref<64x80xi32, #tpu.memory_space<vmem>> -> memref<1x80xi32, #tpu.memory_space<vmem>>
      %dma_start3A_150 = tpu.memref_squeeze %dma_start3A_149 : memref<1x80xi32, #tpu.memory_space<vmem>> -> memref<80xi32, #tpu.memory_space<vmem>>
      %dma_start3A_151 = arith.constant 0 : i32
      %dma_start3A_152 = arith.constant 0 : i32
      %dma_start3A_153 = tpu.memref_slice %arg7[%dma_start3A_151, %dma_start3A_152] : memref<10000x128xf32, #tpu.memory_space<vmem_shared>> -> memref<10000x128xf32, #tpu.memory_space<vmem_shared>>
      tpu.enqueue_indirect_dma source(%arg12 : memref<80x128xf32, #tpu.memory_space<vmem>>) target(%dma_start3A_153 : memref<10000x128xf32, #tpu.memory_space<vmem_shared>>) offsets(%dma_start3A_150 : memref<80xi32, #tpu.memory_space<vmem>>) semaphore(%run_scoped3A_147 : memref<!tpu.dma_semaphore, #tpu.memory_space<semaphore_mem>>) {add = true}
      %dma_wait3A_154 = arith.constant 0 : i32
      %dma_wait3A_155 = tpu.memref_slice %arg9[%run_scoped3A_76, %dma_wait3A_154] : memref<64x80xi32, #tpu.memory_space<vmem>> -> memref<1x80xi32, #tpu.memory_space<vmem>>
      %dma_wait3A_156 = tpu.memref_squeeze %dma_wait3A_155 : memref<1x80xi32, #tpu.memory_space<vmem>> -> memref<80xi32, #tpu.memory_space<vmem>>
      %dma_wait3A_157 = arith.constant 0 : i32
      %dma_wait3A_158 = arith.constant 0 : i32
      %dma_wait3A_159 = tpu.memref_slice %arg7[%dma_wait3A_157, %dma_wait3A_158] : memref<10000x128xf32, #tpu.memory_space<vmem_shared>> -> memref<10000x128xf32, #tpu.memory_space<vmem_shared>>
      tpu.wait_indirect_dma semaphore(%run_scoped3A_147 : memref<!tpu.dma_semaphore, #tpu.memory_space<semaphore_mem>>) src(%arg12 : memref<80x128xf32, #tpu.memory_space<vmem>>) dst(%dma_wait3A_159 : memref<10000x128xf32, #tpu.memory_space<vmem_shared>>)
      tpu.yield
    }) : () -> ()
    %dma_wait3A_77 = arith.constant 5040 : i32
    %dma_wait3A_78 = tpu.memref_slice %arg8[%dma_wait3A_77] : memref<5120xi32, #tpu.memory_space<vmem>> -> memref<80xi32, #tpu.memory_space<vmem>>
    %dma_wait3A_79 = arith.constant 0 : i32
    %dma_wait3A_80 = arith.constant 0 : i32
    %dma_wait3A_81 = tpu.memref_slice %arg2[%dma_wait3A_79, %dma_wait3A_80] : memref<10000x128xf32, #tpu.memory_space<hbm>> -> memref<10000x128xf32, #tpu.memory_space<hbm>>
    tpu.wait_indirect_dma semaphore(%arg13 : memref<!tpu.dma_semaphore, #tpu.memory_space<semaphore_mem>>) src(%dma_wait3A_81 : memref<10000x128xf32, #tpu.memory_space<hbm>>) dst(%arg10 : memref<80x128xf32, #tpu.memory_space<vmem>>)
    %run_scoped3A_82 = arith.constant 63 : i32
    "tpu.region"() ({
      %run_scoped3A_147 = tpu.sem_alloc : memref<!tpu.dma_semaphore, #tpu.memory_space<semaphore_mem>>
      %dma_start3A_148 = arith.constant 0 : i32
      %dma_start3A_149 = tpu.memref_slice %arg9[%run_scoped3A_82, %dma_start3A_148] : memref<64x80xi32, #tpu.memory_space<vmem>> -> memref<1x80xi32, #tpu.memory_space<vmem>>
      %dma_start3A_150 = tpu.memref_squeeze %dma_start3A_149 : memref<1x80xi32, #tpu.memory_space<vmem>> -> memref<80xi32, #tpu.memory_space<vmem>>
      %dma_start3A_151 = arith.constant 0 : i32
      %dma_start3A_152 = arith.constant 0 : i32
      %dma_start3A_153 = tpu.memref_slice %arg7[%dma_start3A_151, %dma_start3A_152] : memref<10000x128xf32, #tpu.memory_space<vmem_shared>> -> memref<10000x128xf32, #tpu.memory_space<vmem_shared>>
      tpu.enqueue_indirect_dma source(%arg10 : memref<80x128xf32, #tpu.memory_space<vmem>>) target(%dma_start3A_153 : memref<10000x128xf32, #tpu.memory_space<vmem_shared>>) offsets(%dma_start3A_150 : memref<80xi32, #tpu.memory_space<vmem>>) semaphore(%run_scoped3A_147 : memref<!tpu.dma_semaphore, #tpu.memory_space<semaphore_mem>>) {add = true}
      %dma_wait3A_154 = arith.constant 0 : i32
      %dma_wait3A_155 = tpu.memref_slice %arg9[%run_scoped3A_82, %dma_wait3A_154] : memref<64x80xi32, #tpu.memory_space<vmem>> -> memref<1x80xi32, #tpu.memory_space<vmem>>
      %dma_wait3A_156 = tpu.memref_squeeze %dma_wait3A_155 : memref<1x80xi32, #tpu.memory_space<vmem>> -> memref<80xi32, #tpu.memory_space<vmem>>
      %dma_wait3A_157 = arith.constant 0 : i32
      %dma_wait3A_158 = arith.constant 0 : i32
      %dma_wait3A_159 = tpu.memref_slice %arg7[%dma_wait3A_157, %dma_wait3A_158] : memref<10000x128xf32, #tpu.memory_space<vmem_shared>> -> memref<10000x128xf32, #tpu.memory_space<vmem_shared>>
      tpu.wait_indirect_dma semaphore(%run_scoped3A_147 : memref<!tpu.dma_semaphore, #tpu.memory_space<semaphore_mem>>) src(%arg10 : memref<80x128xf32, #tpu.memory_space<vmem>>) dst(%dma_wait3A_159 : memref<10000x128xf32, #tpu.memory_space<vmem_shared>>)
      tpu.yield
    }) : () -> ()
    %mul3A_83 = arith.constant 10000 : i32
    %mul3A_84 = arith.muli %add3A, %mul3A_83 : i32
    %add3A_85 = arith.constant 5120 : i32
    %add3A_86 = arith.addi %mul3A_84, %add3A_85 : i32
    "tpu.region"() ({
      %run_scoped3A_147 = tpu.sem_alloc : memref<!tpu.dma_semaphore, #tpu.memory_space<semaphore_mem>>
      %dma_start3A_148 = arith.constant 0 : i32
      %dma_start3A_149 = tpu.memref_slice %arg8[%dma_start3A_148] : memref<5120xi32, #tpu.memory_space<vmem>> -> memref<4880xi32, #tpu.memory_space<vmem>>
      %dma_start3A_150 = tpu.memref_slice %arg3[%add3A_86] : memref<320000xi32, #tpu.memory_space<hbm>> -> memref<4880xi32, #tpu.memory_space<hbm>>
      %dma_start3A_151 = arith.constant 0 : i32
      %dma_start3A_152 = tpu.memref_slice %arg8[%dma_start3A_151] : memref<5120xi32, #tpu.memory_space<vmem>> -> memref<4880xi32, #tpu.memory_space<vmem>>
      %dma_start3A_153 = tpu.memref_slice %arg3[%add3A_86] : memref<320000xi32, #tpu.memory_space<hbm>> -> memref<4880xi32, #tpu.memory_space<hbm>>
      tpu.enqueue_dma source(%dma_start3A_153 : memref<4880xi32, #tpu.memory_space<hbm>>) target(%dma_start3A_152 : memref<4880xi32, #tpu.memory_space<vmem>>) target_semaphore(%run_scoped3A_147 : memref<!tpu.dma_semaphore, #tpu.memory_space<semaphore_mem>>)
      %dma_wait3A_154 = arith.constant 0 : i32
      %dma_wait3A_155 = tpu.memref_slice %arg8[%dma_wait3A_154] : memref<5120xi32, #tpu.memory_space<vmem>> -> memref<4880xi32, #tpu.memory_space<vmem>>
      %dma_wait3A_156 = tpu.memref_slice %arg3[%add3A_86] : memref<320000xi32, #tpu.memory_space<hbm>> -> memref<4880xi32, #tpu.memory_space<hbm>>
      %dma_wait3A_157 = arith.constant 0 : i32
      %dma_wait3A_158 = tpu.memref_slice %arg8[%dma_wait3A_157] : memref<5120xi32, #tpu.memory_space<vmem>> -> memref<4880xi32, #tpu.memory_space<vmem>>
      %dma_wait3A_159 = tpu.memref_slice %arg3[%add3A_86] : memref<320000xi32, #tpu.memory_space<hbm>> -> memref<4880xi32, #tpu.memory_space<hbm>>
      tpu.wait_dma2 semaphore(%run_scoped3A_147 : memref<!tpu.dma_semaphore, #tpu.memory_space<semaphore_mem>>) src(%dma_wait3A_159 : memref<4880xi32, #tpu.memory_space<hbm>>) dst(%dma_wait3A_158 : memref<4880xi32, #tpu.memory_space<vmem>>)
      tpu.yield
    }) : () -> ()
    "tpu.region"() ({
      %run_scoped3A_147 = tpu.sem_alloc : memref<!tpu.dma_semaphore, #tpu.memory_space<semaphore_mem>>
      %dma_start3A_148 = arith.constant 64 : i32
      %dma_start3A_149 = arith.constant 0 : i32
      %dma_start3A_150 = tpu.memref_slice %arg4[%add3A, %dma_start3A_148, %dma_start3A_149] : memref<32x128x80xi32, #tpu.memory_space<hbm>> -> memref<1x64x80xi32, #tpu.memory_space<hbm>>
      %dma_start3A_151 = tpu.memref_squeeze %dma_start3A_150 : memref<1x64x80xi32, #tpu.memory_space<hbm>> -> memref<64x80xi32, #tpu.memory_space<hbm>>
      %dma_start3A_152 = arith.constant 64 : i32
      %dma_start3A_153 = arith.constant 0 : i32
      %dma_start3A_154 = tpu.memref_slice %arg4[%add3A, %dma_start3A_152, %dma_start3A_153] : memref<32x128x80xi32, #tpu.memory_space<hbm>> -> memref<1x64x80xi32, #tpu.memory_space<hbm>>
      %dma_start3A_155 = tpu.memref_squeeze %dma_start3A_154 : memref<1x64x80xi32, #tpu.memory_space<hbm>> -> memref<64x80xi32, #tpu.memory_space<hbm>>
      tpu.enqueue_dma source(%dma_start3A_155 : memref<64x80xi32, #tpu.memory_space<hbm>>) target(%arg9 : memref<64x80xi32, #tpu.memory_space<vmem>>) target_semaphore(%run_scoped3A_147 : memref<!tpu.dma_semaphore, #tpu.memory_space<semaphore_mem>>)
      %dma_wait3A_156 = arith.constant 64 : i32
      %dma_wait3A_157 = arith.constant 0 : i32
      %dma_wait3A_158 = tpu.memref_slice %arg4[%add3A, %dma_wait3A_156, %dma_wait3A_157] : memref<32x128x80xi32, #tpu.memory_space<hbm>> -> memref<1x64x80xi32, #tpu.memory_space<hbm>>
      %dma_wait3A_159 = tpu.memref_squeeze %dma_wait3A_158 : memref<1x64x80xi32, #tpu.memory_space<hbm>> -> memref<64x80xi32, #tpu.memory_space<hbm>>
      %dma_wait3A_160 = arith.constant 64 : i32
      %dma_wait3A_161 = arith.constant 0 : i32
      %dma_wait3A_162 = tpu.memref_slice %arg4[%add3A, %dma_wait3A_160, %dma_wait3A_161] : memref<32x128x80xi32, #tpu.memory_space<hbm>> -> memref<1x64x80xi32, #tpu.memory_space<hbm>>
      %dma_wait3A_163 = tpu.memref_squeeze %dma_wait3A_162 : memref<1x64x80xi32, #tpu.memory_space<hbm>> -> memref<64x80xi32, #tpu.memory_space<hbm>>
      tpu.wait_dma2 semaphore(%run_scoped3A_147 : memref<!tpu.dma_semaphore, #tpu.memory_space<semaphore_mem>>) src(%dma_wait3A_163 : memref<64x80xi32, #tpu.memory_space<hbm>>) dst(%arg9 : memref<64x80xi32, #tpu.memory_space<vmem>>)
      tpu.yield
    }) : () -> ()
    %dma_start3A_87 = arith.constant 0 : i32
    %dma_start3A_88 = tpu.memref_slice %arg8[%dma_start3A_87] : memref<5120xi32, #tpu.memory_space<vmem>> -> memref<80xi32, #tpu.memory_space<vmem>>
    %dma_start3A_89 = arith.constant 0 : i32
    %dma_start3A_90 = arith.constant 0 : i32
    %dma_start3A_91 = tpu.memref_slice %arg2[%dma_start3A_89, %dma_start3A_90] : memref<10000x128xf32, #tpu.memory_space<hbm>> -> memref<10000x128xf32, #tpu.memory_space<hbm>>
    tpu.enqueue_indirect_dma source(%dma_start3A_91 : memref<10000x128xf32, #tpu.memory_space<hbm>>) target(%arg10 : memref<80x128xf32, #tpu.memory_space<vmem>>) offsets(%dma_start3A_88 : memref<80xi32, #tpu.memory_space<vmem>>) semaphore(%arg13 : memref<!tpu.dma_semaphore, #tpu.memory_space<semaphore_mem>>)
    %dma_start3A_92 = arith.constant 80 : i32
    %dma_start3A_93 = tpu.memref_slice %arg8[%dma_start3A_92] : memref<5120xi32, #tpu.memory_space<vmem>> -> memref<80xi32, #tpu.memory_space<vmem>>
    %dma_start3A_94 = arith.constant 0 : i32
    %dma_start3A_95 = arith.constant 0 : i32
    %dma_start3A_96 = tpu.memref_slice %arg2[%dma_start3A_94, %dma_start3A_95] : memref<10000x128xf32, #tpu.memory_space<hbm>> -> memref<10000x128xf32, #tpu.memory_space<hbm>>
    tpu.enqueue_indirect_dma source(%dma_start3A_96 : memref<10000x128xf32, #tpu.memory_space<hbm>>) target(%arg11 : memref<80x128xf32, #tpu.memory_space<vmem>>) offsets(%dma_start3A_93 : memref<80xi32, #tpu.memory_space<vmem>>) semaphore(%arg14 : memref<!tpu.dma_semaphore, #tpu.memory_space<semaphore_mem>>)
    %dma_start3A_97 = arith.constant 160 : i32
    %dma_start3A_98 = tpu.memref_slice %arg8[%dma_start3A_97] : memref<5120xi32, #tpu.memory_space<vmem>> -> memref<80xi32, #tpu.memory_space<vmem>>
    %dma_start3A_99 = arith.constant 0 : i32
    %dma_start3A_100 = arith.constant 0 : i32
    %dma_start3A_101 = tpu.memref_slice %arg2[%dma_start3A_99, %dma_start3A_100] : memref<10000x128xf32, #tpu.memory_space<hbm>> -> memref<10000x128xf32, #tpu.memory_space<hbm>>
    tpu.enqueue_indirect_dma source(%dma_start3A_101 : memref<10000x128xf32, #tpu.memory_space<hbm>>) target(%arg12 : memref<80x128xf32, #tpu.memory_space<vmem>>) offsets(%dma_start3A_98 : memref<80xi32, #tpu.memory_space<vmem>>) semaphore(%arg15 : memref<!tpu.dma_semaphore, #tpu.memory_space<semaphore_mem>>)
    %scan3A_102 = arith.constant 0 : i32
    %scan3A_103 = arith.constant 0 : i32
    %scan3A_104 = arith.constant 19 : i32
    %scan3A_105 = arith.addi %scan3A_103, %scan3A_104 : i32
    %scan3A_106 = arith.constant 1 : i32
    scf.for %scan3A_147 = %scan3A_103 to %scan3A_105 step %scan3A_106  : i32 {
      %mul3A_148 = arith.constant 3 : i32
      %mul3A_149 = arith.muli %scan3A_147, %mul3A_148 : i32
      %add3A_150 = arith.constant 0 : i32
      %add3A_151 = arith.addi %mul3A_149, %add3A_150 : i32
      %mul3A_152 = arith.constant 80 : i32
      %mul3A_153 = arith.muli %add3A_151, %mul3A_152 : i32
      %dma_wait3A_154 = tpu.memref_slice %arg8[%mul3A_153] : memref<5120xi32, #tpu.memory_space<vmem>> -> memref<80xi32, #tpu.memory_space<vmem>>
      %dma_wait3A_155 = arith.constant 0 : i32
      %dma_wait3A_156 = arith.constant 0 : i32
      %dma_wait3A_157 = tpu.memref_slice %arg2[%dma_wait3A_155, %dma_wait3A_156] : memref<10000x128xf32, #tpu.memory_space<hbm>> -> memref<10000x128xf32, #tpu.memory_space<hbm>>
      tpu.wait_indirect_dma semaphore(%arg13 : memref<!tpu.dma_semaphore, #tpu.memory_space<semaphore_mem>>) src(%dma_wait3A_157 : memref<10000x128xf32, #tpu.memory_space<hbm>>) dst(%arg10 : memref<80x128xf32, #tpu.memory_space<vmem>>)
      "tpu.region"() ({
        %run_scoped3A_202 = tpu.sem_alloc : memref<!tpu.dma_semaphore, #tpu.memory_space<semaphore_mem>>
        %dma_start3A_203 = arith.constant 0 : i32
        %dma_start3A_204 = tpu.memref_slice %arg9[%add3A_151, %dma_start3A_203] : memref<64x80xi32, #tpu.memory_space<vmem>> -> memref<1x80xi32, #tpu.memory_space<vmem>>
        %dma_start3A_205 = tpu.memref_squeeze %dma_start3A_204 : memref<1x80xi32, #tpu.memory_space<vmem>> -> memref<80xi32, #tpu.memory_space<vmem>>
        %dma_start3A_206 = arith.constant 0 : i32
        %dma_start3A_207 = arith.constant 0 : i32
        %dma_start3A_208 = tpu.memref_slice %arg7[%dma_start3A_206, %dma_start3A_207] : memref<10000x128xf32, #tpu.memory_space<vmem_shared>> -> memref<10000x128xf32, #tpu.memory_space<vmem_shared>>
        tpu.enqueue_indirect_dma source(%arg10 : memref<80x128xf32, #tpu.memory_space<vmem>>) target(%dma_start3A_208 : memref<10000x128xf32, #tpu.memory_space<vmem_shared>>) offsets(%dma_start3A_205 : memref<80xi32, #tpu.memory_space<vmem>>) semaphore(%run_scoped3A_202 : memref<!tpu.dma_semaphore, #tpu.memory_space<semaphore_mem>>) {add = true}
        %dma_wait3A_209 = arith.constant 0 : i32
        %dma_wait3A_210 = tpu.memref_slice %arg9[%add3A_151, %dma_wait3A_209] : memref<64x80xi32, #tpu.memory_space<vmem>> -> memref<1x80xi32, #tpu.memory_space<vmem>>
        %dma_wait3A_211 = tpu.memref_squeeze %dma_wait3A_210 : memref<1x80xi32, #tpu.memory_space<vmem>> -> memref<80xi32, #tpu.memory_space<vmem>>
        %dma_wait3A_212 = arith.constant 0 : i32
        %dma_wait3A_213 = arith.constant 0 : i32
        %dma_wait3A_214 = tpu.memref_slice %arg7[%dma_wait3A_212, %dma_wait3A_213] : memref<10000x128xf32, #tpu.memory_space<vmem_shared>> -> memref<10000x128xf32, #tpu.memory_space<vmem_shared>>
        tpu.wait_indirect_dma semaphore(%run_scoped3A_202 : memref<!tpu.dma_semaphore, #tpu.memory_space<semaphore_mem>>) src(%arg10 : memref<80x128xf32, #tpu.memory_space<vmem>>) dst(%dma_wait3A_214 : memref<10000x128xf32, #tpu.memory_space<vmem_shared>>)
        tpu.yield
      }) : () -> ()
      %add3A_158 = arith.constant 3 : i32
      %add3A_159 = arith.addi %add3A_151, %add3A_158 : i32
      %mul3A_160 = arith.constant 80 : i32
      %mul3A_161 = arith.muli %add3A_159, %mul3A_160 : i32
      %dma_start3A_162 = tpu.memref_slice %arg8[%mul3A_161] : memref<5120xi32, #tpu.memory_space<vmem>> -> memref<80xi32, #tpu.memory_space<vmem>>
      %dma_start3A_163 = arith.constant 0 : i32
      %dma_start3A_164 = arith.constant 0 : i32
      %dma_start3A_165 = tpu.memref_slice %arg2[%dma_start3A_163, %dma_start3A_164] : memref<10000x128xf32, #tpu.memory_space<hbm>> -> memref<10000x128xf32, #tpu.memory_space<hbm>>
      tpu.enqueue_indirect_dma source(%dma_start3A_165 : memref<10000x128xf32, #tpu.memory_space<hbm>>) target(%arg10 : memref<80x128xf32, #tpu.memory_space<vmem>>) offsets(%dma_start3A_162 : memref<80xi32, #tpu.memory_space<vmem>>) semaphore(%arg13 : memref<!tpu.dma_semaphore, #tpu.memory_space<semaphore_mem>>)
      %mul3A_166 = arith.constant 3 : i32
      %mul3A_167 = arith.muli %scan3A_147, %mul3A_166 : i32
      %add3A_168 = arith.constant 1 : i32
      %add3A_169 = arith.addi %mul3A_167, %add3A_168 : i32
      %mul3A_170 = arith.constant 80 : i32
      %mul3A_171 = arith.muli %add3A_169, %mul3A_170 : i32
      %dma_wait3A_172 = tpu.memref_slice %arg8[%mul3A_171] : memref<5120xi32, #tpu.memory_space<vmem>> -> memref<80xi32, #tpu.memory_space<vmem>>
      %dma_wait3A_173 = arith.constant 0 : i32
      %dma_wait3A_174 = arith.constant 0 : i32
      %dma_wait3A_175 = tpu.memref_slice %arg2[%dma_wait3A_173, %dma_wait3A_174] : memref<10000x128xf32, #tpu.memory_space<hbm>> -> memref<10000x128xf32, #tpu.memory_space<hbm>>
      tpu.wait_indirect_dma semaphore(%arg14 : memref<!tpu.dma_semaphore, #tpu.memory_space<semaphore_mem>>) src(%dma_wait3A_175 : memref<10000x128xf32, #tpu.memory_space<hbm>>) dst(%arg11 : memref<80x128xf32, #tpu.memory_space<vmem>>)
      "tpu.region"() ({
        %run_scoped3A_202 = tpu.sem_alloc : memref<!tpu.dma_semaphore, #tpu.memory_space<semaphore_mem>>
        %dma_start3A_203 = arith.constant 0 : i32
        %dma_start3A_204 = tpu.memref_slice %arg9[%add3A_169, %dma_start3A_203] : memref<64x80xi32, #tpu.memory_space<vmem>> -> memref<1x80xi32, #tpu.memory_space<vmem>>
        %dma_start3A_205 = tpu.memref_squeeze %dma_start3A_204 : memref<1x80xi32, #tpu.memory_space<vmem>> -> memref<80xi32, #tpu.memory_space<vmem>>
        %dma_start3A_206 = arith.constant 0 : i32
        %dma_start3A_207 = arith.constant 0 : i32
        %dma_start3A_208 = tpu.memref_slice %arg7[%dma_start3A_206, %dma_start3A_207] : memref<10000x128xf32, #tpu.memory_space<vmem_shared>> -> memref<10000x128xf32, #tpu.memory_space<vmem_shared>>
        tpu.enqueue_indirect_dma source(%arg11 : memref<80x128xf32, #tpu.memory_space<vmem>>) target(%dma_start3A_208 : memref<10000x128xf32, #tpu.memory_space<vmem_shared>>) offsets(%dma_start3A_205 : memref<80xi32, #tpu.memory_space<vmem>>) semaphore(%run_scoped3A_202 : memref<!tpu.dma_semaphore, #tpu.memory_space<semaphore_mem>>) {add = true}
        %dma_wait3A_209 = arith.constant 0 : i32
        %dma_wait3A_210 = tpu.memref_slice %arg9[%add3A_169, %dma_wait3A_209] : memref<64x80xi32, #tpu.memory_space<vmem>> -> memref<1x80xi32, #tpu.memory_space<vmem>>
        %dma_wait3A_211 = tpu.memref_squeeze %dma_wait3A_210 : memref<1x80xi32, #tpu.memory_space<vmem>> -> memref<80xi32, #tpu.memory_space<vmem>>
        %dma_wait3A_212 = arith.constant 0 : i32
        %dma_wait3A_213 = arith.constant 0 : i32
        %dma_wait3A_214 = tpu.memref_slice %arg7[%dma_wait3A_212, %dma_wait3A_213] : memref<10000x128xf32, #tpu.memory_space<vmem_shared>> -> memref<10000x128xf32, #tpu.memory_space<vmem_shared>>
        tpu.wait_indirect_dma semaphore(%run_scoped3A_202 : memref<!tpu.dma_semaphore, #tpu.memory_space<semaphore_mem>>) src(%arg11 : memref<80x128xf32, #tpu.memory_space<vmem>>) dst(%dma_wait3A_214 : memref<10000x128xf32, #tpu.memory_space<vmem_shared>>)
        tpu.yield
      }) : () -> ()
      %add3A_176 = arith.constant 3 : i32
      %add3A_177 = arith.addi %add3A_169, %add3A_176 : i32
      %mul3A_178 = arith.constant 80 : i32
      %mul3A_179 = arith.muli %add3A_177, %mul3A_178 : i32
      %dma_start3A_180 = tpu.memref_slice %arg8[%mul3A_179] : memref<5120xi32, #tpu.memory_space<vmem>> -> memref<80xi32, #tpu.memory_space<vmem>>
      %dma_start3A_181 = arith.constant 0 : i32
      %dma_start3A_182 = arith.constant 0 : i32
      %dma_start3A_183 = tpu.memref_slice %arg2[%dma_start3A_181, %dma_start3A_182] : memref<10000x128xf32, #tpu.memory_space<hbm>> -> memref<10000x128xf32, #tpu.memory_space<hbm>>
      tpu.enqueue_indirect_dma source(%dma_start3A_183 : memref<10000x128xf32, #tpu.memory_space<hbm>>) target(%arg11 : memref<80x128xf32, #tpu.memory_space<vmem>>) offsets(%dma_start3A_180 : memref<80xi32, #tpu.memory_space<vmem>>) semaphore(%arg14 : memref<!tpu.dma_semaphore, #tpu.memory_space<semaphore_mem>>)
      %mul3A_184 = arith.constant 3 : i32
      %mul3A_185 = arith.muli %scan3A_147, %mul3A_184 : i32
      %add3A_186 = arith.constant 2 : i32
      %add3A_187 = arith.addi %mul3A_185, %add3A_186 : i32
      %mul3A_188 = arith.constant 80 : i32
      %mul3A_189 = arith.muli %add3A_187, %mul3A_188 : i32
      %dma_wait3A_190 = tpu.memref_slice %arg8[%mul3A_189] : memref<5120xi32, #tpu.memory_space<vmem>> -> memref<80xi32, #tpu.memory_space<vmem>>
      %dma_wait3A_191 = arith.constant 0 : i32
      %dma_wait3A_192 = arith.constant 0 : i32
      %dma_wait3A_193 = tpu.memref_slice %arg2[%dma_wait3A_191, %dma_wait3A_192] : memref<10000x128xf32, #tpu.memory_space<hbm>> -> memref<10000x128xf32, #tpu.memory_space<hbm>>
      tpu.wait_indirect_dma semaphore(%arg15 : memref<!tpu.dma_semaphore, #tpu.memory_space<semaphore_mem>>) src(%dma_wait3A_193 : memref<10000x128xf32, #tpu.memory_space<hbm>>) dst(%arg12 : memref<80x128xf32, #tpu.memory_space<vmem>>)
      "tpu.region"() ({
        %run_scoped3A_202 = tpu.sem_alloc : memref<!tpu.dma_semaphore, #tpu.memory_space<semaphore_mem>>
        %dma_start3A_203 = arith.constant 0 : i32
        %dma_start3A_204 = tpu.memref_slice %arg9[%add3A_187, %dma_start3A_203] : memref<64x80xi32, #tpu.memory_space<vmem>> -> memref<1x80xi32, #tpu.memory_space<vmem>>
        %dma_start3A_205 = tpu.memref_squeeze %dma_start3A_204 : memref<1x80xi32, #tpu.memory_space<vmem>> -> memref<80xi32, #tpu.memory_space<vmem>>
        %dma_start3A_206 = arith.constant 0 : i32
        %dma_start3A_207 = arith.constant 0 : i32
        %dma_start3A_208 = tpu.memref_slice %arg7[%dma_start3A_206, %dma_start3A_207] : memref<10000x128xf32, #tpu.memory_space<vmem_shared>> -> memref<10000x128xf32, #tpu.memory_space<vmem_shared>>
        tpu.enqueue_indirect_dma source(%arg12 : memref<80x128xf32, #tpu.memory_space<vmem>>) target(%dma_start3A_208 : memref<10000x128xf32, #tpu.memory_space<vmem_shared>>) offsets(%dma_start3A_205 : memref<80xi32, #tpu.memory_space<vmem>>) semaphore(%run_scoped3A_202 : memref<!tpu.dma_semaphore, #tpu.memory_space<semaphore_mem>>) {add = true}
        %dma_wait3A_209 = arith.constant 0 : i32
        %dma_wait3A_210 = tpu.memref_slice %arg9[%add3A_187, %dma_wait3A_209] : memref<64x80xi32, #tpu.memory_space<vmem>> -> memref<1x80xi32, #tpu.memory_space<vmem>>
        %dma_wait3A_211 = tpu.memref_squeeze %dma_wait3A_210 : memref<1x80xi32, #tpu.memory_space<vmem>> -> memref<80xi32, #tpu.memory_space<vmem>>
        %dma_wait3A_212 = arith.constant 0 : i32
        %dma_wait3A_213 = arith.constant 0 : i32
        %dma_wait3A_214 = tpu.memref_slice %arg7[%dma_wait3A_212, %dma_wait3A_213] : memref<10000x128xf32, #tpu.memory_space<vmem_shared>> -> memref<10000x128xf32, #tpu.memory_space<vmem_shared>>
        tpu.wait_indirect_dma semaphore(%run_scoped3A_202 : memref<!tpu.dma_semaphore, #tpu.memory_space<semaphore_mem>>) src(%arg12 : memref<80x128xf32, #tpu.memory_space<vmem>>) dst(%dma_wait3A_214 : memref<10000x128xf32, #tpu.memory_space<vmem_shared>>)
        tpu.yield
      }) : () -> ()
      %add3A_194 = arith.constant 3 : i32
      %add3A_195 = arith.addi %add3A_187, %add3A_194 : i32
      %mul3A_196 = arith.constant 80 : i32
      %mul3A_197 = arith.muli %add3A_195, %mul3A_196 : i32
      %dma_start3A_198 = tpu.memref_slice %arg8[%mul3A_197] : memref<5120xi32, #tpu.memory_space<vmem>> -> memref<80xi32, #tpu.memory_space<vmem>>
      %dma_start3A_199 = arith.constant 0 : i32
      %dma_start3A_200 = arith.constant 0 : i32
      %dma_start3A_201 = tpu.memref_slice %arg2[%dma_start3A_199, %dma_start3A_200] : memref<10000x128xf32, #tpu.memory_space<hbm>> -> memref<10000x128xf32, #tpu.memory_space<hbm>>
      tpu.enqueue_indirect_dma source(%dma_start3A_201 : memref<10000x128xf32, #tpu.memory_space<hbm>>) target(%arg12 : memref<80x128xf32, #tpu.memory_space<vmem>>) offsets(%dma_start3A_198 : memref<80xi32, #tpu.memory_space<vmem>>) semaphore(%arg15 : memref<!tpu.dma_semaphore, #tpu.memory_space<semaphore_mem>>)
    }
    %scan3A_107 = arith.constant 19 : i32
    %dma_wait3A_108 = arith.constant 4560 : i32
    %dma_wait3A_109 = tpu.memref_slice %arg8[%dma_wait3A_108] : memref<5120xi32, #tpu.memory_space<vmem>> -> memref<80xi32, #tpu.memory_space<vmem>>
    %dma_wait3A_110 = arith.constant 0 : i32
    %dma_wait3A_111 = arith.constant 0 : i32
    %dma_wait3A_112 = tpu.memref_slice %arg2[%dma_wait3A_110, %dma_wait3A_111] : memref<10000x128xf32, #tpu.memory_space<hbm>> -> memref<10000x128xf32, #tpu.memory_space<hbm>>
    tpu.wait_indirect_dma semaphore(%arg13 : memref<!tpu.dma_semaphore, #tpu.memory_space<semaphore_mem>>) src(%dma_wait3A_112 : memref<10000x128xf32, #tpu.memory_space<hbm>>) dst(%arg10 : memref<80x128xf32, #tpu.memory_space<vmem>>)
    %run_scoped3A_113 = arith.constant 57 : i32
    "tpu.region"() ({
      %run_scoped3A_147 = tpu.sem_alloc : memref<!tpu.dma_semaphore, #tpu.memory_space<semaphore_mem>>
      %dma_start3A_148 = arith.constant 0 : i32
      %dma_start3A_149 = tpu.memref_slice %arg9[%run_scoped3A_113, %dma_start3A_148] : memref<64x80xi32, #tpu.memory_space<vmem>> -> memref<1x80xi32, #tpu.memory_space<vmem>>
      %dma_start3A_150 = tpu.memref_squeeze %dma_start3A_149 : memref<1x80xi32, #tpu.memory_space<vmem>> -> memref<80xi32, #tpu.memory_space<vmem>>
      %dma_start3A_151 = arith.constant 0 : i32
      %dma_start3A_152 = arith.constant 0 : i32
      %dma_start3A_153 = tpu.memref_slice %arg7[%dma_start3A_151, %dma_start3A_152] : memref<10000x128xf32, #tpu.memory_space<vmem_shared>> -> memref<10000x128xf32, #tpu.memory_space<vmem_shared>>
      tpu.enqueue_indirect_dma source(%arg10 : memref<80x128xf32, #tpu.memory_space<vmem>>) target(%dma_start3A_153 : memref<10000x128xf32, #tpu.memory_space<vmem_shared>>) offsets(%dma_start3A_150 : memref<80xi32, #tpu.memory_space<vmem>>) semaphore(%run_scoped3A_147 : memref<!tpu.dma_semaphore, #tpu.memory_space<semaphore_mem>>) {add = true}
      %dma_wait3A_154 = arith.constant 0 : i32
      %dma_wait3A_155 = tpu.memref_slice %arg9[%run_scoped3A_113, %dma_wait3A_154] : memref<64x80xi32, #tpu.memory_space<vmem>> -> memref<1x80xi32, #tpu.memory_space<vmem>>
      %dma_wait3A_156 = tpu.memref_squeeze %dma_wait3A_155 : memref<1x80xi32, #tpu.memory_space<vmem>> -> memref<80xi32, #tpu.memory_space<vmem>>
      %dma_wait3A_157 = arith.constant 0 : i32
      %dma_wait3A_158 = arith.constant 0 : i32
      %dma_wait3A_159 = tpu.memref_slice %arg7[%dma_wait3A_157, %dma_wait3A_158] : memref<10000x128xf32, #tpu.memory_space<vmem_shared>> -> memref<10000x128xf32, #tpu.memory_space<vmem_shared>>
      tpu.wait_indirect_dma semaphore(%run_scoped3A_147 : memref<!tpu.dma_semaphore, #tpu.memory_space<semaphore_mem>>) src(%arg10 : memref<80x128xf32, #tpu.memory_space<vmem>>) dst(%dma_wait3A_159 : memref<10000x128xf32, #tpu.memory_space<vmem_shared>>)
      tpu.yield
    }) : () -> ()
    %dma_start3A_114 = arith.constant 4800 : i32
    %dma_start3A_115 = tpu.memref_slice %arg8[%dma_start3A_114] : memref<5120xi32, #tpu.memory_space<vmem>> -> memref<80xi32, #tpu.memory_space<vmem>>
    %dma_start3A_116 = arith.constant 0 : i32
    %dma_start3A_117 = arith.constant 0 : i32
    %dma_start3A_118 = tpu.memref_slice %arg2[%dma_start3A_116, %dma_start3A_117] : memref<10000x128xf32, #tpu.memory_space<hbm>> -> memref<10000x128xf32, #tpu.memory_space<hbm>>
    tpu.enqueue_indirect_dma source(%dma_start3A_118 : memref<10000x128xf32, #tpu.memory_space<hbm>>) target(%arg10 : memref<80x128xf32, #tpu.memory_space<vmem>>) offsets(%dma_start3A_115 : memref<80xi32, #tpu.memory_space<vmem>>) semaphore(%arg13 : memref<!tpu.dma_semaphore, #tpu.memory_space<semaphore_mem>>)
    %dma_wait3A_119 = arith.constant 4640 : i32
    %dma_wait3A_120 = tpu.memref_slice %arg8[%dma_wait3A_119] : memref<5120xi32, #tpu.memory_space<vmem>> -> memref<80xi32, #tpu.memory_space<vmem>>
    %dma_wait3A_121 = arith.constant 0 : i32
    %dma_wait3A_122 = arith.constant 0 : i32
    %dma_wait3A_123 = tpu.memref_slice %arg2[%dma_wait3A_121, %dma_wait3A_122] : memref<10000x128xf32, #tpu.memory_space<hbm>> -> memref<10000x128xf32, #tpu.memory_space<hbm>>
    tpu.wait_indirect_dma semaphore(%arg14 : memref<!tpu.dma_semaphore, #tpu.memory_space<semaphore_mem>>) src(%dma_wait3A_123 : memref<10000x128xf32, #tpu.memory_space<hbm>>) dst(%arg11 : memref<80x128xf32, #tpu.memory_space<vmem>>)
    %run_scoped3A_124 = arith.constant 58 : i32
    "tpu.region"() ({
      %run_scoped3A_147 = tpu.sem_alloc : memref<!tpu.dma_semaphore, #tpu.memory_space<semaphore_mem>>
      %dma_start3A_148 = arith.constant 0 : i32
      %dma_start3A_149 = tpu.memref_slice %arg9[%run_scoped3A_124, %dma_start3A_148] : memref<64x80xi32, #tpu.memory_space<vmem>> -> memref<1x80xi32, #tpu.memory_space<vmem>>
      %dma_start3A_150 = tpu.memref_squeeze %dma_start3A_149 : memref<1x80xi32, #tpu.memory_space<vmem>> -> memref<80xi32, #tpu.memory_space<vmem>>
      %dma_start3A_151 = arith.constant 0 : i32
      %dma_start3A_152 = arith.constant 0 : i32
      %dma_start3A_153 = tpu.memref_slice %arg7[%dma_start3A_151, %dma_start3A_152] : memref<10000x128xf32, #tpu.memory_space<vmem_shared>> -> memref<10000x128xf32, #tpu.memory_space<vmem_shared>>
      tpu.enqueue_indirect_dma source(%arg11 : memref<80x128xf32, #tpu.memory_space<vmem>>) target(%dma_start3A_153 : memref<10000x128xf32, #tpu.memory_space<vmem_shared>>) offsets(%dma_start3A_150 : memref<80xi32, #tpu.memory_space<vmem>>) semaphore(%run_scoped3A_147 : memref<!tpu.dma_semaphore, #tpu.memory_space<semaphore_mem>>) {add = true}
      %dma_wait3A_154 = arith.constant 0 : i32
      %dma_wait3A_155 = tpu.memref_slice %arg9[%run_scoped3A_124, %dma_wait3A_154] : memref<64x80xi32, #tpu.memory_space<vmem>> -> memref<1x80xi32, #tpu.memory_space<vmem>>
      %dma_wait3A_156 = tpu.memref_squeeze %dma_wait3A_155 : memref<1x80xi32, #tpu.memory_space<vmem>> -> memref<80xi32, #tpu.memory_space<vmem>>
      %dma_wait3A_157 = arith.constant 0 : i32
      %dma_wait3A_158 = arith.constant 0 : i32
      %dma_wait3A_159 = tpu.memref_slice %arg7[%dma_wait3A_157, %dma_wait3A_158] : memref<10000x128xf32, #tpu.memory_space<vmem_shared>> -> memref<10000x128xf32, #tpu.memory_space<vmem_shared>>
      tpu.wait_indirect_dma semaphore(%run_scoped3A_147 : memref<!tpu.dma_semaphore, #tpu.memory_space<semaphore_mem>>) src(%arg11 : memref<80x128xf32, #tpu.memory_space<vmem>>) dst(%dma_wait3A_159 : memref<10000x128xf32, #tpu.memory_space<vmem_shared>>)
      tpu.yield
    }) : () -> ()
    %dma_wait3A_125 = arith.constant 4720 : i32
    %dma_wait3A_126 = tpu.memref_slice %arg8[%dma_wait3A_125] : memref<5120xi32, #tpu.memory_space<vmem>> -> memref<80xi32, #tpu.memory_space<vmem>>
    %dma_wait3A_127 = arith.constant 0 : i32
    %dma_wait3A_128 = arith.constant 0 : i32
    %dma_wait3A_129 = tpu.memref_slice %arg2[%dma_wait3A_127, %dma_wait3A_128] : memref<10000x128xf32, #tpu.memory_space<hbm>> -> memref<10000x128xf32, #tpu.memory_space<hbm>>
    tpu.wait_indirect_dma semaphore(%arg15 : memref<!tpu.dma_semaphore, #tpu.memory_space<semaphore_mem>>) src(%dma_wait3A_129 : memref<10000x128xf32, #tpu.memory_space<hbm>>) dst(%arg12 : memref<80x128xf32, #tpu.memory_space<vmem>>)
    %run_scoped3A_130 = arith.constant 59 : i32
    "tpu.region"() ({
      %run_scoped3A_147 = tpu.sem_alloc : memref<!tpu.dma_semaphore, #tpu.memory_space<semaphore_mem>>
      %dma_start3A_148 = arith.constant 0 : i32
      %dma_start3A_149 = tpu.memref_slice %arg9[%run_scoped3A_130, %dma_start3A_148] : memref<64x80xi32, #tpu.memory_space<vmem>> -> memref<1x80xi32, #tpu.memory_space<vmem>>
      %dma_start3A_150 = tpu.memref_squeeze %dma_start3A_149 : memref<1x80xi32, #tpu.memory_space<vmem>> -> memref<80xi32, #tpu.memory_space<vmem>>
      %dma_start3A_151 = arith.constant 0 : i32
      %dma_start3A_152 = arith.constant 0 : i32
      %dma_start3A_153 = tpu.memref_slice %arg7[%dma_start3A_151, %dma_start3A_152] : memref<10000x128xf32, #tpu.memory_space<vmem_shared>> -> memref<10000x128xf32, #tpu.memory_space<vmem_shared>>
      tpu.enqueue_indirect_dma source(%arg12 : memref<80x128xf32, #tpu.memory_space<vmem>>) target(%dma_start3A_153 : memref<10000x128xf32, #tpu.memory_space<vmem_shared>>) offsets(%dma_start3A_150 : memref<80xi32, #tpu.memory_space<vmem>>) semaphore(%run_scoped3A_147 : memref<!tpu.dma_semaphore, #tpu.memory_space<semaphore_mem>>) {add = true}
      %dma_wait3A_154 = arith.constant 0 : i32
      %dma_wait3A_155 = tpu.memref_slice %arg9[%run_scoped3A_130, %dma_wait3A_154] : memref<64x80xi32, #tpu.memory_space<vmem>> -> memref<1x80xi32, #tpu.memory_space<vmem>>
      %dma_wait3A_156 = tpu.memref_squeeze %dma_wait3A_155 : memref<1x80xi32, #tpu.memory_space<vmem>> -> memref<80xi32, #tpu.memory_space<vmem>>
      %dma_wait3A_157 = arith.constant 0 : i32
      %dma_wait3A_158 = arith.constant 0 : i32
      %dma_wait3A_159 = tpu.memref_slice %arg7[%dma_wait3A_157, %dma_wait3A_158] : memref<10000x128xf32, #tpu.memory_space<vmem_shared>> -> memref<10000x128xf32, #tpu.memory_space<vmem_shared>>
      tpu.wait_indirect_dma semaphore(%run_scoped3A_147 : memref<!tpu.dma_semaphore, #tpu.memory_space<semaphore_mem>>) src(%arg12 : memref<80x128xf32, #tpu.memory_space<vmem>>) dst(%dma_wait3A_159 : memref<10000x128xf32, #tpu.memory_space<vmem_shared>>)
      tpu.yield
    }) : () -> ()
    %dma_wait3A_131 = arith.constant 4800 : i32
    %dma_wait3A_132 = tpu.memref_slice %arg8[%dma_wait3A_131] : memref<5120xi32, #tpu.memory_space<vmem>> -> memref<80xi32, #tpu.memory_space<vmem>>
    %dma_wait3A_133 = arith.constant 0 : i32
    %dma_wait3A_134 = arith.constant 0 : i32
    %dma_wait3A_135 = tpu.memref_slice %arg2[%dma_wait3A_133, %dma_wait3A_134] : memref<10000x128xf32, #tpu.memory_space<hbm>> -> memref<10000x128xf32, #tpu.memory_space<hbm>>
    tpu.wait_indirect_dma semaphore(%arg13 : memref<!tpu.dma_semaphore, #tpu.memory_space<semaphore_mem>>) src(%dma_wait3A_135 : memref<10000x128xf32, #tpu.memory_space<hbm>>) dst(%arg10 : memref<80x128xf32, #tpu.memory_space<vmem>>)
    %run_scoped3A_136 = arith.constant 60 : i32
    "tpu.region"() ({
      %run_scoped3A_147 = tpu.sem_alloc : memref<!tpu.dma_semaphore, #tpu.memory_space<semaphore_mem>>
      %dma_start3A_148 = arith.constant 0 : i32
      %dma_start3A_149 = tpu.memref_slice %arg9[%run_scoped3A_136, %dma_start3A_148] : memref<64x80xi32, #tpu.memory_space<vmem>> -> memref<1x80xi32, #tpu.memory_space<vmem>>
      %dma_start3A_150 = tpu.memref_squeeze %dma_start3A_149 : memref<1x80xi32, #tpu.memory_space<vmem>> -> memref<80xi32, #tpu.memory_space<vmem>>
      %dma_start3A_151 = arith.constant 0 : i32
      %dma_start3A_152 = arith.constant 0 : i32
      %dma_start3A_153 = tpu.memref_slice %arg7[%dma_start3A_151, %dma_start3A_152] : memref<10000x128xf32, #tpu.memory_space<vmem_shared>> -> memref<10000x128xf32, #tpu.memory_space<vmem_shared>>
      tpu.enqueue_indirect_dma source(%arg10 : memref<80x128xf32, #tpu.memory_space<vmem>>) target(%dma_start3A_153 : memref<10000x128xf32, #tpu.memory_space<vmem_shared>>) offsets(%dma_start3A_150 : memref<80xi32, #tpu.memory_space<vmem>>) semaphore(%run_scoped3A_147 : memref<!tpu.dma_semaphore, #tpu.memory_space<semaphore_mem>>) {add = true}
      %dma_wait3A_154 = arith.constant 0 : i32
      %dma_wait3A_155 = tpu.memref_slice %arg9[%run_scoped3A_136, %dma_wait3A_154] : memref<64x80xi32, #tpu.memory_space<vmem>> -> memref<1x80xi32, #tpu.memory_space<vmem>>
      %dma_wait3A_156 = tpu.memref_squeeze %dma_wait3A_155 : memref<1x80xi32, #tpu.memory_space<vmem>> -> memref<80xi32, #tpu.memory_space<vmem>>
      %dma_wait3A_157 = arith.constant 0 : i32
      %dma_wait3A_158 = arith.constant 0 : i32
      %dma_wait3A_159 = tpu.memref_slice %arg7[%dma_wait3A_157, %dma_wait3A_158] : memref<10000x128xf32, #tpu.memory_space<vmem_shared>> -> memref<10000x128xf32, #tpu.memory_space<vmem_shared>>
      tpu.wait_indirect_dma semaphore(%run_scoped3A_147 : memref<!tpu.dma_semaphore, #tpu.memory_space<semaphore_mem>>) src(%arg10 : memref<80x128xf32, #tpu.memory_space<vmem>>) dst(%dma_wait3A_159 : memref<10000x128xf32, #tpu.memory_space<vmem_shared>>)
      tpu.yield
    }) : () -> ()
    %barrier3A_137 = arith.constant 0 : index
    tpu.barrier barrier_id(%barrier3A_137)
    %mul3A_138 = arith.constant 624 : i32
    %mul3A_139 = arith.muli %arg1, %mul3A_138 : i32
    %mul3A_140 = arith.constant 624 : i32
    %mul3A_141 = arith.muli %arg1, %mul3A_140 : i32
    "tpu.region"() ({
      %run_scoped3A_147 = tpu.sem_alloc : memref<!tpu.dma_semaphore, #tpu.memory_space<semaphore_mem>>
      %dma_start3A_148 = arith.constant 0 : i32
      %dma_start3A_149 = tpu.memref_slice %arg6[%arg0, %mul3A_141, %dma_start3A_148] : memref<2x10000x128xf32, #tpu.memory_space<hbm>> -> memref<1x624x128xf32, #tpu.memory_space<hbm>>
      %dma_start3A_150 = tpu.memref_squeeze %dma_start3A_149 : memref<1x624x128xf32, #tpu.memory_space<hbm>> -> memref<624x128xf32, #tpu.memory_space<hbm>>
      %dma_start3A_151 = arith.constant 0 : i32
      %dma_start3A_152 = tpu.memref_slice %arg7[%mul3A_139, %dma_start3A_151] : memref<10000x128xf32, #tpu.memory_space<vmem_shared>> -> memref<624x128xf32, #tpu.memory_space<vmem_shared>>
      tpu.enqueue_dma source(%dma_start3A_152 : memref<624x128xf32, #tpu.memory_space<vmem_shared>>) target(%dma_start3A_150 : memref<624x128xf32, #tpu.memory_space<hbm>>) target_semaphore(%run_scoped3A_147 : memref<!tpu.dma_semaphore, #tpu.memory_space<semaphore_mem>>)
      %dma_wait3A_153 = arith.constant 0 : i32
      %dma_wait3A_154 = tpu.memref_slice %arg6[%arg0, %mul3A_141, %dma_wait3A_153] : memref<2x10000x128xf32, #tpu.memory_space<hbm>> -> memref<1x624x128xf32, #tpu.memory_space<hbm>>
      %dma_wait3A_155 = tpu.memref_squeeze %dma_wait3A_154 : memref<1x624x128xf32, #tpu.memory_space<hbm>> -> memref<624x128xf32, #tpu.memory_space<hbm>>
      %dma_wait3A_156 = arith.constant 0 : i32
      %dma_wait3A_157 = tpu.memref_slice %arg7[%mul3A_139, %dma_wait3A_156] : memref<10000x128xf32, #tpu.memory_space<vmem_shared>> -> memref<624x128xf32, #tpu.memory_space<vmem_shared>>
      tpu.wait_dma2 semaphore(%run_scoped3A_147 : memref<!tpu.dma_semaphore, #tpu.memory_space<semaphore_mem>>) src(%dma_wait3A_157 : memref<624x128xf32, #tpu.memory_space<vmem_shared>>) dst(%dma_wait3A_155 : memref<624x128xf32, #tpu.memory_space<hbm>>)
      tpu.yield
    }) : () -> ()
    %eq3A_142 = arith.constant 15 : i32
    %eq3A_143 = arith.cmpi eq, %arg1, %eq3A_142 : i32
    %convert_element_type3A_144 = arith.extui %eq3A_143 : i1 to i32
    %cond3A_145 = arith.constant 0 : i32
    %cond3A_146 = arith.cmpi ne, %convert_element_type3A_144, %cond3A_145 : i32
    scf.if %cond3A_146 {
      "tpu.region"() ({
        %run_scoped3A_147 = tpu.sem_alloc : memref<!tpu.dma_semaphore, #tpu.memory_space<semaphore_mem>>
        %dma_start3A_148 = arith.constant 9984 : i32
        %dma_start3A_149 = arith.constant 0 : i32
        %dma_start3A_150 = tpu.memref_slice %arg6[%arg0, %dma_start3A_148, %dma_start3A_149] : memref<2x10000x128xf32, #tpu.memory_space<hbm>> -> memref<1x16x128xf32, #tpu.memory_space<hbm>>
        %dma_start3A_151 = tpu.memref_squeeze %dma_start3A_150 : memref<1x16x128xf32, #tpu.memory_space<hbm>> -> memref<16x128xf32, #tpu.memory_space<hbm>>
        %dma_start3A_152 = arith.constant 9984 : i32
        %dma_start3A_153 = arith.constant 0 : i32
        %dma_start3A_154 = tpu.memref_slice %arg7[%dma_start3A_152, %dma_start3A_153] : memref<10000x128xf32, #tpu.memory_space<vmem_shared>> -> memref<16x128xf32, #tpu.memory_space<vmem_shared>>
        tpu.enqueue_dma source(%dma_start3A_154 : memref<16x128xf32, #tpu.memory_space<vmem_shared>>) target(%dma_start3A_151 : memref<16x128xf32, #tpu.memory_space<hbm>>) target_semaphore(%run_scoped3A_147 : memref<!tpu.dma_semaphore, #tpu.memory_space<semaphore_mem>>)
        %dma_wait3A_155 = arith.constant 9984 : i32
        %dma_wait3A_156 = arith.constant 0 : i32
        %dma_wait3A_157 = tpu.memref_slice %arg6[%arg0, %dma_wait3A_155, %dma_wait3A_156] : memref<2x10000x128xf32, #tpu.memory_space<hbm>> -> memref<1x16x128xf32, #tpu.memory_space<hbm>>
        %dma_wait3A_158 = tpu.memref_squeeze %dma_wait3A_157 : memref<1x16x128xf32, #tpu.memory_space<hbm>> -> memref<16x128xf32, #tpu.memory_space<hbm>>
        %dma_wait3A_159 = arith.constant 9984 : i32
        %dma_wait3A_160 = arith.constant 0 : i32
        %dma_wait3A_161 = tpu.memref_slice %arg7[%dma_wait3A_159, %dma_wait3A_160] : memref<10000x128xf32, #tpu.memory_space<vmem_shared>> -> memref<16x128xf32, #tpu.memory_space<vmem_shared>>
        tpu.wait_dma2 semaphore(%run_scoped3A_147 : memref<!tpu.dma_semaphore, #tpu.memory_space<semaphore_mem>>) src(%dma_wait3A_161 : memref<16x128xf32, #tpu.memory_space<vmem_shared>>) dst(%dma_wait3A_158 : memref<16x128xf32, #tpu.memory_space<hbm>>)
        tpu.yield
      }) : () -> ()
    } else {
    }
    return
  }
}

module attributes {stable_mosaic.version = 14 : i64} {
  func.func @_tc_scale_body(%arg0: i32, %arg1: memref<1x32x1000xf32, #tpu.memory_space<vmem>>, %arg2: memref<1000x128xf32, #tpu.memory_space<vmem>>, %arg3: memref<1000x128xf32, #tpu.memory_space<vmem>>, %arg4: memref<1000x1xf32, #tpu.memory_space<vmem>>) attributes {dimension_semantics = [#tpu.dimension_semantics<arbitrary>], iteration_bounds = array<i64: 10>, scalar_prefetch = 0 : i64, scratch_operands = 0 : i64, tpu.core_type = #tpu.core_type<tc>, window_params = [{transform_indices = @transform_0, window_bounds = array<i64: 1, 32, 1000>}, {transform_indices = @transform_1, window_bounds = array<i64: 1000, 128>}, {transform_indices = @transform_2, window_bounds = array<i64: 1000, 128>}, {transform_indices = @transform_3, window_bounds = array<i64: 1000, 1>}]} {
    %get3A = arith.constant 0 : index
    %get3A_0 = arith.constant 0 : index
    %get3A_1 = arith.constant 0 : index
    %get3A_2 = vector.load %arg1[%get3A, %get3A_0, %get3A_1] : memref<1x32x1000xf32, #tpu.memory_space<vmem>>, vector<1x32x1000xf32>
    %reshape3A = vector.shape_cast %get3A_2 : vector<1x32x1000xf32> to vector<32x1000xf32>
    %broadcast_in_dim3A = arith.constant 1.000000e+00 : f32
    %broadcast_in_dim3A_3 = vector.broadcast %broadcast_in_dim3A : f32 to vector<32x1xf32>
    %dot_general3A = arith.constant dense<0.000000e+00> : vector<1000x1xf32>
    %dot_general3A_4 = tpu.matmul %reshape3A, %broadcast_in_dim3A_3, %dot_general3A {dimension_numbers = #tpu.dot_dimension_numbers<[0], [0], [1], [1], [0, 1, 1, 1], [], []>, transpose_lhs_hint = false} : vector<32x1000xf32>, vector<32x1xf32>, vector<1000x1xf32> -> vector<1000x1xf32>
    %add3A = arith.constant 1.000000e+00 : f32
    %add3A_5 = vector.broadcast %add3A : f32 to vector<1000x1xf32>
    %add3A_6 = arith.addf %dot_general3A_4, %add3A_5 : vector<1000x1xf32>
    %rsqrt3A = math.rsqrt %add3A_6 : vector<1000x1xf32>
    %get3A_7 = arith.constant 0 : index
    %get3A_8 = arith.constant 0 : index
    %get3A_9 = vector.load %arg2[%get3A_7, %get3A_8] : memref<1000x128xf32, #tpu.memory_space<vmem>>, vector<1000x128xf32>
    %mul3A = vector.broadcast %rsqrt3A : vector<1000x1xf32> to vector<1000x128xf32>
    %mul3A_10 = arith.mulf %get3A_9, %mul3A : vector<1000x128xf32>
    %swap3A = arith.constant 0 : index
    %swap3A_11 = arith.constant 0 : index
    %swap3A_12 = vector.load %arg3[%swap3A, %swap3A_11] : memref<1000x128xf32, #tpu.memory_space<vmem>>, vector<1000x128xf32>
    tpu.vector_store %arg3[%swap3A, %swap3A_11], %mul3A_10 {strides = array<i32>} : memref<1000x128xf32, #tpu.memory_space<vmem>>, vector<1000x128xf32>,
    %swap3A_13 = arith.constant 0 : index
    %swap3A_14 = arith.constant 0 : index
    %swap3A_15 = vector.load %arg4[%swap3A_13, %swap3A_14] : memref<1000x1xf32, #tpu.memory_space<vmem>>, vector<1000x1xf32>
    tpu.vector_store %arg4[%swap3A_13, %swap3A_14], %rsqrt3A {strides = array<i32>} : memref<1000x1xf32, #tpu.memory_space<vmem>>, vector<1000x1xf32>,
    return
  }
  func.func @transform_0(%arg0: i32) -> (i32, i32, i32) {
    %c0_i32 = arith.constant 0 : i32
    %c0_i32_0 = arith.constant 0 : i32
    %c0_i32_1 = arith.constant 0 : i32
    return %arg0, %c0_i32, %c0_i32_0 : i32, i32, i32
  }
  func.func @transform_1(%arg0: i32) -> (i32, i32) {
    %c0_i32 = arith.constant 0 : i32
    %c0_i32_0 = arith.constant 0 : i32
    return %arg0, %c0_i32 : i32, i32
  }
  func.func @transform_2(%arg0: i32) -> (i32, i32) {
    %c0_i32 = arith.constant 0 : i32
    %c0_i32_0 = arith.constant 0 : i32
    return %arg0, %c0_i32 : i32, i32
  }
  func.func @transform_3(%arg0: i32) -> (i32, i32) {
    %c0_i32 = arith.constant 0 : i32
    %c0_i32_0 = arith.constant 0 : i32
    return %arg0, %c0_i32 : i32, i32
  }
}

module attributes {stable_mosaic.version = 14 : i64} {
  func.func @_tc_out_body(%arg0: i32, %arg1: memref<1000x1xf32, #tpu.memory_space<vmem>>, %arg2: memref<1000x128xf32, #tpu.memory_space<vmem>>, %arg3: memref<1000x128xf32, #tpu.memory_space<vmem>>, %arg4: memref<1000x128xf32, #tpu.memory_space<vmem>>, %arg5: memref<1x128xf32, #tpu.memory_space<vmem>>, %arg6: memref<1000x128xf32, #tpu.memory_space<vmem>>) attributes {dimension_semantics = [#tpu.dimension_semantics<arbitrary>], iteration_bounds = array<i64: 10>, scalar_prefetch = 0 : i64, scratch_operands = 0 : i64, tpu.core_type = #tpu.core_type<tc>, window_params = [{transform_indices = @transform_0, window_bounds = array<i64: 1000, 1>}, {transform_indices = @transform_1, window_bounds = array<i64: 1000, 128>}, {transform_indices = @transform_2, window_bounds = array<i64: 1000, 128>}, {transform_indices = @transform_3, window_bounds = array<i64: 1000, 128>}, {pipeline_mode = #tpu.pipeline_mode<synchronous>, transform_indices = @transform_4, window_bounds = array<i64: 1, 128>}, {transform_indices = @transform_5, window_bounds = array<i64: 1000, 128>}]} {
    %get3A = arith.constant 0 : index
    %get3A_0 = arith.constant 0 : index
    %get3A_1 = vector.load %arg2[%get3A, %get3A_0] : memref<1000x128xf32, #tpu.memory_space<vmem>>, vector<1000x128xf32>
    %get3A_2 = arith.constant 0 : index
    %get3A_3 = arith.constant 0 : index
    %get3A_4 = vector.load %arg3[%get3A_2, %get3A_3] : memref<1000x128xf32, #tpu.memory_space<vmem>>, vector<1000x128xf32>
    %add3A = arith.addf %get3A_1, %get3A_4 : vector<1000x128xf32>
    %get3A_5 = arith.constant 0 : index
    %get3A_6 = arith.constant 0 : index
    %get3A_7 = vector.load %arg4[%get3A_5, %get3A_6] : memref<1000x128xf32, #tpu.memory_space<vmem>>, vector<1000x128xf32>
    %add3A_8 = arith.addf %add3A, %get3A_7 : vector<1000x128xf32>
    %get3A_9 = arith.constant 0 : index
    %get3A_10 = arith.constant 0 : index
    %get3A_11 = vector.load %arg1[%get3A_9, %get3A_10] : memref<1000x1xf32, #tpu.memory_space<vmem>>, vector<1000x1xf32>
    %mul3A = vector.broadcast %get3A_11 : vector<1000x1xf32> to vector<1000x128xf32>
    %mul3A_12 = arith.mulf %add3A_8, %mul3A : vector<1000x128xf32>
    %get3A_13 = arith.constant 0 : index
    %get3A_14 = arith.constant 0 : index
    %get3A_15 = vector.load %arg5[%get3A_13, %get3A_14] : memref<1x128xf32, #tpu.memory_space<vmem>>, vector<1x128xf32>
    %add3A_16 = vector.broadcast %get3A_15 : vector<1x128xf32> to vector<1000x128xf32>
    %add3A_17 = arith.addf %mul3A_12, %add3A_16 : vector<1000x128xf32>
    %swap3A = arith.constant 0 : index
    %swap3A_18 = arith.constant 0 : index
    %swap3A_19 = vector.load %arg6[%swap3A, %swap3A_18] : memref<1000x128xf32, #tpu.memory_space<vmem>>, vector<1000x128xf32>
    tpu.vector_store %arg6[%swap3A, %swap3A_18], %add3A_17 {strides = array<i32>} : memref<1000x128xf32, #tpu.memory_space<vmem>>, vector<1000x128xf32>,
    return
  }
  func.func @transform_0(%arg0: i32) -> (i32, i32) {
    %c0_i32 = arith.constant 0 : i32
    %c0_i32_0 = arith.constant 0 : i32
    return %arg0, %c0_i32 : i32, i32
  }
  func.func @transform_1(%arg0: i32) -> (i32, i32) {
    %c0_i32 = arith.constant 0 : i32
    %c0_i32_0 = arith.constant 0 : i32
    return %arg0, %c0_i32 : i32, i32
  }
  func.func @transform_2(%arg0: i32) -> (i32, i32) {
    %c0_i32 = arith.constant 0 : i32
    %c0_i32_0 = arith.constant 0 : i32
    return %arg0, %c0_i32 : i32, i32
  }
  func.func @transform_3(%arg0: i32) -> (i32, i32) {
    %c0_i32 = arith.constant 0 : i32
    %c0_i32_0 = arith.constant 0 : i32
    return %arg0, %c0_i32 : i32, i32
  }
  func.func @transform_4(%arg0: i32) -> (i32, i32) {
    %c0_i32 = arith.constant 0 : i32
    %c0_i32_0 = arith.constant 0 : i32
    %c0_i32_1 = arith.constant 0 : i32
    return %c0_i32, %c0_i32_0 : i32, i32
  }
  func.func @transform_5(%arg0: i32) -> (i32, i32) {
    %c0_i32 = arith.constant 0 : i32
    %c0_i32_0 = arith.constant 0 : i32
    return %arg0, %c0_i32 : i32, i32
  }
}

module attributes {stable_mosaic.version = 14 : i64} {
  func.func @_tc_mid_body(%arg0: i32, %arg1: memref<1000x1xf32, #tpu.memory_space<vmem>>, %arg2: memref<1000x128xf32, #tpu.memory_space<vmem>>, %arg3: memref<1000x128xf32, #tpu.memory_space<vmem>>, %arg4: memref<1000x128xf32, #tpu.memory_space<vmem>>, %arg5: memref<128x256xf32, #tpu.memory_space<vmem>>, %arg6: memref<1x256xf32, #tpu.memory_space<vmem>>, %arg7: memref<256x128xf32, #tpu.memory_space<vmem>>, %arg8: memref<1000x128xf32, #tpu.memory_space<vmem>>) attributes {dimension_semantics = [#tpu.dimension_semantics<arbitrary>], iteration_bounds = array<i64: 10>, scalar_prefetch = 0 : i64, scratch_operands = 0 : i64, tpu.core_type = #tpu.core_type<tc>, window_params = [{transform_indices = @transform_0, window_bounds = array<i64: 1000, 1>}, {transform_indices = @transform_1, window_bounds = array<i64: 1000, 128>}, {transform_indices = @transform_2, window_bounds = array<i64: 1000, 128>}, {transform_indices = @transform_3, window_bounds = array<i64: 1000, 128>}, {pipeline_mode = #tpu.pipeline_mode<synchronous>, transform_indices = @transform_4, window_bounds = array<i64: 128, 256>}, {pipeline_mode = #tpu.pipeline_mode<synchronous>, transform_indices = @transform_5, window_bounds = array<i64: 1, 256>}, {pipeline_mode = #tpu.pipeline_mode<synchronous>, transform_indices = @transform_6, window_bounds = array<i64: 256, 128>}, {transform_indices = @transform_7, window_bounds = array<i64: 1000, 128>}]} {
    %get3A = arith.constant 0 : index
    %get3A_0 = arith.constant 0 : index
    %get3A_1 = vector.load %arg1[%get3A, %get3A_0] : memref<1000x1xf32, #tpu.memory_space<vmem>>, vector<1000x1xf32>
    %get3A_2 = arith.constant 0 : index
    %get3A_3 = arith.constant 0 : index
    %get3A_4 = vector.load %arg2[%get3A_2, %get3A_3] : memref<1000x128xf32, #tpu.memory_space<vmem>>, vector<1000x128xf32>
    %get3A_5 = arith.constant 0 : index
    %get3A_6 = arith.constant 0 : index
    %get3A_7 = vector.load %arg3[%get3A_5, %get3A_6] : memref<1000x128xf32, #tpu.memory_space<vmem>>, vector<1000x128xf32>
    %add3A = arith.addf %get3A_4, %get3A_7 : vector<1000x128xf32>
    %get3A_8 = arith.constant 0 : index
    %get3A_9 = arith.constant 0 : index
    %get3A_10 = vector.load %arg4[%get3A_8, %get3A_9] : memref<1000x128xf32, #tpu.memory_space<vmem>>, vector<1000x128xf32>
    %add3A_11 = arith.addf %add3A, %get3A_10 : vector<1000x128xf32>
    %mul3A = vector.broadcast %get3A_1 : vector<1000x1xf32> to vector<1000x128xf32>
    %mul3A_12 = arith.mulf %add3A_11, %mul3A : vector<1000x128xf32>
    %get3A_13 = arith.constant 0 : index
    %get3A_14 = arith.constant 0 : index
    %get3A_15 = vector.load %arg5[%get3A_13, %get3A_14] : memref<128x256xf32, #tpu.memory_space<vmem>>, vector<128x256xf32>
    %dot_general3A = arith.constant dense<0.000000e+00> : vector<1000x256xf32>
    %dot_general3A_16 = tpu.matmul %mul3A_12, %get3A_15, %dot_general3A {dimension_numbers = #tpu.dot_dimension_numbers<[1], [0], [0], [1], [0, 0, 1, 1], [], []>, transpose_lhs_hint = false} : vector<1000x128xf32>, vector<128x256xf32>, vector<1000x256xf32> -> vector<1000x256xf32>
    %get3A_17 = arith.constant 0 : index
    %get3A_18 = arith.constant 0 : index
    %get3A_19 = vector.load %arg6[%get3A_17, %get3A_18] : memref<1x256xf32, #tpu.memory_space<vmem>>, vector<1x256xf32>
    %add3A_20 = vector.broadcast %get3A_19 : vector<1x256xf32> to vector<1000x256xf32>
    %add3A_21 = arith.addf %dot_general3A_16, %add3A_20 : vector<1000x256xf32>
    %max3A = arith.constant 0.000000e+00 : f32
    %max3A_22 = vector.broadcast %max3A : f32 to vector<1000x256xf32>
    %max3A_23 = arith.maximumf %add3A_21, %max3A_22 : vector<1000x256xf32>
    %get3A_24 = arith.constant 0 : index
    %get3A_25 = arith.constant 0 : index
    %get3A_26 = vector.load %arg7[%get3A_24, %get3A_25] : memref<256x128xf32, #tpu.memory_space<vmem>>, vector<256x128xf32>
    %dot_general3A_27 = arith.constant dense<0.000000e+00> : vector<1000x128xf32>
    %dot_general3A_28 = tpu.matmul %max3A_23, %get3A_26, %dot_general3A_27 {dimension_numbers = #tpu.dot_dimension_numbers<[1], [0], [0], [1], [0, 0, 1, 1], [], []>, transpose_lhs_hint = false} : vector<1000x256xf32>, vector<256x128xf32>, vector<1000x128xf32> -> vector<1000x128xf32>
    %mul3A_29 = vector.broadcast %get3A_1 : vector<1000x1xf32> to vector<1000x128xf32>
    %mul3A_30 = arith.mulf %dot_general3A_28, %mul3A_29 : vector<1000x128xf32>
    %swap3A = arith.constant 0 : index
    %swap3A_31 = arith.constant 0 : index
    %swap3A_32 = vector.load %arg8[%swap3A, %swap3A_31] : memref<1000x128xf32, #tpu.memory_space<vmem>>, vector<1000x128xf32>
    tpu.vector_store %arg8[%swap3A, %swap3A_31], %mul3A_30 {strides = array<i32>} : memref<1000x128xf32, #tpu.memory_space<vmem>>, vector<1000x128xf32>,
    return
  }
  func.func @transform_0(%arg0: i32) -> (i32, i32) {
    %c0_i32 = arith.constant 0 : i32
    %c0_i32_0 = arith.constant 0 : i32
    return %arg0, %c0_i32 : i32, i32
  }
  func.func @transform_1(%arg0: i32) -> (i32, i32) {
    %c0_i32 = arith.constant 0 : i32
    %c0_i32_0 = arith.constant 0 : i32
    return %arg0, %c0_i32 : i32, i32
  }
  func.func @transform_2(%arg0: i32) -> (i32, i32) {
    %c0_i32 = arith.constant 0 : i32
    %c0_i32_0 = arith.constant 0 : i32
    return %arg0, %c0_i32 : i32, i32
  }
  func.func @transform_3(%arg0: i32) -> (i32, i32) {
    %c0_i32 = arith.constant 0 : i32
    %c0_i32_0 = arith.constant 0 : i32
    return %arg0, %c0_i32 : i32, i32
  }
  func.func @transform_4(%arg0: i32) -> (i32, i32) {
    %c0_i32 = arith.constant 0 : i32
    %c0_i32_0 = arith.constant 0 : i32
    %c0_i32_1 = arith.constant 0 : i32
    return %c0_i32, %c0_i32_0 : i32, i32
  }
  func.func @transform_5(%arg0: i32) -> (i32, i32) {
    %c0_i32 = arith.constant 0 : i32
    %c0_i32_0 = arith.constant 0 : i32
    %c0_i32_1 = arith.constant 0 : i32
    return %c0_i32, %c0_i32_0 : i32, i32
  }
  func.func @transform_6(%arg0: i32) -> (i32, i32) {
    %c0_i32 = arith.constant 0 : i32
    %c0_i32_0 = arith.constant 0 : i32
    %c0_i32_1 = arith.constant 0 : i32
    return %c0_i32, %c0_i32_0 : i32, i32
  }
  func.func @transform_7(%arg0: i32) -> (i32, i32) {
    %c0_i32 = arith.constant 0 : i32
    %c0_i32_0 = arith.constant 0 : i32
    return %arg0, %c0_i32 : i32, i32
  }
}

</mosaic_0001>

<sc_bundles>
// kernel: kernel.11.cloned.1.call-start
scs
__scs_entry_jumppad:
0x0: {  	(pc) =	sbr.rel $0x88, $3  }
0x1: {  	(tag) =	ssettag $0x0;
	lr =	simm.s32 $0x1  }
0x2: {  	[smem:$0x3F9A] =	sst lr;
	_ =	strace $0xD0000000  }
0x3: {  	_ = 	snop  }
0x4: {  	_ = 	snop  }
0x5: {  	_ = 	snop  }
0x6: {  	_ = 	snop  }
0x7: {  	_ = 	snop  }
__scs_overlays_trampoline_lowered:
0x8: {  	[smem:$0x3FA9] =	sst s0  }
0x9: {  	[smem:$0x3FAA] =	sst s1  }
0xa: {  	[smem:$0x3FAB] =	sst s2  }
0xb: {  	[smem:$0x3FAC] =	sst s3  }
0xc: {  	[smem:$0x3FAD] =	sst s4  }
0xd: {  	[smem:$0x3FAE] =	sst s5  }
0xe: {  	[smem:$0x3FAF] =	sst s6  }
0xf: {  	[smem:$0x3FB0] =	sst s7  }
0x10: {  	[smem:$0x3FB1] =	sst s8  }
0x11: {  	[smem:$0x3FB2] =	sst s9;
	s0 =	simm.s32 @!p0 $0x0  }
0x12: {  	s1 =	sld [smem:$0x3F98];
	s0 =	simm.s32 @p0 $0x1  }
0x13: {  	[smem:$0x3FB3] =	sst s0;
	s0 =	simm.s32 @!p1 $0x0  }
0x14: {  	s2 =	sld [smem:$0x3F97];
	s0 =	simm.s32 @p1 $0x1  }
0x15: {  	[smem:$0x3FB4] =	sst s0;
	s0 =	simm.s32 @!p2 $0x0  }
0x16: {  	s3 =	sld [smem:$0x3FDB];
	s0 =	simm.s32 @p2 $0x1  }
0x17: {  	s4 =	simm.s32 $0x1BF5;
	[smem:$0x3FB6] =	sst s0  }
0x18: {  	s0 =	sld [smem:$0x3F99];
	_ =	swait.ge [sflag:s4], $0x0  }
0x19: {  	s7 =	sld [smem:$0x3F9A]  }
0x1a: {  	s8 =	sadd.s32 $0xFFFFE003, lr  }
0x1b: {  	s9 =	sadd.s32 $0xFFFFFEF7, lr;
	s5 =	simm.s32 $0xFFFFFFFF;
	p2 =	slt.u32 s8, $0xFFFFF086  }
0x1c: {  	p1 =	slt.u32 s9, $0xF7A;
	s5 =	simm.s32 @!p2 $0x0  }
0x1d: {  	s5 =	simm.s32 @p1 $0x1;
	p0 =	seq.s32 s7, s2  }
0x1e: {  	s7 =	smul.u32 @!p0 $0xF7A, s2;
	p2 =	seq.s32 @!p0 s5, $0x0  }
0x1f: {  	s9 =	smul.u32 $0xF7A, s1;
	s8 =	simm.s32 @!p0 $0x1BF5;
	p2 =	por !p2, p0  }
0x20: {  	[sflag:s8] =	ssyncset.s32 @!p0 $0xFFFFF086;
	s6 =	sadd.s32 @!p0 s3, s7;
	s7 =	simm.s32 @!p0 $0x108  }
0x21: {  	s3 =	sadd.s32 s3, s9;
	s6 =	sadd.s32 @!p0 $0x88, s6;
	s7 =	simm.s32 @p2 $0x1082  }
0x22: {  	[simem:s7], [sflag:s8] =	dma.local @!p0 [hbm:s6], $0xF7A  }
0x23: {  	s9 =	sor.u32 $0xD0000000, s2;
	s6 =	simm.s32 $0x108;
	_ =	swait.ge @!p0 [sflag:s8], $0x0  }
0x24: {  	s3 =	sadd.s32 $0x88, s3;
	s6 =	simm.s32 @!p1 $0x1082;
	[sflag:s4] =	ssyncset.s32 $0xFFFFF086  }
0x25: {  	[simem:s6], [sflag:s4] =	dma.local [hbm:s3], $0xF7A  }
0x26: {  	[smem:$0x3F9A] =	sst s1;
	(tag) =	ssettag s2;
	_ =	strace s9  }
0x27: {  	s1 =	sld [smem:$0x3FAA]  }
0x28: {  	s2 =	sld [smem:$0x3FAB]  }
0x29: {  	s4 =	sld [smem:$0x3FAD]  }
0x2a: {  	p0 =	seq.s32 s5, $0x0;
	s5 =	sld [smem:$0x3FAE]  }
0x2b: {  	s6 =	sld [smem:$0x3FAF]  }
0x2c: {  	s7 =	sld [smem:$0x3FB0]  }
0x2d: {  	s3 =	simm.s32 $0x108;
	s8 =	sld [smem:$0x3FB1]  }
0x2e: {  	s3 =	simm.s32 @!p0 $0x1082;
	s9 =	sld [smem:$0x3FB2]  }
0x2f: {  	lr =	sadd.s32 s0, s3;
	s0 =	sld [smem:$0x3FA9]  }
0x30: {  	s3 =	sld [smem:$0x3FAC]  }
0x31: {  	[smem:$0x3FB5] =	sst s10  }
0x32: {  	s10 =	sld [smem:$0x3FB3];
	_ =	sdelay $0x3  }
0x33: {  	p0 =	seq.s32 s10, $0x1;
	s10 =	sld [smem:$0x3FB5];
	_ =	sdelay $0x3  }
0x34: {  	[smem:$0x3FB5] =	sst s10  }
0x35: {  	s10 =	sld [smem:$0x3FB4];
	_ =	sdelay $0x3  }
0x36: {  	p1 =	seq.s32 s10, $0x1;
	s10 =	sld [smem:$0x3FB5];
	_ =	sdelay $0x3  }
0x37: {  	[smem:$0x3FB5] =	sst s10  }
0x38: {  	s10 =	sld [smem:$0x3FB6]  }
0x39: {  	_ = 	snop;
	(pc) =	sbr.ind lr, $3  }
0x3a: {  	_ = 	snop  }
0x3b: {  	_ = 	snop  }
0x3c: {  	p2 =	seq.s32 s10, $0x1;
	s10 =	sld [smem:$0x3FB5]  }
0x3d: {  	_ =	shalt  }
0x3e: {  	_ =	shalt  }
0x3f: {  	_ =	shalt  }
0x40: {  	_ =	shalt  }
0x41: {  	_ =	shalt  }
0x42: {  	_ =	shalt  }
0x43: {  	_ =	shalt  }
0x44: {  	_ =	shalt  }
0x45: {  	_ =	shalt  }
0x46: {  	_ =	shalt  }
0x47: {  	_ =	shalt  }
0x48: {  	_ =	shalt  }
0x49: {  	_ =	shalt  }
0x4a: {  	_ =	shalt  }
0x4b: {  	_ =	shalt  }
0x4c: {  	_ =	shalt  }
0x4d: {  	_ =	shalt  }
0x4e: {  	_ =	shalt  }
0x4f: {  	_ =	shalt  }
0x50: {  	_ =	shalt  }
0x51: {  	_ =	shalt  }
0x52: {  	_ =	shalt  }
0x53: {  	_ =	shalt  }
0x54: {  	_ =	shalt  }
0x55: {  	_ =	shalt  }
0x56: {  	_ =	shalt  }
0x57: {  	_ =	shalt  }
0x58: {  	_ =	shalt  }
0x59: {  	_ =	shalt  }
0x5a: {  	_ =	shalt  }
0x5b: {  	_ =	shalt  }
0x5c: {  	_ =	shalt  }
0x5d: {  	_ =	shalt  }
0x5e: {  	_ =	shalt  }
0x5f: {  	_ =	shalt  }
0x60: {  	_ =	shalt  }
0x61: {  	_ =	shalt  }
0x62: {  	_ =	shalt  }
0x63: {  	_ =	shalt  }
0x64: {  	_ =	shalt  }
0x65: {  	_ =	shalt  }
0x66: {  	_ =	shalt  }
0x67: {  	_ =	shalt  }
0x68: {  	_ =	shalt  }
0x69: {  	_ =	shalt  }
0x6a: {  	_ =	shalt  }
0x6b: {  	_ =	shalt  }
0x6c: {  	_ =	shalt  }
0x6d: {  	_ =	shalt  }
0x6e: {  	_ =	shalt  }
0x6f: {  	_ =	shalt  }
0x70: {  	_ =	shalt  }
0x71: {  	_ =	shalt  }
0x72: {  	_ =	shalt  }
0x73: {  	_ =	shalt  }
0x74: {  	_ =	shalt  }
0x75: {  	_ =	shalt  }
0x76: {  	_ =	shalt  }
0x77: {  	_ =	shalt  }
0x78: {  	_ =	shalt  }
0x79: {  	_ =	shalt  }
0x7a: {  	_ =	shalt  }
0x7b: {  	_ =	shalt  }
0x7c: {  	_ =	shalt  }
0x7d: {  	_ =	shalt  }
0x7e: {  	_ =	shalt  }
0x7f: {  	_ =	shalt  }
0x80: {  	_ =	shalt  }
0x81: {  	_ =	shalt  }
0x82: {  	_ =	shalt  }
0x83: {  	_ =	shalt  }
0x84: {  	_ =	shalt  }
0x85: {  	_ =	shalt  }
0x86: {  	_ =	shalt  }
0x87: {  	_ =	shalt  }
.Lfunc_end0:
.L_simem_size_0:
called_computation.1_lowered:
.L_overlay_start_0:
0x88: {  	s2 =	sld [smem:$0x3FD9]  }
0x89: {  	s3 =	sld [smem:$0x3FFE];
	_ =	sdelay $0x1  }
0x8a: {  	s1 =	srdreg.scid  }
0x8b: {  	s0 =	sand.u32 $0x1, s1  }
0x8c: {  	s17 =	sshll.u32 s0, $0xA;
	s2 =	sadd.s32 s3, s2  }
0x8d: {  	s2 =	sadd.s32 s2, s17  }
0x8e: {  	[smem:$0x3FC1] =	sst s2  }
0x8f: {  	_ = 	snop  }
0x90: {  	s2 =	sld [smem:$0x3FD0];
	(tm) =	ssettm $0x1  }
0x91: {  	s18 =	sld [smem:$0x3FFB];
	_ =	sdelay $0x3  }
0x92: {  	_ =	strace s18  }
0x93: {  	s3 =	sld [smem:$0x3FFC];
	_ =	sdelay $0x3  }
0x94: {  	_ =	strace s3  }
0x95: {  	s3 =	sld [smem:$0x3FFD];
	_ =	sdelay $0x3  }
0x96: {  	_ =	strace s3  }
0x97: {  	_ =	strace $0x8FFFFFFF  }
0x98: {  	s19 =	sld [smem:$0x3FDB];
	_ =	sdelay $0x1  }
0x99: {  	s4 =	simm.s32 $_scs_section_size  }
0x9a: {  	s5 =	simm.s32 $_size__tile_overlayer_lowered;
	s6 =	simm.s32 $_tile_overlayer_lowered  }
0x9b: {  	s22 =	simm.s32 $0x1BFF;
	s21 =	sshll.u32 s6, $0x1;
	s3 =	sadd.s32 s4, s19  }
0x9c: {  	s7 =	simm.s32 $0x0;
	s20 =	sshll.u32 s5, $0x1;
	s5 =	sadd.s32 s21, s3  }
0x9d: {  	[timem:s7], [sflag:s22] =	dma.local [hbm:s5], s20  }
0x9e: {  	_ =	swait.ge [sflag:s22], s20  }
0x9f: {  	s4 =	ssub.s32 $0x0, s20;
	[sflag:s22] =	ssyncset.done $0x0  }
0xa0: {  	[sflag:s22] =	ssyncadd.s32 s4;
	_ =	sdelay $0x1  }
0xa1: {  	s23 =	simm.s32 $0x1B8B  }
0xa2: {  	_ =	swait.ge [sflag:s23], $0x1  }
0xa3: {  	[sflag:s23] =	ssyncset.done $0x0  }
0xa4: {  	s25 =	simm.s32 $0x1B8E;
	s24 =	sld [smem:$0x3FFE];
	[sflag:s23] =	ssyncadd.s32 $0xFFFFFFFF  }
0xa5: {  	s26 =	simm.s32 $execute0_lowered;
	[smem:$0x3FD2] =	sst s25  }
0xa6: {  	s5 =	sshll.u32 s26, $0x1;
	_ =	strace $0x80000049;
	[dreg:$0x1] =	wrdreg $0xFFFFFFFF  }
0xa7: {  	s28 =	simm.s32 $_size_execute0_lowered;
	s3 =	sadd.s32 s3, s5;
	[dreg:$0x0] =	wrdreg $0x0  }
0xa8: {  	s5 =	sshll.u32 s28, $0x1;
	[dreg:$0x2] =	wrdreg s3  }
0xa9: {  	[dreg:$0x3] =	wrdreg s5  }
0xaa: {  	[dreg:$0x4] =	wrdreg $0xC0  }
0xab: {  	_ =	task [dreg:s7], $0x5FFFF  }
0xac: {  	[dreg:$0x1] =	wrdreg $0xFFFFFFFF  }
0xad: {  	[dreg:$0x0] =	wrdreg $0x60  }
0xae: {  	[dreg:$0x2] =	wrdreg s2  }
0xaf: {  	[dreg:$0x3] =	wrdreg s24  }
0xb0: {  	[dreg:$0x4] =	wrdreg $0x0  }
0xb1: {  	[dreg:$0x5] =	wrdreg $0x9  }
0xb2: {  	_ =	task.clear_ibuf [dreg:s7], $0x6FFFF;
	_ =	strace $0x90000049  }
0xb3: {  	s29 =	simm.s32 $0x9;
	_ =	strace $0x8000004B  }
0xb4: {  	_ =	swait.ge [sflag:s29], $0x1  }
0xb5: {  	[sflag:s29] =	ssyncadd.s32 $0xFFFFFFFF  }
0xb6: {  	_ =	strace $0x9000004B  }
0xb7: {  	_ =	sfence  }
0xb8: {  	s30 =	sld [smem:$0x0];
	_ =	sdelay $0x2  }
0xb9: {  	s31 =	sshll.u32 s1, $0xD;
	s1 =	sshrl.u32 s1, $0x2  }
0xba: {  	s3 =	sand.u32 $0x4000, s31;
	s1 =	sadd.s32 s1, s30  }
0xbb: {  	s0 =	sor.u32 s3, s0;
	s1 =	sshll.u32 s1, $0x11  }
0xbc: {  	s0 =	sor.u32 s1, s0  }
0xbd: {  	s0 =	sadd.s32 $0x8F2B, s0  }
0xbe: {  	[sflag:s0] =	ssyncadd.remote.s32 $0x1  }
0xbf: {  	_ =	sfence.sel $0xFFFF  }
0xc0: {  	[dreg:$0x0] =	wrdreg $0xFFFFFFFF;
	(pc) =	sbr.abs _section_cstart, $3  }
0xc1: {  	[dreg:$0x1] =	wrdreg $0xFFFFFFFF  }
0xc2: {  	_ =	task.clear_ibuf [dreg:s7], $0x2FFFF;
	_ =	strace $0x9FFFFFFF  }
0xc3: {  	(tm) =	ssettm $0x7FFFFFFF  }
tec
execute0_lowered:
.L_overlay_start_1:
0x0: {  	(tag) =	ssettag $0x1  }
0x1: {  	s0 =	srdreg.scid;
	s1 =	rddreg [dreg:$0x0]  }
0x2: {  	s10 =	stileid.u32;
	s5 =	rddreg [dreg:$0x1]  }
0x3: {  	s3 =	rddreg [dreg:$0x2];
	s4 =	simm.s32 $0x0;
	s28 =	simm.s32 $0x138D0  }
0x4: {  	s29 =	simm.s32 $0x19480;
	s30 =	simm.s32 $0x13920;
	s31 =	simm.s32 $0x1BC80  }
0x5: {  	s0 =	sand.u32 $0x1, s0;
	[smem:$0x7FF] =	sst s4;
	s8 =	smul.u32 $0x4E000, s10  }
0x6: {  	s9 =	sadd.s32 $0x1C00, s5;
	s25 =	smul.u32 $0x13800, s10;
	s16 =	sadd.s32 $0x138000, s3  }
0x7: {  	p0 =	sne.s32 s10, $0xF;
	s2 =	sshll.u32 s0, $0x4;
	_ =	strace $0x8000004A  }
0x8: {  	s7 =	ssub.s32 $0x2, s0;
	[dreg:$0x4] =	wrdreg s9;
	s0 =	smul.u32 $0x138800, s0  }
0x9: {  	s2 =	sor.u32 s10, s2;
	s18 =	sshrl.u32 s7, $0x1;
	s8 =	sshrl.u32 s8, $0x2  }
0xa: {  	s6 =	smul.u32 $0x2710, s2;
	s2 =	sshll.u32 s2, $0xB;
	s7 =	ssub.s32 s7, s18  }
0xb: {  	s8 =	sadd.s32 s8, s3;
	s9 =	sadd.s32 s25, s0;
	s0 =	sshrl.u32 s0, $0x3  }
0xc: {  	s25 =	simm.s32 $0x16C80;
	s2 =	sadd.s32 s2, s5;
	s21 =	sadd.s32 $0x2800, s8  }
0xd: {  	s22 =	sadd.s32 $0x5000, s8;
	s23 =	sadd.s32 $0x7800, s8;
	s24 =	sadd.s32 $0xA000, s8  }
0xe: {  	s13 =	sadd.s32 $0xC800, s8;
	s14 =	sadd.s32 $0xF000, s8;
	[dreg:$0x7] =	wrdreg s21  }
0xf: {  	s15 =	sadd.s32 $0x11800, s8;
	s26 =	sshrl.u32 s9, $0x3;
	[dreg:$0x8] =	wrdreg s22  }
0x10: {  	s6 =	sshrl.u32 s6, $0x3;
	s20 =	sadd.s32 $0x1FC00, s2;
	[dreg:$0x9] =	wrdreg s23  }
0x11: {  	[dreg:$0xa] =	wrdreg s24;
	s18 =	sadd.s32 $0x20000, s2;
	s21 =	smax.u32 s7, $0x1  }
0x12: {  	s22 =	simm.s32 $0x13880;
	s23 =	simm.s32 $0x4;
	s24 =	simm.s32 $0x14C80  }
0x13: {  	s2 =	simm.s32 $0x1;
	s7 =	simm.s32 $0x0;
	s6 =	sadd.s32 s6, s5  }
0x14: {  	s5 =	sadd.s32 $0x2FC00, s5;
	[dreg:$0x6] =	wrdreg s20;
	s19 =	sadd.s32 $0xBA00, s6  }
0x15: {  	s17 =	sadd.s32 $0xBC80, s6;
	s0 =	sadd.s32 s5, s0;
	s6 =	simm.s32 $0x16A80  }
0x16: {  	[dreg:$0x5] =	wrdreg s19;
	s19 =	sadd.s32 s5, s26;
	s20 =	sadd.s32 $0x27000, s0  }
0x17: {  	s26 =	simm.s32 $0x50;
	s0 =	simm.s32 $0x2;
	s5 =	simm.s32 $0x3  }
.LBB2_1:
0x18: {  	s9 =	rddreg [dreg:$0x5]  }
0x19: {  	[tilespmem:s22], [sflag:$0x4] =	stream.linear.gather [hbm4b:s9+s4], $0x1400, $0x38;
	[tilespmem:$0x1E480] =	vst v63  }
0x1a: {  	_ =	swait.ge [sflag:s23], $0x1400  }
0x1b: {  	[sflag:s23] =	ssyncset.done $0x0  }
0x1c: {  	s11 =	rddreg [dreg:$0x6];
	[sflag:s23] =	ssyncadd.s32 $0xFFFFEC00  }
0x1d: {  	[tilespmem:s24], [sflag:$0x4] =	stream.linear.gather [hbm4b:s11+s4], $0x2000, $0x38;
	[tilespmem:$0x1E480] =	vst v63  }
0x1e: {  	_ =	swait.ge [sflag:s23], $0x2000  }
0x1f: {  	[sflag:s23] =	ssyncset.done $0x0  }
0x20: {  	s12 =	rddreg [dreg:$0x4];
	[sflag:s23] =	ssyncadd.s32 $0xFFFFE000  }
0x21: {  	[tilespmem:s25], [sflag:$0x4] =	stream.linear.gather [hbm4b:s12+s4], $0x2800, $0x38;
	[tilespmem:$0x1E480] =	vst v63  }
0x22: {  	_ =	swait.ge [sflag:s23], $0x2800  }
0x23: {  	[sflag:s23] =	ssyncset.done $0x0  }
0x24: {  	[sflag:s23] =	ssyncadd.s32 $0xFFFFD800  }
0x25: {  	[spmem:s8] =	stream.linear.scatter [tilespmem:s25], [sflag:$0x4], $0x2800, $0x38;
	[tilespmem:$0x1E480] =	vst v63  }
0x26: {  	_ =	swait.ge [sflag:s23], $0x2800  }
0x27: {  	[sflag:s23] =	ssyncset.done $0x0  }
0x28: {  	s10 =	rddreg [dreg:$0x7];
	[sflag:s23] =	ssyncadd.s32 $0xFFFFD800  }
0x29: {  	[spmem:s10] =	stream.linear.scatter [tilespmem:s25], [sflag:$0x4], $0x2800, $0x38;
	[tilespmem:$0x1E480] =	vst v63  }
0x2a: {  	_ =	swait.ge [sflag:s23], $0x2800  }
0x2b: {  	[sflag:s23] =	ssyncset.done $0x0  }
0x2c: {  	s11 =	rddreg [dreg:$0x8];
	[sflag:s23] =	ssyncadd.s32 $0xFFFFD800  }
0x2d: {  	[spmem:s11] =	stream.linear.scatter [tilespmem:s25], [sflag:$0x4], $0x2800, $0x38;
	[tilespmem:$0x1E480] =	vst v63  }
0x2e: {  	_ =	swait.ge [sflag:s23], $0x2800  }
0x2f: {  	[sflag:s23] =	ssyncset.done $0x0  }
0x30: {  	s12 =	rddreg [dreg:$0x9];
	[sflag:s23] =	ssyncadd.s32 $0xFFFFD800  }
0x31: {  	[spmem:s12] =	stream.linear.scatter [tilespmem:s25], [sflag:$0x4], $0x2800, $0x38;
	[tilespmem:$0x1E480] =	vst v63  }
0x32: {  	_ =	swait.ge [sflag:s23], $0x2800  }
0x33: {  	[sflag:s23] =	ssyncset.done $0x0  }
0x34: {  	s10 =	rddreg [dreg:$0xa];
	[sflag:s23] =	ssyncadd.s32 $0xFFFFD800  }
0x35: {  	[spmem:s10] =	stream.linear.scatter [tilespmem:s25], [sflag:$0x4], $0x2800, $0x38;
	[tilespmem:$0x1E480] =	vst v63  }
0x36: {  	_ =	swait.ge [sflag:s23], $0x2800  }
0x37: {  	[sflag:s23] =	ssyncset.done $0x0  }
0x38: {  	[sflag:s23] =	ssyncadd.s32 $0xFFFFD800  }
0x39: {  	[spmem:s13] =	stream.linear.scatter [tilespmem:s25], [sflag:$0x4], $0x2800, $0x38;
	[tilespmem:$0x1E480] =	vst v63  }
0x3a: {  	_ =	swait.ge [sflag:s23], $0x2800  }
0x3b: {  	[sflag:s23] =	ssyncset.done $0x0  }
0x3c: {  	[sflag:s23] =	ssyncadd.s32 $0xFFFFD800  }
0x3d: {  	[spmem:s14] =	stream.linear.scatter [tilespmem:s25], [sflag:$0x4], $0x2800, $0x38;
	[tilespmem:$0x1E480] =	vst v63  }
0x3e: {  	_ =	swait.ge [sflag:s23], $0x2800  }
0x3f: {  	[sflag:s23] =	ssyncset.done $0x0  }
0x40: {  	[sflag:s23] =	ssyncadd.s32 $0xFFFFD800  }
0x41: {  	[spmem:s15] =	stream.linear.scatter [tilespmem:s25], [sflag:$0x4], $0x2000, $0x38;
	[tilespmem:$0x1E480] =	vst v63  }
0x42: {  	_ =	swait.ge [sflag:s23], $0x2000  }
0x43: {  	[sflag:s23] =	ssyncset.done $0x0  }
0x44: {  	s9 =	simm.s32 @!p0 $0x16C80;
	[sflag:s23] =	ssyncadd.s32 $0xFFFFE000  }
0x45: {  	[spmem:s16] =	stream.linear.scatter @!p0 [tilespmem:s9], [sflag:$0x4], $0x800, $0x38;
	[tilespmem:$0x1E480] =	vst v63  }
0x46: {  	s9 =	simm.s32 @!p0 $0x4  }
0x47: {  	_ =	swait.ge @!p0 [sflag:s9], $0x800  }
0x48: {  	[sflag:s9] =	ssyncset.done @!p0 $0x0  }
0x49: {  	[sflag:s9] =	ssyncadd.s32 @!p0 $0xFFFFF800  }
0x4a: {  	[bflag:$0x0] =	sbarrier.arrive $0xFFFF  }
0x4b: {  	[tilespmem:s25], [sflag:$0x1] =	stream.indirect.gather [hbm4b:s1+s26], $0x80, s22, s26, $0xb8;
	[tilespmem:$0x1E480] =	vst v63  }
0x4c: {  	_ = 	snop  }
0x4d: {  	[tilespmem:s29], [sflag:$0x2] =	stream.indirect.gather [hbm4b:s1+s26], $0x80, s28, s26, $0xb8;
	[tilespmem:$0x1E480] =	vst v63  }
0x4e: {  	_ = 	snop  }
0x4f: {  	[tilespmem:s31], [sflag:$0x3] =	stream.indirect.gather [hbm4b:s1+s26], $0x80, s30, s26, $0xb8;
	[tilespmem:$0x1E480] =	vst v63  }
0x50: {  	_ =	swait.ge [sflag:s2], $0x2800  }
0x51: {  	[sflag:s2] =	ssyncset.done $0x0  }
0x52: {  	s11 =	simm.s32 $0x14C80;
	[sflag:s2] =	ssyncadd.s32 $0xFFFFD800  }
0x53: {  	[spmem:s3] =	stream.indirect.scatter.add.f32 [tilespmem:s25], [sflag:$0x4], $0x80, s11, s26, $0xb8;
	[tilespmem:$0x1E480] =	vst v63  }
0x54: {  	_ =	swait.ge [sflag:s23], $0x2800  }
0x55: {  	[sflag:s23] =	ssyncset.done $0x0  }
0x56: {  	s12 =	simm.s32 $0x13970;
	[sflag:s23] =	ssyncadd.s32 $0xFFFFD800  }
0x57: {  	[tilespmem:s25], [sflag:$0x1] =	stream.indirect.gather [hbm4b:s1+s26], $0x80, s12, s26, $0xb8;
	[tilespmem:$0x1E480] =	vst v63  }
0x58: {  	_ =	swait.ge [sflag:s0], $0x2800  }
0x59: {  	[sflag:s0] =	ssyncset.done $0x0  }
0x5a: {  	s10 =	simm.s32 $0x14D00;
	[sflag:s0] =	ssyncadd.s32 $0xFFFFD800  }
0x5b: {  	[spmem:s3] =	stream.indirect.scatter.add.f32 [tilespmem:s29], [sflag:$0x4], $0x80, s10, s26, $0xb8;
	[tilespmem:$0x1E480] =	vst v63  }
0x5c: {  	_ =	swait.ge [sflag:s23], $0x2800  }
0x5d: {  	[sflag:s23] =	ssyncset.done $0x0  }
0x5e: {  	s11 =	simm.s32 $0x139C0;
	[sflag:s23] =	ssyncadd.s32 $0xFFFFD800  }
0x5f: {  	[tilespmem:s29], [sflag:$0x2] =	stream.indirect.gather [hbm4b:s1+s26], $0x80, s11, s26, $0xb8;
	[tilespmem:$0x1E480] =	vst v63  }
0x60: {  	_ =	swait.ge [sflag:s5], $0x2800  }
0x61: {  	[sflag:s5] =	ssyncset.done $0x0  }
0x62: {  	s12 =	simm.s32 $0x14D80;
	[sflag:s5] =	ssyncadd.s32 $0xFFFFD800  }
0x63: {  	[spmem:s3] =	stream.indirect.scatter.add.f32 [tilespmem:s31], [sflag:$0x4], $0x80, s12, s26, $0xb8;
	[tilespmem:$0x1E480] =	vst v63  }
0x64: {  	_ =	swait.ge [sflag:s23], $0x2800  }
0x65: {  	s9 =	simm.s32 $0x3C0;
	[sflag:s23] =	ssyncset.done $0x0  }
0x66: {  	s10 =	simm.s32 $0x14F00;
	s11 =	simm.s32 $0x13A10;
	[sflag:s23] =	ssyncadd.s32 $0xFFFFD800  }
.LBB2_2:
0x67: {  	[tilespmem:s31], [sflag:$0x3] =	stream.indirect.gather [hbm4b:s1+s26], $0x80, s11, s26, $0xb8;
	[tilespmem:$0x1E480] =	vst v63  }
0x68: {  	s11 =	smov.u32 s9  }
0x69: {  	p1 =	sne.s32 s9, $0x4740;
	s9 =	sadd.s32 $0x3C0, s9;
	_ =	swait.ge [sflag:s2], $0x2800  }
0x6a: {  	[sflag:s2] =	ssyncset.done $0x0  }
0x6b: {  	s12 =	sadd.s32 $0xFFFFFF00, s10;
	[sflag:s2] =	ssyncadd.s32 $0xFFFFD800  }
0x6c: {  	[spmem:s3] =	stream.indirect.scatter.add.f32 [tilespmem:s25], [sflag:$0x4], $0x80, s12, s26, $0xb8;
	[tilespmem:$0x1E480] =	vst v63  }
0x6d: {  	_ =	swait.ge [sflag:s23], $0x2800  }
0x6e: {  	s11 =	sshra.s32 s11, $0x2;
	[sflag:s23] =	ssyncset.done $0x0  }
0x6f: {  	s12 =	sadd.s32 $0x13970, s11;
	[sflag:s23] =	ssyncadd.s32 $0xFFFFD800  }
0x70: {  	[tilespmem:s25], [sflag:$0x1] =	stream.indirect.gather [hbm4b:s1+s26], $0x80, s12, s26, $0xb8;
	[tilespmem:$0x1E480] =	vst v63  }
0x71: {  	_ =	swait.ge [sflag:s0], $0x2800  }
0x72: {  	[sflag:s0] =	ssyncset.done $0x0  }
0x73: {  	s12 =	sadd.s32 $0xFFFFFF80, s10;
	[sflag:s0] =	ssyncadd.s32 $0xFFFFD800  }
0x74: {  	[spmem:s3] =	stream.indirect.scatter.add.f32 [tilespmem:s29], [sflag:$0x4], $0x80, s12, s26, $0xb8;
	[tilespmem:$0x1E480] =	vst v63  }
0x75: {  	_ =	swait.ge [sflag:s23], $0x2800  }
0x76: {  	[sflag:s23] =	ssyncset.done $0x0  }
0x77: {  	s12 =	sadd.s32 $0x139C0, s11;
	[sflag:s23] =	ssyncadd.s32 $0xFFFFD800  }
0x78: {  	[tilespmem:s29], [sflag:$0x2] =	stream.indirect.gather [hbm4b:s1+s26], $0x80, s12, s26, $0xb8;
	[tilespmem:$0x1E480] =	vst v63  }
0x79: {  	_ =	swait.ge [sflag:s5], $0x2800  }
0x7a: {  	[sflag:s5] =	ssyncset.done $0x0  }
.Ltmp0:
0x7b: {  	[sflag:s5] =	ssyncadd.s32 $0xFFFFD800;
	(pc) =	sbr.rel @p1 .LBB2_2-.Ltmp0, $4  }
0x7c: {  	[spmem:s3] =	stream.indirect.scatter.add.f32 [tilespmem:s31], [sflag:$0x4], $0x80, s10, s26, $0xb8;
	[tilespmem:$0x1E480] =	vst v63  }
0x7d: {  	_ =	swait.ge [sflag:s23], $0x2800  }
0x7e: {  	[sflag:s23] =	ssyncset.done $0x0  }
0x7f: {  	s11 =	sadd.s32 $0x13A10, s11;
	s10 =	sadd.s32 $0x180, s10;
	[sflag:s23] =	ssyncadd.s32 $0xFFFFD800  }
0x80: {  	[tilespmem:s31], [sflag:$0x3] =	stream.indirect.gather [hbm4b:s1+s26], $0x80, s11, s26, $0xb8;
	[tilespmem:$0x1E480] =	vst v63  }
0x81: {  	_ =	swait.ge [sflag:s2], $0x2800  }
0x82: {  	[sflag:s2] =	ssyncset.done $0x0  }
0x83: {  	[sflag:s2] =	ssyncadd.s32 $0xFFFFD800  }
0x84: {  	[spmem:s3] =	stream.indirect.scatter.add.f32 [tilespmem:s25], [sflag:$0x4], $0x80, s6, s26, $0xb8;
	[tilespmem:$0x1E480] =	vst v63  }
0x85: {  	_ =	swait.ge [sflag:s23], $0x2800  }
0x86: {  	[sflag:s23] =	ssyncset.done $0x0  }
0x87: {  	s9 =	simm.s32 $0x14C30;
	[sflag:s23] =	ssyncadd.s32 $0xFFFFD800  }
0x88: {  	[tilespmem:s25], [sflag:$0x1] =	stream.indirect.gather [hbm4b:s1+s26], $0x80, s9, s26, $0xb8;
	[tilespmem:$0x1E480] =	vst v63  }
0x89: {  	_ =	swait.ge [sflag:s0], $0x2800  }
0x8a: {  	[sflag:s0] =	ssyncset.done $0x0  }
0x8b: {  	s10 =	simm.s32 $0x16B00;
	[sflag:s0] =	ssyncadd.s32 $0xFFFFD800  }
0x8c: {  	[spmem:s3] =	stream.indirect.scatter.add.f32 [tilespmem:s29], [sflag:$0x4], $0x80, s10, s26, $0xb8;
	[tilespmem:$0x1E480] =	vst v63  }
0x8d: {  	_ =	swait.ge [sflag:s23], $0x2800  }
0x8e: {  	[sflag:s23] =	ssyncset.done $0x0  }
0x8f: {  	[sflag:s23] =	ssyncadd.s32 $0xFFFFD800  }
0x90: {  	_ =	swait.ge [sflag:s5], $0x2800  }
0x91: {  	[sflag:s5] =	ssyncset.done $0x0  }
0x92: {  	s11 =	simm.s32 $0x16B80;
	[sflag:s5] =	ssyncadd.s32 $0xFFFFD800  }
0x93: {  	[spmem:s3] =	stream.indirect.scatter.add.f32 [tilespmem:s31], [sflag:$0x4], $0x80, s11, s26, $0xb8;
	[tilespmem:$0x1E480] =	vst v63  }
0x94: {  	_ =	swait.ge [sflag:s23], $0x2800  }
0x95: {  	[sflag:s23] =	ssyncset.done $0x0  }
0x96: {  	[sflag:s23] =	ssyncadd.s32 $0xFFFFD800  }
0x97: {  	_ =	swait.ge [sflag:s2], $0x2800  }
0x98: {  	[sflag:s2] =	ssyncset.done $0x0  }
0x99: {  	s12 =	simm.s32 $0x16C00;
	[sflag:s2] =	ssyncadd.s32 $0xFFFFD800  }
0x9a: {  	[spmem:s3] =	stream.indirect.scatter.add.f32 [tilespmem:s25], [sflag:$0x4], $0x80, s12, s26, $0xb8;
	[tilespmem:$0x1E480] =	vst v63  }
0x9b: {  	_ =	swait.ge [sflag:s23], $0x2800  }
0x9c: {  	[sflag:s23] =	ssyncset.done $0x0  }
0x9d: {  	s10 =	simm.s32 $0x0;
	[sflag:s23] =	ssyncadd.s32 $0xFFFFD800  }
0x9e: {  	[tilespmem:s22], [sflag:$0x4] =	stream.linear.gather [hbm4b:s17+s10], $0x1310, $0x38;
	[tilespmem:$0x1E480] =	vst v63  }
0x9f: {  	_ =	swait.ge [sflag:s23], $0x1310  }
0xa0: {  	[sflag:s23] =	ssyncset.done $0x0  }
0xa1: {  	[sflag:s23] =	ssyncadd.s32 $0xFFFFECF0  }
0xa2: {  	[tilespmem:s24], [sflag:$0x4] =	stream.linear.gather [hbm4b:s18+s10], $0x2000, $0x38;
	[tilespmem:$0x1E480] =	vst v63  }
0xa3: {  	_ =	swait.ge [sflag:s23], $0x2000  }
0xa4: {  	[sflag:s23] =	ssyncset.done $0x0  }
0xa5: {  	[sflag:s23] =	ssyncadd.s32 $0xFFFFE000  }
0xa6: {  	[tilespmem:s25], [sflag:$0x1] =	stream.indirect.gather [hbm4b:s1+s26], $0x80, s22, s26, $0xb8;
	[tilespmem:$0x1E480] =	vst v63  }
0xa7: {  	_ = 	snop  }
0xa8: {  	[tilespmem:s29], [sflag:$0x2] =	stream.indirect.gather [hbm4b:s1+s26], $0x80, s28, s26, $0xb8;
	[tilespmem:$0x1E480] =	vst v63  }
0xa9: {  	_ = 	snop  }
0xaa: {  	[tilespmem:s31], [sflag:$0x3] =	stream.indirect.gather [hbm4b:s1+s26], $0x80, s30, s26, $0xb8;
	[tilespmem:$0x1E480] =	vst v63  }
0xab: {  	_ =	swait.ge [sflag:s2], $0x2800  }
0xac: {  	[sflag:s2] =	ssyncset.done $0x0  }
0xad: {  	s11 =	simm.s32 $0x14C80;
	[sflag:s2] =	ssyncadd.s32 $0xFFFFD800  }
0xae: {  	[spmem:s3] =	stream.indirect.scatter.add.f32 [tilespmem:s25], [sflag:$0x4], $0x80, s11, s26, $0xb8;
	[tilespmem:$0x1E480] =	vst v63  }
0xaf: {  	_ =	swait.ge [sflag:s23], $0x2800  }
0xb0: {  	[sflag:s23] =	ssyncset.done $0x0  }
0xb1: {  	s12 =	simm.s32 $0x13970;
	[sflag:s23] =	ssyncadd.s32 $0xFFFFD800  }
0xb2: {  	[tilespmem:s25], [sflag:$0x1] =	stream.indirect.gather [hbm4b:s1+s26], $0x80, s12, s26, $0xb8;
	[tilespmem:$0x1E480] =	vst v63  }
0xb3: {  	_ =	swait.ge [sflag:s0], $0x2800  }
0xb4: {  	[sflag:s0] =	ssyncset.done $0x0  }
0xb5: {  	s10 =	simm.s32 $0x14D00;
	[sflag:s0] =	ssyncadd.s32 $0xFFFFD800  }
0xb6: {  	[spmem:s3] =	stream.indirect.scatter.add.f32 [tilespmem:s29], [sflag:$0x4], $0x80, s10, s26, $0xb8;
	[tilespmem:$0x1E480] =	vst v63  }
0xb7: {  	_ =	swait.ge [sflag:s23], $0x2800  }
0xb8: {  	[sflag:s23] =	ssyncset.done $0x0  }
0xb9: {  	s11 =	simm.s32 $0x139C0;
	[sflag:s23] =	ssyncadd.s32 $0xFFFFD800  }
0xba: {  	[tilespmem:s29], [sflag:$0x2] =	stream.indirect.gather [hbm4b:s1+s26], $0x80, s11, s26, $0xb8;
	[tilespmem:$0x1E480] =	vst v63  }
0xbb: {  	_ =	swait.ge [sflag:s5], $0x2800  }
0xbc: {  	[sflag:s5] =	ssyncset.done $0x0  }
0xbd: {  	s12 =	simm.s32 $0x14D80;
	[sflag:s5] =	ssyncadd.s32 $0xFFFFD800  }
0xbe: {  	[spmem:s3] =	stream.indirect.scatter.add.f32 [tilespmem:s31], [sflag:$0x4], $0x80, s12, s26, $0xb8;
	[tilespmem:$0x1E480] =	vst v63  }
0xbf: {  	_ =	swait.ge [sflag:s23], $0x2800  }
0xc0: {  	s9 =	simm.s32 $0x3C0;
	[sflag:s23] =	ssyncset.done $0x0  }
0xc1: {  	s10 =	simm.s32 $0x14F00;
	s11 =	simm.s32 $0x13A10;
	[sflag:s23] =	ssyncadd.s32 $0xFFFFD800  }
.LBB2_4:
0xc2: {  	[tilespmem:s31], [sflag:$0x3] =	stream.indirect.gather [hbm4b:s1+s26], $0x80, s11, s26, $0xb8;
	[tilespmem:$0x1E480] =	vst v63  }
0xc3: {  	s11 =	smov.u32 s9  }
0xc4: {  	p1 =	sne.s32 s9, $0x4380;
	s9 =	sadd.s32 $0x3C0, s9;
	_ =	swait.ge [sflag:s2], $0x2800  }
0xc5: {  	[sflag:s2] =	ssyncset.done $0x0  }
0xc6: {  	s12 =	sadd.s32 $0xFFFFFF00, s10;
	[sflag:s2] =	ssyncadd.s32 $0xFFFFD800  }
0xc7: {  	[spmem:s3] =	stream.indirect.scatter.add.f32 [tilespmem:s25], [sflag:$0x4], $0x80, s12, s26, $0xb8;
	[tilespmem:$0x1E480] =	vst v63  }
0xc8: {  	_ =	swait.ge [sflag:s23], $0x2800  }
0xc9: {  	s11 =	sshra.s32 s11, $0x2;
	[sflag:s23] =	ssyncset.done $0x0  }
0xca: {  	s12 =	sadd.s32 $0x13970, s11;
	[sflag:s23] =	ssyncadd.s32 $0xFFFFD800  }
0xcb: {  	[tilespmem:s25], [sflag:$0x1] =	stream.indirect.gather [hbm4b:s1+s26], $0x80, s12, s26, $0xb8;
	[tilespmem:$0x1E480] =	vst v63  }
0xcc: {  	_ =	swait.ge [sflag:s0], $0x2800  }
0xcd: {  	[sflag:s0] =	ssyncset.done $0x0  }
0xce: {  	s12 =	sadd.s32 $0xFFFFFF80, s10;
	[sflag:s0] =	ssyncadd.s32 $0xFFFFD800  }
0xcf: {  	[spmem:s3] =	stream.indirect.scatter.add.f32 [tilespmem:s29], [sflag:$0x4], $0x80, s12, s26, $0xb8;
	[tilespmem:$0x1E480] =	vst v63  }
0xd0: {  	_ =	swait.ge [sflag:s23], $0x2800  }
0xd1: {  	[sflag:s23] =	ssyncset.done $0x0  }
0xd2: {  	s12 =	sadd.s32 $0x139C0, s11;
	[sflag:s23] =	ssyncadd.s32 $0xFFFFD800  }
0xd3: {  	[tilespmem:s29], [sflag:$0x2] =	stream.indirect.gather [hbm4b:s1+s26], $0x80, s12, s26, $0xb8;
	[tilespmem:$0x1E480] =	vst v63  }
0xd4: {  	_ =	swait.ge [sflag:s5], $0x2800  }
0xd5: {  	[sflag:s5] =	ssyncset.done $0x0  }
.Ltmp1:
0xd6: {  	[sflag:s5] =	ssyncadd.s32 $0xFFFFD800;
	(pc) =	sbr.rel @p1 .LBB2_4-.Ltmp1, $4  }
0xd7: {  	[spmem:s3] =	stream.indirect.scatter.add.f32 [tilespmem:s31], [sflag:$0x4], $0x80, s10, s26, $0xb8;
	[tilespmem:$0x1E480] =	vst v63  }
0xd8: {  	_ =	swait.ge [sflag:s23], $0x2800  }
0xd9: {  	[sflag:s23] =	ssyncset.done $0x0  }
0xda: {  	s11 =	sadd.s32 $0x13A10, s11;
	s10 =	sadd.s32 $0x180, s10;
	[sflag:s23] =	ssyncadd.s32 $0xFFFFD800  }
0xdb: {  	[tilespmem:s31], [sflag:$0x3] =	stream.indirect.gather [hbm4b:s1+s26], $0x80, s11, s26, $0xb8;
	[tilespmem:$0x1E480] =	vst v63  }
0xdc: {  	_ =	swait.ge [sflag:s2], $0x2800  }
0xdd: {  	[sflag:s2] =	ssyncset.done $0x0  }
0xde: {  	s9 =	simm.s32 $0x16900;
	[sflag:s2] =	ssyncadd.s32 $0xFFFFD800  }
0xdf: {  	[spmem:s3] =	stream.indirect.scatter.add.f32 [tilespmem:s25], [sflag:$0x4], $0x80, s9, s26, $0xb8;
	[tilespmem:$0x1E480] =	vst v63  }
0xe0: {  	_ =	swait.ge [sflag:s23], $0x2800  }
0xe1: {  	[sflag:s23] =	ssyncset.done $0x0  }
0xe2: {  	s12 =	simm.s32 $0x14B40;
	[sflag:s23] =	ssyncadd.s32 $0xFFFFD800  }
0xe3: {  	[tilespmem:s25], [sflag:$0x1] =	stream.indirect.gather [hbm4b:s1+s26], $0x80, s12, s26, $0xb8;
	[tilespmem:$0x1E480] =	vst v63  }
0xe4: {  	_ =	swait.ge [sflag:s0], $0x2800  }
0xe5: {  	[sflag:s0] =	ssyncset.done $0x0  }
0xe6: {  	s10 =	simm.s32 $0x16980;
	[sflag:s0] =	ssyncadd.s32 $0xFFFFD800  }
0xe7: {  	[spmem:s3] =	stream.indirect.scatter.add.f32 [tilespmem:s29], [sflag:$0x4], $0x80, s10, s26, $0xb8;
	[tilespmem:$0x1E480] =	vst v63  }
0xe8: {  	_ =	swait.ge [sflag:s23], $0x2800  }
0xe9: {  	[sflag:s23] =	ssyncset.done $0x0  }
0xea: {  	[sflag:s23] =	ssyncadd.s32 $0xFFFFD800  }
0xeb: {  	_ =	swait.ge [sflag:s5], $0x2800  }
0xec: {  	[sflag:s5] =	ssyncset.done $0x0  }
0xed: {  	s11 =	simm.s32 $0x16A00;
	[sflag:s5] =	ssyncadd.s32 $0xFFFFD800  }
0xee: {  	[spmem:s3] =	stream.indirect.scatter.add.f32 [tilespmem:s31], [sflag:$0x4], $0x80, s11, s26, $0xb8;
	[tilespmem:$0x1E480] =	vst v63  }
0xef: {  	_ =	swait.ge [sflag:s23], $0x2800  }
0xf0: {  	[sflag:s23] =	ssyncset.done $0x0  }
0xf1: {  	[sflag:s23] =	ssyncadd.s32 $0xFFFFD800  }
0xf2: {  	_ =	swait.ge [sflag:s2], $0x2800  }
0xf3: {  	[sflag:s2] =	ssyncset.done $0x0  }
0xf4: {  	[sflag:s2] =	ssyncadd.s32 $0xFFFFD800  }
0xf5: {  	[spmem:s3] =	stream.indirect.scatter.add.f32 [tilespmem:s25], [sflag:$0x4], $0x80, s6, s26, $0xb8;
	[tilespmem:$0x1E480] =	vst v63  }
0xf6: {  	_ =	swait.ge [sflag:s23], $0x2800  }
0xf7: {  	s12 =	stileid.u32;
	[sflag:s23] =	ssyncset.done $0x0  }
0xf8: {  	s9 =	sshll.u32 s12, $0x6;
	[sflag:s23] =	ssyncadd.s32 $0xFFFFD800  }
0xf9: {  	s9 =	sor.u32 $0x1C04, s9;
	s10 =	sshrl.u32 s8, $0x3;
	[bflag:$0x0] =	sbarrier.arrive $0xFFFF  }
0xfa: {  	[hbm:s19], [sflag:s9] =	dma.local [spmem:s10], $0x2700  }
0xfb: {  	_ =	swait.ge [sflag:s23], $0x2700  }
0xfc: {  	s7 =	sadd.s32 $0x1, s7;
	[sflag:s23] =	ssyncset.done $0x0  }
0xfd: {  	p1 =	sne.s32 s7, s21;
	s10 =	sshrl.u32 @!p0 s16, $0x3;
	[sflag:s23] =	ssyncadd.s32 $0xFFFFD900  }
0xfe: {  	[hbm:s20], [sflag:s9] =	dma.local @!p0 [spmem:s10], $0x100  }
.Ltmp2:
0xff: {  	_ = 	snop;
	(pc) =	sbr.rel @p1 .LBB2_1-.Ltmp2, $4  }
0x100: {  	s9 =	simm.s32 @!p0 $0x4  }
0x101: {  	_ =	swait.ge @!p0 [sflag:s9], $0x100  }
0x102: {  	[sflag:s9] =	ssyncset.done @!p0 $0x0  }
0x103: {  	[sflag:s9] =	ssyncadd.s32 @!p0 $0xFFFFFF00  }
0x104: {  	_ =	sfence.sel $0x180000  }
0x105: {  	[bflag:$0x0] =	sbarrier.arrive $0xFFFF  }
0x106: {  	_ =	strace $0x9000004A  }
0x107: {  	s0 =	stileid.u32;
	[bflag:$0x2] =	sbarrier.arrive $0xFFFF  }
0x108: {  	p0 =	sne.s32 s0, $0x0;
	s0 =	rddreg [dreg:$0x3]  }
0x109: {  	s0 =	sadd.s32 @!p0 $0x100000, s0  }
0x10a: {  	[sflag:s0] =	ssyncadd.tile.s32 @!p0 $0x1;
	_ =	shalt  }
.Lfunc_end2:
_tile_overlayer_lowered:
.L_overlay_start_2:
0x10b: {  	(tag) =	ssettag $0x2  }
0x10c: {  	s0 =	rddreg [dreg:$0x0];
	s2 =	stileid.u32  }
0x10d: {  	s1 =	rddreg [dreg:$0x1];
	p0 =	sne.s32 s2, $0x0  }
0x10e: {  	s3 =	rddreg [dreg:$0x2];
	[bflag:$0x3] =	sbarrier.arrive $0xFFFF;
	s2 =	simm.s32 @!p0 $0x1C04  }
0x10f: {  	[timem:s3], [sflag:s2] =	dma.local @!p0 [hbm:s0], s1  }
0x110: {  	s0 =	simm.s32 @!p0 $0x4  }
0x111: {  	_ =	swait.ge @!p0 [sflag:s0], s1  }
0x112: {  	s1 =	ssub.s32 @!p0 $0x0, s1;
	[sflag:s0] =	ssyncset.done @!p0 $0x0  }
0x113: {  	[sflag:s0] =	ssyncadd.s32 @!p0 s1  }
0x114: {  	[bflag:$0x3] =	sbarrier.arrive $0xFFFF  }
0x115: {  	_ =	shalt  }

// kernel: kernel.14.cloned.1.call-start
scs
__scs_entry_jumppad:
0x0: {  	(pc) =	sbr.rel $0x88, $3  }
0x1: {  	(tag) =	ssettag $0x0;
	lr =	simm.s32 $0x1  }
0x2: {  	[smem:$0x3F9A] =	sst lr;
	_ =	strace $0xD0000000  }
0x3: {  	_ = 	snop  }
0x4: {  	_ = 	snop  }
0x5: {  	_ = 	snop  }
0x6: {  	_ = 	snop  }
0x7: {  	_ = 	snop  }
__scs_overlays_trampoline_lowered:
0x8: {  	[smem:$0x3FA9] =	sst s0  }
0x9: {  	[smem:$0x3FAA] =	sst s1  }
0xa: {  	[smem:$0x3FAB] =	sst s2  }
0xb: {  	[smem:$0x3FAC] =	sst s3  }
0xc: {  	[smem:$0x3FAD] =	sst s4  }
0xd: {  	[smem:$0x3FAE] =	sst s5  }
0xe: {  	[smem:$0x3FAF] =	sst s6  }
0xf: {  	[smem:$0x3FB0] =	sst s7  }
0x10: {  	[smem:$0x3FB1] =	sst s8  }
0x11: {  	[smem:$0x3FB2] =	sst s9;
	s0 =	simm.s32 @!p0 $0x0  }
0x12: {  	s1 =	sld [smem:$0x3F98];
	s0 =	simm.s32 @p0 $0x1  }
0x13: {  	[smem:$0x3FB3] =	sst s0;
	s0 =	simm.s32 @!p1 $0x0  }
0x14: {  	s2 =	sld [smem:$0x3F97];
	s0 =	simm.s32 @p1 $0x1  }
0x15: {  	[smem:$0x3FB4] =	sst s0;
	s0 =	simm.s32 @!p2 $0x0  }
0x16: {  	s3 =	sld [smem:$0x3FDB];
	s0 =	simm.s32 @p2 $0x1  }
0x17: {  	s4 =	simm.s32 $0x1BF5;
	[smem:$0x3FB6] =	sst s0  }
0x18: {  	s0 =	sld [smem:$0x3F99];
	_ =	swait.ge [sflag:s4], $0x0  }
0x19: {  	s7 =	sld [smem:$0x3F9A]  }
0x1a: {  	s8 =	sadd.s32 $0xFFFFE003, lr  }
0x1b: {  	s9 =	sadd.s32 $0xFFFFFEF7, lr;
	s5 =	simm.s32 $0xFFFFFFFF;
	p2 =	slt.u32 s8, $0xFFFFF086  }
0x1c: {  	p1 =	slt.u32 s9, $0xF7A;
	s5 =	simm.s32 @!p2 $0x0  }
0x1d: {  	s5 =	simm.s32 @p1 $0x1;
	p0 =	seq.s32 s7, s2  }
0x1e: {  	s7 =	smul.u32 @!p0 $0xF7A, s2;
	p2 =	seq.s32 @!p0 s5, $0x0  }
0x1f: {  	s9 =	smul.u32 $0xF7A, s1;
	s8 =	simm.s32 @!p0 $0x1BF5;
	p2 =	por !p2, p0  }
0x20: {  	[sflag:s8] =	ssyncset.s32 @!p0 $0xFFFFF086;
	s6 =	sadd.s32 @!p0 s3, s7;
	s7 =	simm.s32 @!p0 $0x108  }
0x21: {  	s3 =	sadd.s32 s3, s9;
	s6 =	sadd.s32 @!p0 $0x88, s6;
	s7 =	simm.s32 @p2 $0x1082  }
0x22: {  	[simem:s7], [sflag:s8] =	dma.local @!p0 [hbm:s6], $0xF7A  }
0x23: {  	s9 =	sor.u32 $0xD0000000, s2;
	s6 =	simm.s32 $0x108;
	_ =	swait.ge @!p0 [sflag:s8], $0x0  }
0x24: {  	s3 =	sadd.s32 $0x88, s3;
	s6 =	simm.s32 @!p1 $0x1082;
	[sflag:s4] =	ssyncset.s32 $0xFFFFF086  }
0x25: {  	[simem:s6], [sflag:s4] =	dma.local [hbm:s3], $0xF7A  }
0x26: {  	[smem:$0x3F9A] =	sst s1;
	(tag) =	ssettag s2;
	_ =	strace s9  }
0x27: {  	s1 =	sld [smem:$0x3FAA]  }
0x28: {  	s2 =	sld [smem:$0x3FAB]  }
0x29: {  	s4 =	sld [smem:$0x3FAD]  }
0x2a: {  	p0 =	seq.s32 s5, $0x0;
	s5 =	sld [smem:$0x3FAE]  }
0x2b: {  	s6 =	sld [smem:$0x3FAF]  }
0x2c: {  	s7 =	sld [smem:$0x3FB0]  }
0x2d: {  	s3 =	simm.s32 $0x108;
	s8 =	sld [smem:$0x3FB1]  }
0x2e: {  	s3 =	simm.s32 @!p0 $0x1082;
	s9 =	sld [smem:$0x3FB2]  }
0x2f: {  	lr =	sadd.s32 s0, s3;
	s0 =	sld [smem:$0x3FA9]  }
0x30: {  	s3 =	sld [smem:$0x3FAC]  }
0x31: {  	[smem:$0x3FB5] =	sst s10  }
0x32: {  	s10 =	sld [smem:$0x3FB3];
	_ =	sdelay $0x3  }
0x33: {  	p0 =	seq.s32 s10, $0x1;
	s10 =	sld [smem:$0x3FB5];
	_ =	sdelay $0x3  }
0x34: {  	[smem:$0x3FB5] =	sst s10  }
0x35: {  	s10 =	sld [smem:$0x3FB4];
	_ =	sdelay $0x3  }
0x36: {  	p1 =	seq.s32 s10, $0x1;
	s10 =	sld [smem:$0x3FB5];
	_ =	sdelay $0x3  }
0x37: {  	[smem:$0x3FB5] =	sst s10  }
0x38: {  	s10 =	sld [smem:$0x3FB6]  }
0x39: {  	_ = 	snop;
	(pc) =	sbr.ind lr, $3  }
0x3a: {  	_ = 	snop  }
0x3b: {  	_ = 	snop  }
0x3c: {  	p2 =	seq.s32 s10, $0x1;
	s10 =	sld [smem:$0x3FB5]  }
0x3d: {  	_ =	shalt  }
0x3e: {  	_ =	shalt  }
0x3f: {  	_ =	shalt  }
0x40: {  	_ =	shalt  }
0x41: {  	_ =	shalt  }
0x42: {  	_ =	shalt  }
0x43: {  	_ =	shalt  }
0x44: {  	_ =	shalt  }
0x45: {  	_ =	shalt  }
0x46: {  	_ =	shalt  }
0x47: {  	_ =	shalt  }
0x48: {  	_ =	shalt  }
0x49: {  	_ =	shalt  }
0x4a: {  	_ =	shalt  }
0x4b: {  	_ =	shalt  }
0x4c: {  	_ =	shalt  }
0x4d: {  	_ =	shalt  }
0x4e: {  	_ =	shalt  }
0x4f: {  	_ =	shalt  }
0x50: {  	_ =	shalt  }
0x51: {  	_ =	shalt  }
0x52: {  	_ =	shalt  }
0x53: {  	_ =	shalt  }
0x54: {  	_ =	shalt  }
0x55: {  	_ =	shalt  }
0x56: {  	_ =	shalt  }
0x57: {  	_ =	shalt  }
0x58: {  	_ =	shalt  }
0x59: {  	_ =	shalt  }
0x5a: {  	_ =	shalt  }
0x5b: {  	_ =	shalt  }
0x5c: {  	_ =	shalt  }
0x5d: {  	_ =	shalt  }
0x5e: {  	_ =	shalt  }
0x5f: {  	_ =	shalt  }
0x60: {  	_ =	shalt  }
0x61: {  	_ =	shalt  }
0x62: {  	_ =	shalt  }
0x63: {  	_ =	shalt  }
0x64: {  	_ =	shalt  }
0x65: {  	_ =	shalt  }
0x66: {  	_ =	shalt  }
0x67: {  	_ =	shalt  }
0x68: {  	_ =	shalt  }
0x69: {  	_ =	shalt  }
0x6a: {  	_ =	shalt  }
0x6b: {  	_ =	shalt  }
0x6c: {  	_ =	shalt  }
0x6d: {  	_ =	shalt  }
0x6e: {  	_ =	shalt  }
0x6f: {  	_ =	shalt  }
0x70: {  	_ =	shalt  }
0x71: {  	_ =	shalt  }
0x72: {  	_ =	shalt  }
0x73: {  	_ =	shalt  }
0x74: {  	_ =	shalt  }
0x75: {  	_ =	shalt  }
0x76: {  	_ =	shalt  }
0x77: {  	_ =	shalt  }
0x78: {  	_ =	shalt  }
0x79: {  	_ =	shalt  }
0x7a: {  	_ =	shalt  }
0x7b: {  	_ =	shalt  }
0x7c: {  	_ =	shalt  }
0x7d: {  	_ =	shalt  }
0x7e: {  	_ =	shalt  }
0x7f: {  	_ =	shalt  }
0x80: {  	_ =	shalt  }
0x81: {  	_ =	shalt  }
0x82: {  	_ =	shalt  }
0x83: {  	_ =	shalt  }
0x84: {  	_ =	shalt  }
0x85: {  	_ =	shalt  }
0x86: {  	_ =	shalt  }
0x87: {  	_ =	shalt  }
.Lfunc_end0:
.L_simem_size_0:
called_computation.2_lowered:
.L_overlay_start_0:
0x88: {  	s2 =	sld [smem:$0x3FD9]  }
0x89: {  	s3 =	sld [smem:$0x3FFE];
	_ =	sdelay $0x1  }
0x8a: {  	s1 =	srdreg.scid  }
0x8b: {  	s0 =	sand.u32 $0x1, s1  }
0x8c: {  	s17 =	sshll.u32 s0, $0xA;
	s2 =	sadd.s32 s3, s2  }
0x8d: {  	s2 =	sadd.s32 s2, s17  }
0x8e: {  	[smem:$0x3FC1] =	sst s2  }
0x8f: {  	_ = 	snop  }
0x90: {  	s2 =	sld [smem:$0x3FD0];
	(tm) =	ssettm $0x1  }
0x91: {  	s18 =	sld [smem:$0x3FFB];
	_ =	sdelay $0x3  }
0x92: {  	_ =	strace s18  }
0x93: {  	s3 =	sld [smem:$0x3FFC];
	_ =	sdelay $0x3  }
0x94: {  	_ =	strace s3  }
0x95: {  	s3 =	sld [smem:$0x3FFD];
	_ =	sdelay $0x3  }
0x96: {  	_ =	strace s3  }
0x97: {  	_ =	strace $0x8FFFFFFF  }
0x98: {  	s19 =	sld [smem:$0x3FDB];
	_ =	sdelay $0x1  }
0x99: {  	s4 =	simm.s32 $_scs_section_size  }
0x9a: {  	s5 =	simm.s32 $_size__tile_overlayer_lowered;
	s6 =	simm.s32 $_tile_overlayer_lowered  }
0x9b: {  	s22 =	simm.s32 $0x1BFF;
	s21 =	sshll.u32 s6, $0x1;
	s3 =	sadd.s32 s4, s19  }
0x9c: {  	s7 =	simm.s32 $0x0;
	s20 =	sshll.u32 s5, $0x1;
	s5 =	sadd.s32 s21, s3  }
0x9d: {  	[timem:s7], [sflag:s22] =	dma.local [hbm:s5], s20  }
0x9e: {  	_ =	swait.ge [sflag:s22], s20  }
0x9f: {  	s4 =	ssub.s32 $0x0, s20;
	[sflag:s22] =	ssyncset.done $0x0  }
0xa0: {  	[sflag:s22] =	ssyncadd.s32 s4;
	_ =	sdelay $0x1  }
0xa1: {  	s23 =	simm.s32 $0x1B8B  }
0xa2: {  	_ =	swait.ge [sflag:s23], $0x1  }
0xa3: {  	[sflag:s23] =	ssyncset.done $0x0  }
0xa4: {  	s25 =	simm.s32 $0x1B8E;
	s24 =	sld [smem:$0x3FFE];
	[sflag:s23] =	ssyncadd.s32 $0xFFFFFFFF  }
0xa5: {  	s26 =	simm.s32 $execute0_lowered;
	[smem:$0x3FD2] =	sst s25  }
0xa6: {  	s5 =	sshll.u32 s26, $0x1;
	_ =	strace $0x8000004C;
	[dreg:$0x1] =	wrdreg $0xFFFFFFFF  }
0xa7: {  	s28 =	simm.s32 $_size_execute0_lowered;
	s3 =	sadd.s32 s3, s5;
	[dreg:$0x0] =	wrdreg $0x0  }
0xa8: {  	s5 =	sshll.u32 s28, $0x1;
	[dreg:$0x2] =	wrdreg s3  }
0xa9: {  	[dreg:$0x3] =	wrdreg s5  }
0xaa: {  	[dreg:$0x4] =	wrdreg $0xC0  }
0xab: {  	_ =	task [dreg:s7], $0x5FFFF  }
0xac: {  	[dreg:$0x1] =	wrdreg $0xFFFFFFFF  }
0xad: {  	[dreg:$0x0] =	wrdreg $0x60  }
0xae: {  	[dreg:$0x2] =	wrdreg s2  }
0xaf: {  	[dreg:$0x3] =	wrdreg s24  }
0xb0: {  	[dreg:$0x4] =	wrdreg $0x0  }
0xb1: {  	[dreg:$0x5] =	wrdreg $0x9  }
0xb2: {  	_ =	task.clear_ibuf [dreg:s7], $0x6FFFF;
	_ =	strace $0x9000004C  }
0xb3: {  	s29 =	simm.s32 $0x9;
	_ =	strace $0x8000004E  }
0xb4: {  	_ =	swait.ge [sflag:s29], $0x1  }
0xb5: {  	[sflag:s29] =	ssyncadd.s32 $0xFFFFFFFF  }
0xb6: {  	_ =	strace $0x9000004E  }
0xb7: {  	_ =	sfence  }
0xb8: {  	s30 =	sld [smem:$0x0];
	_ =	sdelay $0x2  }
0xb9: {  	s31 =	sshll.u32 s1, $0xD;
	s1 =	sshrl.u32 s1, $0x2  }
0xba: {  	s3 =	sand.u32 $0x4000, s31;
	s1 =	sadd.s32 s1, s30  }
0xbb: {  	s0 =	sor.u32 s3, s0;
	s1 =	sshll.u32 s1, $0x11  }
0xbc: {  	s0 =	sor.u32 s1, s0  }
0xbd: {  	s0 =	sadd.s32 $0x8F2B, s0  }
0xbe: {  	[sflag:s0] =	ssyncadd.remote.s32 $0x1  }
0xbf: {  	_ =	sfence.sel $0xFFFF  }
0xc0: {  	[dreg:$0x0] =	wrdreg $0xFFFFFFFF;
	(pc) =	sbr.abs _section_cstart, $3  }
0xc1: {  	[dreg:$0x1] =	wrdreg $0xFFFFFFFF  }
0xc2: {  	_ =	task.clear_ibuf [dreg:s7], $0x2FFFF;
	_ =	strace $0x9FFFFFFF  }
0xc3: {  	(tm) =	ssettm $0x7FFFFFFF  }
tec
execute0_lowered:
.L_overlay_start_1:
0x0: {  	(tag) =	ssettag $0x1  }
0x1: {  	s0 =	srdreg.scid;
	s1 =	rddreg [dreg:$0x0]  }
0x2: {  	s10 =	stileid.u32;
	s5 =	rddreg [dreg:$0x1]  }
0x3: {  	s3 =	rddreg [dreg:$0x2];
	s4 =	simm.s32 $0x0;
	s28 =	simm.s32 $0x138D0  }
0x4: {  	s29 =	simm.s32 $0x19480;
	s30 =	simm.s32 $0x13920;
	s31 =	simm.s32 $0x1BC80  }
0x5: {  	s0 =	sand.u32 $0x1, s0;
	[smem:$0x7FF] =	sst s4;
	s8 =	smul.u32 $0x4E000, s10  }
0x6: {  	s9 =	sadd.s32 $0x1C00, s5;
	s25 =	smul.u32 $0x13800, s10;
	s16 =	sadd.s32 $0x138000, s3  }
0x7: {  	p0 =	sne.s32 s10, $0xF;
	s2 =	sshll.u32 s0, $0x4;
	_ =	strace $0x8000004D  }
0x8: {  	s7 =	ssub.s32 $0x2, s0;
	[dreg:$0x4] =	wrdreg s9;
	s0 =	smul.u32 $0x138800, s0  }
0x9: {  	s2 =	sor.u32 s10, s2;
	s18 =	sshrl.u32 s7, $0x1;
	s8 =	sshrl.u32 s8, $0x2  }
0xa: {  	s6 =	smul.u32 $0x2710, s2;
	s2 =	sshll.u32 s2, $0xB;
	s7 =	ssub.s32 s7, s18  }
0xb: {  	s8 =	sadd.s32 s8, s3;
	s9 =	sadd.s32 s25, s0;
	s0 =	sshrl.u32 s0, $0x3  }
0xc: {  	s25 =	simm.s32 $0x16C80;
	s2 =	sadd.s32 s2, s5;
	s21 =	sadd.s32 $0x2800, s8  }
0xd: {  	s22 =	sadd.s32 $0x5000, s8;
	s23 =	sadd.s32 $0x7800, s8;
	s24 =	sadd.s32 $0xA000, s8  }
0xe: {  	s13 =	sadd.s32 $0xC800, s8;
	s14 =	sadd.s32 $0xF000, s8;
	[dreg:$0x7] =	wrdreg s21  }
0xf: {  	s15 =	sadd.s32 $0x11800, s8;
	s26 =	sshrl.u32 s9, $0x3;
	[dreg:$0x8] =	wrdreg s22  }
0x10: {  	s6 =	sshrl.u32 s6, $0x3;
	s20 =	sadd.s32 $0x1FC00, s2;
	[dreg:$0x9] =	wrdreg s23  }
0x11: {  	[dreg:$0xa] =	wrdreg s24;
	s18 =	sadd.s32 $0x20000, s2;
	s21 =	smax.u32 s7, $0x1  }
0x12: {  	s22 =	simm.s32 $0x13880;
	s23 =	simm.s32 $0x4;
	s24 =	simm.s32 $0x14C80  }
0x13: {  	s2 =	simm.s32 $0x1;
	s7 =	simm.s32 $0x0;
	s6 =	sadd.s32 s6, s5  }
0x14: {  	s5 =	sadd.s32 $0x2FC00, s5;
	[dreg:$0x6] =	wrdreg s20;
	s19 =	sadd.s32 $0xBA00, s6  }
0x15: {  	s17 =	sadd.s32 $0xBC80, s6;
	s0 =	sadd.s32 s5, s0;
	s6 =	simm.s32 $0x16A80  }
0x16: {  	[dreg:$0x5] =	wrdreg s19;
	s19 =	sadd.s32 s5, s26;
	s20 =	sadd.s32 $0x27000, s0  }
0x17: {  	s26 =	simm.s32 $0x50;
	s0 =	simm.s32 $0x2;
	s5 =	simm.s32 $0x3  }
.LBB2_1:
0x18: {  	s9 =	rddreg [dreg:$0x5]  }
0x19: {  	[tilespmem:s22], [sflag:$0x4] =	stream.linear.gather [hbm4b:s9+s4], $0x1400, $0x38;
	[tilespmem:$0x1E480] =	vst v63  }
0x1a: {  	_ =	swait.ge [sflag:s23], $0x1400  }
0x1b: {  	[sflag:s23] =	ssyncset.done $0x0  }
0x1c: {  	s11 =	rddreg [dreg:$0x6];
	[sflag:s23] =	ssyncadd.s32 $0xFFFFEC00  }
0x1d: {  	[tilespmem:s24], [sflag:$0x4] =	stream.linear.gather [hbm4b:s11+s4], $0x2000, $0x38;
	[tilespmem:$0x1E480] =	vst v63  }
0x1e: {  	_ =	swait.ge [sflag:s23], $0x2000  }
0x1f: {  	[sflag:s23] =	ssyncset.done $0x0  }
0x20: {  	s12 =	rddreg [dreg:$0x4];
	[sflag:s23] =	ssyncadd.s32 $0xFFFFE000  }
0x21: {  	[tilespmem:s25], [sflag:$0x4] =	stream.linear.gather [hbm4b:s12+s4], $0x2800, $0x38;
	[tilespmem:$0x1E480] =	vst v63  }
0x22: {  	_ =	swait.ge [sflag:s23], $0x2800  }
0x23: {  	[sflag:s23] =	ssyncset.done $0x0  }
0x24: {  	[sflag:s23] =	ssyncadd.s32 $0xFFFFD800  }
0x25: {  	[spmem:s8] =	stream.linear.scatter [tilespmem:s25], [sflag:$0x4], $0x2800, $0x38;
	[tilespmem:$0x1E480] =	vst v63  }
0x26: {  	_ =	swait.ge [sflag:s23], $0x2800  }
0x27: {  	[sflag:s23] =	ssyncset.done $0x0  }
0x28: {  	s10 =	rddreg [dreg:$0x7];
	[sflag:s23] =	ssyncadd.s32 $0xFFFFD800  }
0x29: {  	[spmem:s10] =	stream.linear.scatter [tilespmem:s25], [sflag:$0x4], $0x2800, $0x38;
	[tilespmem:$0x1E480] =	vst v63  }
0x2a: {  	_ =	swait.ge [sflag:s23], $0x2800  }
0x2b: {  	[sflag:s23] =	ssyncset.done $0x0  }
0x2c: {  	s11 =	rddreg [dreg:$0x8];
	[sflag:s23] =	ssyncadd.s32 $0xFFFFD800  }
0x2d: {  	[spmem:s11] =	stream.linear.scatter [tilespmem:s25], [sflag:$0x4], $0x2800, $0x38;
	[tilespmem:$0x1E480] =	vst v63  }
0x2e: {  	_ =	swait.ge [sflag:s23], $0x2800  }
0x2f: {  	[sflag:s23] =	ssyncset.done $0x0  }
0x30: {  	s12 =	rddreg [dreg:$0x9];
	[sflag:s23] =	ssyncadd.s32 $0xFFFFD800  }
0x31: {  	[spmem:s12] =	stream.linear.scatter [tilespmem:s25], [sflag:$0x4], $0x2800, $0x38;
	[tilespmem:$0x1E480] =	vst v63  }
0x32: {  	_ =	swait.ge [sflag:s23], $0x2800  }
0x33: {  	[sflag:s23] =	ssyncset.done $0x0  }
0x34: {  	s10 =	rddreg [dreg:$0xa];
	[sflag:s23] =	ssyncadd.s32 $0xFFFFD800  }
0x35: {  	[spmem:s10] =	stream.linear.scatter [tilespmem:s25], [sflag:$0x4], $0x2800, $0x38;
	[tilespmem:$0x1E480] =	vst v63  }
0x36: {  	_ =	swait.ge [sflag:s23], $0x2800  }
0x37: {  	[sflag:s23] =	ssyncset.done $0x0  }
0x38: {  	[sflag:s23] =	ssyncadd.s32 $0xFFFFD800  }
0x39: {  	[spmem:s13] =	stream.linear.scatter [tilespmem:s25], [sflag:$0x4], $0x2800, $0x38;
	[tilespmem:$0x1E480] =	vst v63  }
0x3a: {  	_ =	swait.ge [sflag:s23], $0x2800  }
0x3b: {  	[sflag:s23] =	ssyncset.done $0x0  }
0x3c: {  	[sflag:s23] =	ssyncadd.s32 $0xFFFFD800  }
0x3d: {  	[spmem:s14] =	stream.linear.scatter [tilespmem:s25], [sflag:$0x4], $0x2800, $0x38;
	[tilespmem:$0x1E480] =	vst v63  }
0x3e: {  	_ =	swait.ge [sflag:s23], $0x2800  }
0x3f: {  	[sflag:s23] =	ssyncset.done $0x0  }
0x40: {  	[sflag:s23] =	ssyncadd.s32 $0xFFFFD800  }
0x41: {  	[spmem:s15] =	stream.linear.scatter [tilespmem:s25], [sflag:$0x4], $0x2000, $0x38;
	[tilespmem:$0x1E480] =	vst v63  }
0x42: {  	_ =	swait.ge [sflag:s23], $0x2000  }
0x43: {  	[sflag:s23] =	ssyncset.done $0x0  }
0x44: {  	s9 =	simm.s32 @!p0 $0x16C80;
	[sflag:s23] =	ssyncadd.s32 $0xFFFFE000  }
0x45: {  	[spmem:s16] =	stream.linear.scatter @!p0 [tilespmem:s9], [sflag:$0x4], $0x800, $0x38;
	[tilespmem:$0x1E480] =	vst v63  }
0x46: {  	s9 =	simm.s32 @!p0 $0x4  }
0x47: {  	_ =	swait.ge @!p0 [sflag:s9], $0x800  }
0x48: {  	[sflag:s9] =	ssyncset.done @!p0 $0x0  }
0x49: {  	[sflag:s9] =	ssyncadd.s32 @!p0 $0xFFFFF800  }
0x4a: {  	[bflag:$0x0] =	sbarrier.arrive $0xFFFF  }
0x4b: {  	[tilespmem:s25], [sflag:$0x1] =	stream.indirect.gather [hbm4b:s1+s26], $0x80, s22, s26, $0xb8;
	[tilespmem:$0x1E480] =	vst v63  }
0x4c: {  	_ = 	snop  }
0x4d: {  	[tilespmem:s29], [sflag:$0x2] =	stream.indirect.gather [hbm4b:s1+s26], $0x80, s28, s26, $0xb8;
	[tilespmem:$0x1E480] =	vst v63  }
0x4e: {  	_ = 	snop  }
0x4f: {  	[tilespmem:s31], [sflag:$0x3] =	stream.indirect.gather [hbm4b:s1+s26], $0x80, s30, s26, $0xb8;
	[tilespmem:$0x1E480] =	vst v63  }
0x50: {  	_ =	swait.ge [sflag:s2], $0x2800  }
0x51: {  	[sflag:s2] =	ssyncset.done $0x0  }
0x52: {  	s11 =	simm.s32 $0x14C80;
	[sflag:s2] =	ssyncadd.s32 $0xFFFFD800  }
0x53: {  	[spmem:s3] =	stream.indirect.scatter.add.f32 [tilespmem:s25], [sflag:$0x4], $0x80, s11, s26, $0xb8;
	[tilespmem:$0x1E480] =	vst v63  }
0x54: {  	_ =	swait.ge [sflag:s23], $0x2800  }
0x55: {  	[sflag:s23] =	ssyncset.done $0x0  }
0x56: {  	s12 =	simm.s32 $0x13970;
	[sflag:s23] =	ssyncadd.s32 $0xFFFFD800  }
0x57: {  	[tilespmem:s25], [sflag:$0x1] =	stream.indirect.gather [hbm4b:s1+s26], $0x80, s12, s26, $0xb8;
	[tilespmem:$0x1E480] =	vst v63  }
0x58: {  	_ =	swait.ge [sflag:s0], $0x2800  }
0x59: {  	[sflag:s0] =	ssyncset.done $0x0  }
0x5a: {  	s10 =	simm.s32 $0x14D00;
	[sflag:s0] =	ssyncadd.s32 $0xFFFFD800  }
0x5b: {  	[spmem:s3] =	stream.indirect.scatter.add.f32 [tilespmem:s29], [sflag:$0x4], $0x80, s10, s26, $0xb8;
	[tilespmem:$0x1E480] =	vst v63  }
0x5c: {  	_ =	swait.ge [sflag:s23], $0x2800  }
0x5d: {  	[sflag:s23] =	ssyncset.done $0x0  }
0x5e: {  	s11 =	simm.s32 $0x139C0;
	[sflag:s23] =	ssyncadd.s32 $0xFFFFD800  }
0x5f: {  	[tilespmem:s29], [sflag:$0x2] =	stream.indirect.gather [hbm4b:s1+s26], $0x80, s11, s26, $0xb8;
	[tilespmem:$0x1E480] =	vst v63  }
0x60: {  	_ =	swait.ge [sflag:s5], $0x2800  }
0x61: {  	[sflag:s5] =	ssyncset.done $0x0  }
0x62: {  	s12 =	simm.s32 $0x14D80;
	[sflag:s5] =	ssyncadd.s32 $0xFFFFD800  }
0x63: {  	[spmem:s3] =	stream.indirect.scatter.add.f32 [tilespmem:s31], [sflag:$0x4], $0x80, s12, s26, $0xb8;
	[tilespmem:$0x1E480] =	vst v63  }
0x64: {  	_ =	swait.ge [sflag:s23], $0x2800  }
0x65: {  	s9 =	simm.s32 $0x3C0;
	[sflag:s23] =	ssyncset.done $0x0  }
0x66: {  	s10 =	simm.s32 $0x14F00;
	s11 =	simm.s32 $0x13A10;
	[sflag:s23] =	ssyncadd.s32 $0xFFFFD800  }
.LBB2_2:
0x67: {  	[tilespmem:s31], [sflag:$0x3] =	stream.indirect.gather [hbm4b:s1+s26], $0x80, s11, s26, $0xb8;
	[tilespmem:$0x1E480] =	vst v63  }
0x68: {  	s11 =	smov.u32 s9  }
0x69: {  	p1 =	sne.s32 s9, $0x4740;
	s9 =	sadd.s32 $0x3C0, s9;
	_ =	swait.ge [sflag:s2], $0x2800  }
0x6a: {  	[sflag:s2] =	ssyncset.done $0x0  }
0x6b: {  	s12 =	sadd.s32 $0xFFFFFF00, s10;
	[sflag:s2] =	ssyncadd.s32 $0xFFFFD800  }
0x6c: {  	[spmem:s3] =	stream.indirect.scatter.add.f32 [tilespmem:s25], [sflag:$0x4], $0x80, s12, s26, $0xb8;
	[tilespmem:$0x1E480] =	vst v63  }
0x6d: {  	_ =	swait.ge [sflag:s23], $0x2800  }
0x6e: {  	s11 =	sshra.s32 s11, $0x2;
	[sflag:s23] =	ssyncset.done $0x0  }
0x6f: {  	s12 =	sadd.s32 $0x13970, s11;
	[sflag:s23] =	ssyncadd.s32 $0xFFFFD800  }
0x70: {  	[tilespmem:s25], [sflag:$0x1] =	stream.indirect.gather [hbm4b:s1+s26], $0x80, s12, s26, $0xb8;
	[tilespmem:$0x1E480] =	vst v63  }
0x71: {  	_ =	swait.ge [sflag:s0], $0x2800  }
0x72: {  	[sflag:s0] =	ssyncset.done $0x0  }
0x73: {  	s12 =	sadd.s32 $0xFFFFFF80, s10;
	[sflag:s0] =	ssyncadd.s32 $0xFFFFD800  }
0x74: {  	[spmem:s3] =	stream.indirect.scatter.add.f32 [tilespmem:s29], [sflag:$0x4], $0x80, s12, s26, $0xb8;
	[tilespmem:$0x1E480] =	vst v63  }
0x75: {  	_ =	swait.ge [sflag:s23], $0x2800  }
0x76: {  	[sflag:s23] =	ssyncset.done $0x0  }
0x77: {  	s12 =	sadd.s32 $0x139C0, s11;
	[sflag:s23] =	ssyncadd.s32 $0xFFFFD800  }
0x78: {  	[tilespmem:s29], [sflag:$0x2] =	stream.indirect.gather [hbm4b:s1+s26], $0x80, s12, s26, $0xb8;
	[tilespmem:$0x1E480] =	vst v63  }
0x79: {  	_ =	swait.ge [sflag:s5], $0x2800  }
0x7a: {  	[sflag:s5] =	ssyncset.done $0x0  }
.Ltmp0:
0x7b: {  	[sflag:s5] =	ssyncadd.s32 $0xFFFFD800;
	(pc) =	sbr.rel @p1 .LBB2_2-.Ltmp0, $4  }
0x7c: {  	[spmem:s3] =	stream.indirect.scatter.add.f32 [tilespmem:s31], [sflag:$0x4], $0x80, s10, s26, $0xb8;
	[tilespmem:$0x1E480] =	vst v63  }
0x7d: {  	_ =	swait.ge [sflag:s23], $0x2800  }
0x7e: {  	[sflag:s23] =	ssyncset.done $0x0  }
0x7f: {  	s11 =	sadd.s32 $0x13A10, s11;
	s10 =	sadd.s32 $0x180, s10;
	[sflag:s23] =	ssyncadd.s32 $0xFFFFD800  }
0x80: {  	[tilespmem:s31], [sflag:$0x3] =	stream.indirect.gather [hbm4b:s1+s26], $0x80, s11, s26, $0xb8;
	[tilespmem:$0x1E480] =	vst v63  }
0x81: {  	_ =	swait.ge [sflag:s2], $0x2800  }
0x82: {  	[sflag:s2] =	ssyncset.done $0x0  }
0x83: {  	[sflag:s2] =	ssyncadd.s32 $0xFFFFD800  }
0x84: {  	[spmem:s3] =	stream.indirect.scatter.add.f32 [tilespmem:s25], [sflag:$0x4], $0x80, s6, s26, $0xb8;
	[tilespmem:$0x1E480] =	vst v63  }
0x85: {  	_ =	swait.ge [sflag:s23], $0x2800  }
0x86: {  	[sflag:s23] =	ssyncset.done $0x0  }
0x87: {  	s9 =	simm.s32 $0x14C30;
	[sflag:s23] =	ssyncadd.s32 $0xFFFFD800  }
0x88: {  	[tilespmem:s25], [sflag:$0x1] =	stream.indirect.gather [hbm4b:s1+s26], $0x80, s9, s26, $0xb8;
	[tilespmem:$0x1E480] =	vst v63  }
0x89: {  	_ =	swait.ge [sflag:s0], $0x2800  }
0x8a: {  	[sflag:s0] =	ssyncset.done $0x0  }
0x8b: {  	s10 =	simm.s32 $0x16B00;
	[sflag:s0] =	ssyncadd.s32 $0xFFFFD800  }
0x8c: {  	[spmem:s3] =	stream.indirect.scatter.add.f32 [tilespmem:s29], [sflag:$0x4], $0x80, s10, s26, $0xb8;
	[tilespmem:$0x1E480] =	vst v63  }
0x8d: {  	_ =	swait.ge [sflag:s23], $0x2800  }
0x8e: {  	[sflag:s23] =	ssyncset.done $0x0  }
0x8f: {  	[sflag:s23] =	ssyncadd.s32 $0xFFFFD800  }
0x90: {  	_ =	swait.ge [sflag:s5], $0x2800  }
0x91: {  	[sflag:s5] =	ssyncset.done $0x0  }
0x92: {  	s11 =	simm.s32 $0x16B80;
	[sflag:s5] =	ssyncadd.s32 $0xFFFFD800  }
0x93: {  	[spmem:s3] =	stream.indirect.scatter.add.f32 [tilespmem:s31], [sflag:$0x4], $0x80, s11, s26, $0xb8;
	[tilespmem:$0x1E480] =	vst v63  }
0x94: {  	_ =	swait.ge [sflag:s23], $0x2800  }
0x95: {  	[sflag:s23] =	ssyncset.done $0x0  }
0x96: {  	[sflag:s23] =	ssyncadd.s32 $0xFFFFD800  }
0x97: {  	_ =	swait.ge [sflag:s2], $0x2800  }
0x98: {  	[sflag:s2] =	ssyncset.done $0x0  }
0x99: {  	s12 =	simm.s32 $0x16C00;
	[sflag:s2] =	ssyncadd.s32 $0xFFFFD800  }
0x9a: {  	[spmem:s3] =	stream.indirect.scatter.add.f32 [tilespmem:s25], [sflag:$0x4], $0x80, s12, s26, $0xb8;
	[tilespmem:$0x1E480] =	vst v63  }
0x9b: {  	_ =	swait.ge [sflag:s23], $0x2800  }
0x9c: {  	[sflag:s23] =	ssyncset.done $0x0  }
0x9d: {  	s10 =	simm.s32 $0x0;
	[sflag:s23] =	ssyncadd.s32 $0xFFFFD800  }
0x9e: {  	[tilespmem:s22], [sflag:$0x4] =	stream.linear.gather [hbm4b:s17+s10], $0x1310, $0x38;
	[tilespmem:$0x1E480] =	vst v63  }
0x9f: {  	_ =	swait.ge [sflag:s23], $0x1310  }
0xa0: {  	[sflag:s23] =	ssyncset.done $0x0  }
0xa1: {  	[sflag:s23] =	ssyncadd.s32 $0xFFFFECF0  }
0xa2: {  	[tilespmem:s24], [sflag:$0x4] =	stream.linear.gather [hbm4b:s18+s10], $0x2000, $0x38;
	[tilespmem:$0x1E480] =	vst v63  }
0xa3: {  	_ =	swait.ge [sflag:s23], $0x2000  }
0xa4: {  	[sflag:s23] =	ssyncset.done $0x0  }
0xa5: {  	[sflag:s23] =	ssyncadd.s32 $0xFFFFE000  }
0xa6: {  	[tilespmem:s25], [sflag:$0x1] =	stream.indirect.gather [hbm4b:s1+s26], $0x80, s22, s26, $0xb8;
	[tilespmem:$0x1E480] =	vst v63  }
0xa7: {  	_ = 	snop  }
0xa8: {  	[tilespmem:s29], [sflag:$0x2] =	stream.indirect.gather [hbm4b:s1+s26], $0x80, s28, s26, $0xb8;
	[tilespmem:$0x1E480] =	vst v63  }
0xa9: {  	_ = 	snop  }
0xaa: {  	[tilespmem:s31], [sflag:$0x3] =	stream.indirect.gather [hbm4b:s1+s26], $0x80, s30, s26, $0xb8;
	[tilespmem:$0x1E480] =	vst v63  }
0xab: {  	_ =	swait.ge [sflag:s2], $0x2800  }
0xac: {  	[sflag:s2] =	ssyncset.done $0x0  }
0xad: {  	s11 =	simm.s32 $0x14C80;
	[sflag:s2] =	ssyncadd.s32 $0xFFFFD800  }
0xae: {  	[spmem:s3] =	stream.indirect.scatter.add.f32 [tilespmem:s25], [sflag:$0x4], $0x80, s11, s26, $0xb8;
	[tilespmem:$0x1E480] =	vst v63  }
0xaf: {  	_ =	swait.ge [sflag:s23], $0x2800  }
0xb0: {  	[sflag:s23] =	ssyncset.done $0x0  }
0xb1: {  	s12 =	simm.s32 $0x13970;
	[sflag:s23] =	ssyncadd.s32 $0xFFFFD800  }
0xb2: {  	[tilespmem:s25], [sflag:$0x1] =	stream.indirect.gather [hbm4b:s1+s26], $0x80, s12, s26, $0xb8;
	[tilespmem:$0x1E480] =	vst v63  }
0xb3: {  	_ =	swait.ge [sflag:s0], $0x2800  }
0xb4: {  	[sflag:s0] =	ssyncset.done $0x0  }
0xb5: {  	s10 =	simm.s32 $0x14D00;
	[sflag:s0] =	ssyncadd.s32 $0xFFFFD800  }
0xb6: {  	[spmem:s3] =	stream.indirect.scatter.add.f32 [tilespmem:s29], [sflag:$0x4], $0x80, s10, s26, $0xb8;
	[tilespmem:$0x1E480] =	vst v63  }
0xb7: {  	_ =	swait.ge [sflag:s23], $0x2800  }
0xb8: {  	[sflag:s23] =	ssyncset.done $0x0  }
0xb9: {  	s11 =	simm.s32 $0x139C0;
	[sflag:s23] =	ssyncadd.s32 $0xFFFFD800  }
0xba: {  	[tilespmem:s29], [sflag:$0x2] =	stream.indirect.gather [hbm4b:s1+s26], $0x80, s11, s26, $0xb8;
	[tilespmem:$0x1E480] =	vst v63  }
0xbb: {  	_ =	swait.ge [sflag:s5], $0x2800  }
0xbc: {  	[sflag:s5] =	ssyncset.done $0x0  }
0xbd: {  	s12 =	simm.s32 $0x14D80;
	[sflag:s5] =	ssyncadd.s32 $0xFFFFD800  }
0xbe: {  	[spmem:s3] =	stream.indirect.scatter.add.f32 [tilespmem:s31], [sflag:$0x4], $0x80, s12, s26, $0xb8;
	[tilespmem:$0x1E480] =	vst v63  }
0xbf: {  	_ =	swait.ge [sflag:s23], $0x2800  }
0xc0: {  	s9 =	simm.s32 $0x3C0;
	[sflag:s23] =	ssyncset.done $0x0  }
0xc1: {  	s10 =	simm.s32 $0x14F00;
	s11 =	simm.s32 $0x13A10;
	[sflag:s23] =	ssyncadd.s32 $0xFFFFD800  }
.LBB2_4:
0xc2: {  	[tilespmem:s31], [sflag:$0x3] =	stream.indirect.gather [hbm4b:s1+s26], $0x80, s11, s26, $0xb8;
	[tilespmem:$0x1E480] =	vst v63  }
0xc3: {  	s11 =	smov.u32 s9  }
0xc4: {  	p1 =	sne.s32 s9, $0x4380;
	s9 =	sadd.s32 $0x3C0, s9;
	_ =	swait.ge [sflag:s2], $0x2800  }
0xc5: {  	[sflag:s2] =	ssyncset.done $0x0  }
0xc6: {  	s12 =	sadd.s32 $0xFFFFFF00, s10;
	[sflag:s2] =	ssyncadd.s32 $0xFFFFD800  }
0xc7: {  	[spmem:s3] =	stream.indirect.scatter.add.f32 [tilespmem:s25], [sflag:$0x4], $0x80, s12, s26, $0xb8;
	[tilespmem:$0x1E480] =	vst v63  }
0xc8: {  	_ =	swait.ge [sflag:s23], $0x2800  }
0xc9: {  	s11 =	sshra.s32 s11, $0x2;
	[sflag:s23] =	ssyncset.done $0x0  }
0xca: {  	s12 =	sadd.s32 $0x13970, s11;
	[sflag:s23] =	ssyncadd.s32 $0xFFFFD800  }
0xcb: {  	[tilespmem:s25], [sflag:$0x1] =	stream.indirect.gather [hbm4b:s1+s26], $0x80, s12, s26, $0xb8;
	[tilespmem:$0x1E480] =	vst v63  }
0xcc: {  	_ =	swait.ge [sflag:s0], $0x2800  }
0xcd: {  	[sflag:s0] =	ssyncset.done $0x0  }
0xce: {  	s12 =	sadd.s32 $0xFFFFFF80, s10;
	[sflag:s0] =	ssyncadd.s32 $0xFFFFD800  }
0xcf: {  	[spmem:s3] =	stream.indirect.scatter.add.f32 [tilespmem:s29], [sflag:$0x4], $0x80, s12, s26, $0xb8;
	[tilespmem:$0x1E480] =	vst v63  }
0xd0: {  	_ =	swait.ge [sflag:s23], $0x2800  }
0xd1: {  	[sflag:s23] =	ssyncset.done $0x0  }
0xd2: {  	s12 =	sadd.s32 $0x139C0, s11;
	[sflag:s23] =	ssyncadd.s32 $0xFFFFD800  }
0xd3: {  	[tilespmem:s29], [sflag:$0x2] =	stream.indirect.gather [hbm4b:s1+s26], $0x80, s12, s26, $0xb8;
	[tilespmem:$0x1E480] =	vst v63  }
0xd4: {  	_ =	swait.ge [sflag:s5], $0x2800  }
0xd5: {  	[sflag:s5] =	ssyncset.done $0x0  }
.Ltmp1:
0xd6: {  	[sflag:s5] =	ssyncadd.s32 $0xFFFFD800;
	(pc) =	sbr.rel @p1 .LBB2_4-.Ltmp1, $4  }
0xd7: {  	[spmem:s3] =	stream.indirect.scatter.add.f32 [tilespmem:s31], [sflag:$0x4], $0x80, s10, s26, $0xb8;
	[tilespmem:$0x1E480] =	vst v63  }
0xd8: {  	_ =	swait.ge [sflag:s23], $0x2800  }
0xd9: {  	[sflag:s23] =	ssyncset.done $0x0  }
0xda: {  	s11 =	sadd.s32 $0x13A10, s11;
	s10 =	sadd.s32 $0x180, s10;
	[sflag:s23] =	ssyncadd.s32 $0xFFFFD800  }
0xdb: {  	[tilespmem:s31], [sflag:$0x3] =	stream.indirect.gather [hbm4b:s1+s26], $0x80, s11, s26, $0xb8;
	[tilespmem:$0x1E480] =	vst v63  }
0xdc: {  	_ =	swait.ge [sflag:s2], $0x2800  }
0xdd: {  	[sflag:s2] =	ssyncset.done $0x0  }
0xde: {  	s9 =	simm.s32 $0x16900;
	[sflag:s2] =	ssyncadd.s32 $0xFFFFD800  }
0xdf: {  	[spmem:s3] =	stream.indirect.scatter.add.f32 [tilespmem:s25], [sflag:$0x4], $0x80, s9, s26, $0xb8;
	[tilespmem:$0x1E480] =	vst v63  }
0xe0: {  	_ =	swait.ge [sflag:s23], $0x2800  }
0xe1: {  	[sflag:s23] =	ssyncset.done $0x0  }
0xe2: {  	s12 =	simm.s32 $0x14B40;
	[sflag:s23] =	ssyncadd.s32 $0xFFFFD800  }
0xe3: {  	[tilespmem:s25], [sflag:$0x1] =	stream.indirect.gather [hbm4b:s1+s26], $0x80, s12, s26, $0xb8;
	[tilespmem:$0x1E480] =	vst v63  }
0xe4: {  	_ =	swait.ge [sflag:s0], $0x2800  }
0xe5: {  	[sflag:s0] =	ssyncset.done $0x0  }
0xe6: {  	s10 =	simm.s32 $0x16980;
	[sflag:s0] =	ssyncadd.s32 $0xFFFFD800  }
0xe7: {  	[spmem:s3] =	stream.indirect.scatter.add.f32 [tilespmem:s29], [sflag:$0x4], $0x80, s10, s26, $0xb8;
	[tilespmem:$0x1E480] =	vst v63  }
0xe8: {  	_ =	swait.ge [sflag:s23], $0x2800  }
0xe9: {  	[sflag:s23] =	ssyncset.done $0x0  }
0xea: {  	[sflag:s23] =	ssyncadd.s32 $0xFFFFD800  }
0xeb: {  	_ =	swait.ge [sflag:s5], $0x2800  }
0xec: {  	[sflag:s5] =	ssyncset.done $0x0  }
0xed: {  	s11 =	simm.s32 $0x16A00;
	[sflag:s5] =	ssyncadd.s32 $0xFFFFD800  }
0xee: {  	[spmem:s3] =	stream.indirect.scatter.add.f32 [tilespmem:s31], [sflag:$0x4], $0x80, s11, s26, $0xb8;
	[tilespmem:$0x1E480] =	vst v63  }
0xef: {  	_ =	swait.ge [sflag:s23], $0x2800  }
0xf0: {  	[sflag:s23] =	ssyncset.done $0x0  }
0xf1: {  	[sflag:s23] =	ssyncadd.s32 $0xFFFFD800  }
0xf2: {  	_ =	swait.ge [sflag:s2], $0x2800  }
0xf3: {  	[sflag:s2] =	ssyncset.done $0x0  }
0xf4: {  	[sflag:s2] =	ssyncadd.s32 $0xFFFFD800  }
0xf5: {  	[spmem:s3] =	stream.indirect.scatter.add.f32 [tilespmem:s25], [sflag:$0x4], $0x80, s6, s26, $0xb8;
	[tilespmem:$0x1E480] =	vst v63  }
0xf6: {  	_ =	swait.ge [sflag:s23], $0x2800  }
0xf7: {  	s12 =	stileid.u32;
	[sflag:s23] =	ssyncset.done $0x0  }
0xf8: {  	s9 =	sshll.u32 s12, $0x6;
	[sflag:s23] =	ssyncadd.s32 $0xFFFFD800  }
0xf9: {  	s9 =	sor.u32 $0x1C04, s9;
	s10 =	sshrl.u32 s8, $0x3;
	[bflag:$0x0] =	sbarrier.arrive $0xFFFF  }
0xfa: {  	[hbm:s19], [sflag:s9] =	dma.local [spmem:s10], $0x2700  }
0xfb: {  	_ =	swait.ge [sflag:s23], $0x2700  }
0xfc: {  	s7 =	sadd.s32 $0x1, s7;
	[sflag:s23] =	ssyncset.done $0x0  }
0xfd: {  	p1 =	sne.s32 s7, s21;
	s10 =	sshrl.u32 @!p0 s16, $0x3;
	[sflag:s23] =	ssyncadd.s32 $0xFFFFD900  }
0xfe: {  	[hbm:s20], [sflag:s9] =	dma.local @!p0 [spmem:s10], $0x100  }
.Ltmp2:
0xff: {  	_ = 	snop;
	(pc) =	sbr.rel @p1 .LBB2_1-.Ltmp2, $4  }
0x100: {  	s9 =	simm.s32 @!p0 $0x4  }
0x101: {  	_ =	swait.ge @!p0 [sflag:s9], $0x100  }
0x102: {  	[sflag:s9] =	ssyncset.done @!p0 $0x0  }
0x103: {  	[sflag:s9] =	ssyncadd.s32 @!p0 $0xFFFFFF00  }
0x104: {  	_ =	sfence.sel $0x180000  }
0x105: {  	[bflag:$0x0] =	sbarrier.arrive $0xFFFF  }
0x106: {  	_ =	strace $0x9000004D  }
0x107: {  	s0 =	stileid.u32;
	[bflag:$0x2] =	sbarrier.arrive $0xFFFF  }
0x108: {  	p0 =	sne.s32 s0, $0x0;
	s0 =	rddreg [dreg:$0x3]  }
0x109: {  	s0 =	sadd.s32 @!p0 $0x100000, s0  }
0x10a: {  	[sflag:s0] =	ssyncadd.tile.s32 @!p0 $0x1;
	_ =	shalt  }
.Lfunc_end2:
_tile_overlayer_lowered:
.L_overlay_start_2:
0x10b: {  	(tag) =	ssettag $0x2  }
0x10c: {  	s0 =	rddreg [dreg:$0x0];
	s2 =	stileid.u32  }
0x10d: {  	s1 =	rddreg [dreg:$0x1];
	p0 =	sne.s32 s2, $0x0  }
0x10e: {  	s3 =	rddreg [dreg:$0x2];
	[bflag:$0x3] =	sbarrier.arrive $0xFFFF;
	s2 =	simm.s32 @!p0 $0x1C04  }
0x10f: {  	[timem:s3], [sflag:s2] =	dma.local @!p0 [hbm:s0], s1  }
0x110: {  	s0 =	simm.s32 @!p0 $0x4  }
0x111: {  	_ =	swait.ge @!p0 [sflag:s0], s1  }
0x112: {  	s1 =	ssub.s32 @!p0 $0x0, s1;
	[sflag:s0] =	ssyncset.done @!p0 $0x0  }
0x113: {  	[sflag:s0] =	ssyncadd.s32 @!p0 s1  }
0x114: {  	[bflag:$0x3] =	sbarrier.arrive $0xFFFF  }
0x115: {  	_ =	shalt  }

// kernel: kernel.8.cloned.1.call-start
scs
__scs_entry_jumppad:
0x0: {  	(pc) =	sbr.rel $0x88, $3  }
0x1: {  	(tag) =	ssettag $0x0;
	lr =	simm.s32 $0x1  }
0x2: {  	[smem:$0x3F9A] =	sst lr;
	_ =	strace $0xD0000000  }
0x3: {  	_ = 	snop  }
0x4: {  	_ = 	snop  }
0x5: {  	_ = 	snop  }
0x6: {  	_ = 	snop  }
0x7: {  	_ = 	snop  }
__scs_overlays_trampoline_lowered:
0x8: {  	[smem:$0x3FA9] =	sst s0  }
0x9: {  	[smem:$0x3FAA] =	sst s1  }
0xa: {  	[smem:$0x3FAB] =	sst s2  }
0xb: {  	[smem:$0x3FAC] =	sst s3  }
0xc: {  	[smem:$0x3FAD] =	sst s4  }
0xd: {  	[smem:$0x3FAE] =	sst s5  }
0xe: {  	[smem:$0x3FAF] =	sst s6  }
0xf: {  	[smem:$0x3FB0] =	sst s7  }
0x10: {  	[smem:$0x3FB1] =	sst s8  }
0x11: {  	[smem:$0x3FB2] =	sst s9;
	s0 =	simm.s32 @!p0 $0x0  }
0x12: {  	s1 =	sld [smem:$0x3F98];
	s0 =	simm.s32 @p0 $0x1  }
0x13: {  	[smem:$0x3FB3] =	sst s0;
	s0 =	simm.s32 @!p1 $0x0  }
0x14: {  	s2 =	sld [smem:$0x3F97];
	s0 =	simm.s32 @p1 $0x1  }
0x15: {  	[smem:$0x3FB4] =	sst s0;
	s0 =	simm.s32 @!p2 $0x0  }
0x16: {  	s3 =	sld [smem:$0x3FDB];
	s0 =	simm.s32 @p2 $0x1  }
0x17: {  	s4 =	simm.s32 $0x1BF5;
	[smem:$0x3FB6] =	sst s0  }
0x18: {  	s0 =	sld [smem:$0x3F99];
	_ =	swait.ge [sflag:s4], $0x0  }
0x19: {  	s7 =	sld [smem:$0x3F9A]  }
0x1a: {  	s8 =	sadd.s32 $0xFFFFE003, lr  }
0x1b: {  	s9 =	sadd.s32 $0xFFFFFEF7, lr;
	s5 =	simm.s32 $0xFFFFFFFF;
	p2 =	slt.u32 s8, $0xFFFFF086  }
0x1c: {  	p1 =	slt.u32 s9, $0xF7A;
	s5 =	simm.s32 @!p2 $0x0  }
0x1d: {  	s5 =	simm.s32 @p1 $0x1;
	p0 =	seq.s32 s7, s2  }
0x1e: {  	s7 =	smul.u32 @!p0 $0xF7A, s2;
	p2 =	seq.s32 @!p0 s5, $0x0  }
0x1f: {  	s9 =	smul.u32 $0xF7A, s1;
	s8 =	simm.s32 @!p0 $0x1BF5;
	p2 =	por !p2, p0  }
0x20: {  	[sflag:s8] =	ssyncset.s32 @!p0 $0xFFFFF086;
	s6 =	sadd.s32 @!p0 s3, s7;
	s7 =	simm.s32 @!p0 $0x108  }
0x21: {  	s3 =	sadd.s32 s3, s9;
	s6 =	sadd.s32 @!p0 $0x88, s6;
	s7 =	simm.s32 @p2 $0x1082  }
0x22: {  	[simem:s7], [sflag:s8] =	dma.local @!p0 [hbm:s6], $0xF7A  }
0x23: {  	s9 =	sor.u32 $0xD0000000, s2;
	s6 =	simm.s32 $0x108;
	_ =	swait.ge @!p0 [sflag:s8], $0x0  }
0x24: {  	s3 =	sadd.s32 $0x88, s3;
	s6 =	simm.s32 @!p1 $0x1082;
	[sflag:s4] =	ssyncset.s32 $0xFFFFF086  }
0x25: {  	[simem:s6], [sflag:s4] =	dma.local [hbm:s3], $0xF7A  }
0x26: {  	[smem:$0x3F9A] =	sst s1;
	(tag) =	ssettag s2;
	_ =	strace s9  }
0x27: {  	s1 =	sld [smem:$0x3FAA]  }
0x28: {  	s2 =	sld [smem:$0x3FAB]  }
0x29: {  	s4 =	sld [smem:$0x3FAD]  }
0x2a: {  	p0 =	seq.s32 s5, $0x0;
	s5 =	sld [smem:$0x3FAE]  }
0x2b: {  	s6 =	sld [smem:$0x3FAF]  }
0x2c: {  	s7 =	sld [smem:$0x3FB0]  }
0x2d: {  	s3 =	simm.s32 $0x108;
	s8 =	sld [smem:$0x3FB1]  }
0x2e: {  	s3 =	simm.s32 @!p0 $0x1082;
	s9 =	sld [smem:$0x3FB2]  }
0x2f: {  	lr =	sadd.s32 s0, s3;
	s0 =	sld [smem:$0x3FA9]  }
0x30: {  	s3 =	sld [smem:$0x3FAC]  }
0x31: {  	[smem:$0x3FB5] =	sst s10  }
0x32: {  	s10 =	sld [smem:$0x3FB3];
	_ =	sdelay $0x3  }
0x33: {  	p0 =	seq.s32 s10, $0x1;
	s10 =	sld [smem:$0x3FB5];
	_ =	sdelay $0x3  }
0x34: {  	[smem:$0x3FB5] =	sst s10  }
0x35: {  	s10 =	sld [smem:$0x3FB4];
	_ =	sdelay $0x3  }
0x36: {  	p1 =	seq.s32 s10, $0x1;
	s10 =	sld [smem:$0x3FB5];
	_ =	sdelay $0x3  }
0x37: {  	[smem:$0x3FB5] =	sst s10  }
0x38: {  	s10 =	sld [smem:$0x3FB6]  }
0x39: {  	_ = 	snop;
	(pc) =	sbr.ind lr, $3  }
0x3a: {  	_ = 	snop  }
0x3b: {  	_ = 	snop  }
0x3c: {  	p2 =	seq.s32 s10, $0x1;
	s10 =	sld [smem:$0x3FB5]  }
0x3d: {  	_ =	shalt  }
0x3e: {  	_ =	shalt  }
0x3f: {  	_ =	shalt  }
0x40: {  	_ =	shalt  }
0x41: {  	_ =	shalt  }
0x42: {  	_ =	shalt  }
0x43: {  	_ =	shalt  }
0x44: {  	_ =	shalt  }
0x45: {  	_ =	shalt  }
0x46: {  	_ =	shalt  }
0x47: {  	_ =	shalt  }
0x48: {  	_ =	shalt  }
0x49: {  	_ =	shalt  }
0x4a: {  	_ =	shalt  }
0x4b: {  	_ =	shalt  }
0x4c: {  	_ =	shalt  }
0x4d: {  	_ =	shalt  }
0x4e: {  	_ =	shalt  }
0x4f: {  	_ =	shalt  }
0x50: {  	_ =	shalt  }
0x51: {  	_ =	shalt  }
0x52: {  	_ =	shalt  }
0x53: {  	_ =	shalt  }
0x54: {  	_ =	shalt  }
0x55: {  	_ =	shalt  }
0x56: {  	_ =	shalt  }
0x57: {  	_ =	shalt  }
0x58: {  	_ =	shalt  }
0x59: {  	_ =	shalt  }
0x5a: {  	_ =	shalt  }
0x5b: {  	_ =	shalt  }
0x5c: {  	_ =	shalt  }
0x5d: {  	_ =	shalt  }
0x5e: {  	_ =	shalt  }
0x5f: {  	_ =	shalt  }
0x60: {  	_ =	shalt  }
0x61: {  	_ =	shalt  }
0x62: {  	_ =	shalt  }
0x63: {  	_ =	shalt  }
0x64: {  	_ =	shalt  }
0x65: {  	_ =	shalt  }
0x66: {  	_ =	shalt  }
0x67: {  	_ =	shalt  }
0x68: {  	_ =	shalt  }
0x69: {  	_ =	shalt  }
0x6a: {  	_ =	shalt  }
0x6b: {  	_ =	shalt  }
0x6c: {  	_ =	shalt  }
0x6d: {  	_ =	shalt  }
0x6e: {  	_ =	shalt  }
0x6f: {  	_ =	shalt  }
0x70: {  	_ =	shalt  }
0x71: {  	_ =	shalt  }
0x72: {  	_ =	shalt  }
0x73: {  	_ =	shalt  }
0x74: {  	_ =	shalt  }
0x75: {  	_ =	shalt  }
0x76: {  	_ =	shalt  }
0x77: {  	_ =	shalt  }
0x78: {  	_ =	shalt  }
0x79: {  	_ =	shalt  }
0x7a: {  	_ =	shalt  }
0x7b: {  	_ =	shalt  }
0x7c: {  	_ =	shalt  }
0x7d: {  	_ =	shalt  }
0x7e: {  	_ =	shalt  }
0x7f: {  	_ =	shalt  }
0x80: {  	_ =	shalt  }
0x81: {  	_ =	shalt  }
0x82: {  	_ =	shalt  }
0x83: {  	_ =	shalt  }
0x84: {  	_ =	shalt  }
0x85: {  	_ =	shalt  }
0x86: {  	_ =	shalt  }
0x87: {  	_ =	shalt  }
.Lfunc_end0:
.L_simem_size_0:
called_computation_lowered:
.L_overlay_start_0:
0x88: {  	s2 =	sld [smem:$0x3FD9]  }
0x89: {  	s3 =	sld [smem:$0x3FFE];
	_ =	sdelay $0x1  }
0x8a: {  	s1 =	srdreg.scid  }
0x8b: {  	s0 =	sand.u32 $0x1, s1  }
0x8c: {  	s17 =	sshll.u32 s0, $0xA;
	s2 =	sadd.s32 s3, s2  }
0x8d: {  	s2 =	sadd.s32 s2, s17  }
0x8e: {  	[smem:$0x3FC1] =	sst s2  }
0x8f: {  	_ = 	snop  }
0x90: {  	s2 =	sld [smem:$0x3FC7]  }
0x91: {  	s18 =	sld [smem:$0x3FD0];
	(tm) =	ssettm $0x1  }
0x92: {  	s4 =	sld [smem:$0x3FFB];
	_ =	sdelay $0x3  }
0x93: {  	_ =	strace s4  }
0x94: {  	s4 =	sld [smem:$0x3FFC];
	_ =	sdelay $0x3  }
0x95: {  	_ =	strace s4  }
0x96: {  	s4 =	sld [smem:$0x3FFD];
	_ =	sdelay $0x3  }
0x97: {  	_ =	strace s4  }
0x98: {  	_ =	strace $0x8FFFFFFF  }
0x99: {  	s19 =	sld [smem:$0x3FDB];
	_ =	sdelay $0x1  }
0x9a: {  	s5 =	simm.s32 $_scs_section_size  }
0x9b: {  	s6 =	simm.s32 $_size__tile_overlayer_lowered;
	s7 =	simm.s32 $_tile_overlayer_lowered  }
0x9c: {  	s22 =	simm.s32 $0x1BFF;
	s21 =	sshll.u32 s7, $0x1;
	s4 =	sadd.s32 s5, s19  }
0x9d: {  	s8 =	simm.s32 $0x0;
	s20 =	sshll.u32 s6, $0x1;
	s6 =	sadd.s32 s21, s4  }
0x9e: {  	[timem:s8], [sflag:s22] =	dma.local [hbm:s6], s20  }
0x9f: {  	_ =	swait.ge [sflag:s22], s20  }
0xa0: {  	s5 =	ssub.s32 $0x0, s20;
	[sflag:s22] =	ssyncset.done $0x0  }
0xa1: {  	[sflag:s22] =	ssyncadd.s32 s5;
	_ =	sdelay $0x1  }
0xa2: {  	s23 =	simm.s32 $0x1B8B  }
0xa3: {  	_ =	swait.ge [sflag:s23], $0x1  }
0xa4: {  	[sflag:s23] =	ssyncset.done $0x0  }
0xa5: {  	s25 =	simm.s32 $0x1B8E;
	s24 =	sld [smem:$0x3FFE];
	[sflag:s23] =	ssyncadd.s32 $0xFFFFFFFF  }
0xa6: {  	s26 =	simm.s32 $execute0_lowered;
	[smem:$0x3FD2] =	sst s25  }
0xa7: {  	s6 =	sshll.u32 s26, $0x1;
	_ =	strace $0x80000046;
	[dreg:$0x1] =	wrdreg $0xFFFFFFFF  }
0xa8: {  	s28 =	simm.s32 $_size_execute0_lowered;
	s4 =	sadd.s32 s4, s6;
	[dreg:$0x0] =	wrdreg $0x0  }
0xa9: {  	s6 =	sshll.u32 s28, $0x1;
	[dreg:$0x2] =	wrdreg s4  }
0xaa: {  	[dreg:$0x3] =	wrdreg s6  }
0xab: {  	[dreg:$0x4] =	wrdreg $0xC0  }
0xac: {  	_ =	task [dreg:s8], $0x5FFFF  }
0xad: {  	[dreg:$0x1] =	wrdreg $0xFFFFFFFF  }
0xae: {  	[dreg:$0x0] =	wrdreg $0x60  }
0xaf: {  	[dreg:$0x2] =	wrdreg s24  }
0xb0: {  	[dreg:$0x3] =	wrdreg s2  }
0xb1: {  	[dreg:$0x4] =	wrdreg s18  }
0xb2: {  	[dreg:$0x5] =	wrdreg $0x9  }
0xb3: {  	_ =	task.clear_ibuf [dreg:s8], $0x6FFFF;
	_ =	strace $0x90000046  }
0xb4: {  	s29 =	simm.s32 $0x9;
	_ =	strace $0x80000048  }
0xb5: {  	_ =	swait.ge [sflag:s29], $0x1  }
0xb6: {  	[sflag:s29] =	ssyncadd.s32 $0xFFFFFFFF  }
0xb7: {  	_ =	strace $0x90000048  }
0xb8: {  	_ =	sfence  }
0xb9: {  	s30 =	sld [smem:$0x0];
	_ =	sdelay $0x2  }
0xba: {  	s31 =	sshll.u32 s1, $0xD;
	s1 =	sshrl.u32 s1, $0x2  }
0xbb: {  	s3 =	sand.u32 $0x4000, s31;
	s1 =	sadd.s32 s1, s30  }
0xbc: {  	s0 =	sor.u32 s3, s0;
	s1 =	sshll.u32 s1, $0x11  }
0xbd: {  	s0 =	sor.u32 s1, s0  }
0xbe: {  	s0 =	sadd.s32 $0x8F2B, s0  }
0xbf: {  	[sflag:s0] =	ssyncadd.remote.s32 $0x1  }
0xc0: {  	_ =	sfence.sel $0xFFFF  }
0xc1: {  	[dreg:$0x0] =	wrdreg $0xFFFFFFFF;
	(pc) =	sbr.abs _section_cstart, $3  }
0xc2: {  	[dreg:$0x1] =	wrdreg $0xFFFFFFFF  }
0xc3: {  	_ =	task.clear_ibuf [dreg:s8], $0x2FFFF;
	_ =	strace $0x9FFFFFFF  }
0xc4: {  	(tm) =	ssettm $0x7FFFFFFF  }
0xc5: {  	_ =	shalt  }
tec
execute0_lowered:
.L_overlay_start_1:
0x0: {  	(tag) =	ssettag $0x1  }
0x1: {  	s0 =	rddreg [dreg:$0x0]  }
0x2: {  	s1 =	rddreg [dreg:$0x1]  }
0x3: {  	s2 =	rddreg [dreg:$0x2]  }
0x4: {  	s3 =	srdreg.scid;
	s12 =	stileid.u32  }
0x5: {  	s19 =	simm.s32 $0x2780;
	s28 =	simm.s32 $0x46C0;
	s29 =	simm.s32 $0x4AA8  }
0x6: {  	s30 =	simm.s32 $0x4F00;
	s31 =	simm.s32 $0x50;
	s5 =	smul.u32 $0x140, s12  }
0x7: {  	s20 =	simm.s32 $0x0;
	s10 =	sand.u32 $0x1, s3;
	s18 =	smul.u32 $0x1400, s12  }
0x8: {  	s3 =	simm.s32 $0x0;
	s4 =	smul.u32 $0x1400, s10;
	s6 =	sshll.u32 s10, $0x4  }
0x9: {  	[smem:$0x7FF] =	sst s3;
	s14 =	smul.u32 $0x14000, s10;
	s16 =	sor.u32 s12, s6  }
0xa: {  	s7 =	ssub.s32 $0x2, s10;
	_ =	strace $0x80000047;
	s24 =	smul.u32 $0x4E2, s16  }
0xb: {  	s26 =	sshrl.u32 s7, $0x1;
	s4 =	sadd.s32 s5, s4;
	s6 =	smul.u32 $0x7D, s16  }
0xc: {  	s5 =	ssub.s32 s7, s26;
	s2 =	sadd.s32 s14, s2;
	p0 =	seq.s32 s16, $0x1F  }
0xd: {  	s26 =	simm.s32 $0x42D8;
	s4 =	sshrl.u32 s4, $0x3;
	s5 =	smax.u32 s5, $0x1  }
0xe: {  	s23 =	sadd.s32 s18, s2;
	s18 =	simm.s32 $0x2;
	s2 =	simm.s32 $0x1  }
0xf: {  	s17 =	sadd.s32 s4, s0;
	s25 =	sadd.s32 s24, s0;
	s0 =	sadd.s32 s6, s0  }
0x10: {  	s24 =	simm.s32 $0x3B08;
	s4 =	sadd.s32 $0x1C00, s25;
	s6 =	sadd.s32 $0x15E00, s0  }
0x11: {  	s7 =	sadd.s32 $0x16DA0, s0;
	s8 =	sadd.s32 $0x17D40, s0;
	s9 =	sadd.s32 $0x18CE0, s0  }
0x12: {  	s10 =	sadd.s32 $0x19C80, s0;
	s11 =	sadd.s32 $0x1AC20, s0;
	s12 =	sadd.s32 $0x1BBC0, s0  }
0x13: {  	s13 =	sadd.s32 $0x1CB60, s0;
	s14 =	sadd.s32 $0x1DB00, s0;
	s15 =	sadd.s32 $0x1EAA0, s0  }
0x14: {  	v0 =	vimm.f32 $0.0e+00;
	v1 =	vimm.f32 $1.000000000e+00;
	s22 =	sadd.s32 $0x15800, s17;
	s25 =	simm.s32 $0x3EF0;
	s0 =	simm.s32 $0x4F80  }
.LBB2_1:
0x15: {  	[tilespmem:s3], [sflag:$0x2] =	stream.linear.gather [hbm4b:s4+s3], $0x2710, $0x38;
	[tilespmem:$0x7780] =	vst v63  }
0x16: {  	_ =	swait.ge [sflag:s18], $0x2710  }
0x17: {  	[sflag:s18] =	ssyncset.done $0x0  }
0x18: {  	s16 =	simm.s32 $0x0;
	[sflag:s18] =	ssyncadd.s32 $0xFFFFD8F0  }
.LBB2_2:
0x19: {  	p1 =	sne.s32 s16, $0x9C00  }
.Ltmp0:
0x1a: {  	_ = 	snop;
	(pc) =	sbr.rel @p1 .LBB2_2-.Ltmp0, $3  }
0x1b: {  	_ =	sdelay $0x1  }
0x1c: {  	s17 =	sshra.s32 s16, $0x2  }
0x1d: {  	s16 =	sadd.s32 $0x40, s16;
	[tilespmem:s17+$0x2780] =	vst v0  }
0x1e: {  	s17 =	simm.s32 $0x0;
	s16 =	simm.s32 $0x40  }
.LBB2_4:
0x1f: {  	p1 =	sne.s32 s16, $0x9C00;
	v2 =	vld [tilespmem:s17+$0x0];
	_ =	sdelay $0x3  }
.Ltmp1:
0x20: {  	(pc) =	sbr.rel @p1 .LBB2_4-.Ltmp1, $2  }
0x21: {  	_ =	sdelay $0x2  }
0x22: {  	s17 =	sshra.s32 s16, $0x2;
	s16 =	sadd.s32 $0x40, s16;
	[tilespmem:v2+s19+$0x0] =	vst.idx.add.f32.msk $0xffff, v1  }
0x23: {  	v2 =	vld [tilespmem:s17+$0x0];
	_ =	sdelay $0x7  }
0x24: {  	s21 =	simm.s32 $0x0;
	[tilespmem:v2+s19+$0x0] =	vst.idx.add.f32.msk $0xffff, v1  }
0x25: {  	[hbm4b:s6+s21] =	stream.linear.scatter [tilespmem:s19], [sflag:$0x2], $0x3E8, $0x38;
	[tilespmem:$0x7780] =	vst v63  }
0x26: {  	_ =	swait.ge [sflag:s18], $0x3E8  }
0x27: {  	[sflag:s18] =	ssyncset.done $0x0  }
0x28: {  	s16 =	simm.s32 $0x2B68;
	[sflag:s18] =	ssyncadd.s32 $0xFFFFFC18  }
0x29: {  	[hbm4b:s7+s21] =	stream.linear.scatter [tilespmem:s16], [sflag:$0x2], $0x3E8, $0x38;
	[tilespmem:$0x7780] =	vst v63  }
0x2a: {  	_ =	swait.ge [sflag:s18], $0x3E8  }
0x2b: {  	[sflag:s18] =	ssyncset.done $0x0  }
0x2c: {  	s17 =	simm.s32 $0x2F50;
	[sflag:s18] =	ssyncadd.s32 $0xFFFFFC18  }
0x2d: {  	[hbm4b:s8+s21] =	stream.linear.scatter [tilespmem:s17], [sflag:$0x2], $0x3E8, $0x38;
	[tilespmem:$0x7780] =	vst v63  }
0x2e: {  	_ =	swait.ge [sflag:s18], $0x3E8  }
0x2f: {  	[sflag:s18] =	ssyncset.done $0x0  }
0x30: {  	s17 =	simm.s32 $0x3338;
	[sflag:s18] =	ssyncadd.s32 $0xFFFFFC18  }
0x31: {  	[hbm4b:s9+s21] =	stream.linear.scatter [tilespmem:s17], [sflag:$0x2], $0x3E8, $0x38;
	[tilespmem:$0x7780] =	vst v63  }
0x32: {  	_ =	swait.ge [sflag:s18], $0x3E8  }
0x33: {  	[sflag:s18] =	ssyncset.done $0x0  }
0x34: {  	s17 =	simm.s32 $0x3720;
	[sflag:s18] =	ssyncadd.s32 $0xFFFFFC18  }
0x35: {  	[hbm4b:s10+s21] =	stream.linear.scatter [tilespmem:s17], [sflag:$0x2], $0x3E8, $0x38;
	[tilespmem:$0x7780] =	vst v63  }
0x36: {  	_ =	swait.ge [sflag:s18], $0x3E8  }
0x37: {  	[sflag:s18] =	ssyncset.done $0x0  }
0x38: {  	[sflag:s18] =	ssyncadd.s32 $0xFFFFFC18  }
0x39: {  	[hbm4b:s11+s21] =	stream.linear.scatter [tilespmem:s24], [sflag:$0x2], $0x3E8, $0x38;
	[tilespmem:$0x7780] =	vst v63  }
0x3a: {  	_ =	swait.ge [sflag:s18], $0x3E8  }
0x3b: {  	[sflag:s18] =	ssyncset.done $0x0  }
0x3c: {  	[sflag:s18] =	ssyncadd.s32 $0xFFFFFC18  }
0x3d: {  	[hbm4b:s12+s21] =	stream.linear.scatter [tilespmem:s25], [sflag:$0x2], $0x3E8, $0x38;
	[tilespmem:$0x7780] =	vst v63  }
0x3e: {  	_ =	swait.ge [sflag:s18], $0x3E8  }
0x3f: {  	[sflag:s18] =	ssyncset.done $0x0  }
0x40: {  	[sflag:s18] =	ssyncadd.s32 $0xFFFFFC18  }
0x41: {  	[hbm4b:s13+s21] =	stream.linear.scatter [tilespmem:s26], [sflag:$0x2], $0x3E8, $0x38;
	[tilespmem:$0x7780] =	vst v63  }
0x42: {  	_ =	swait.ge [sflag:s18], $0x3E8  }
0x43: {  	[sflag:s18] =	ssyncset.done $0x0  }
0x44: {  	[sflag:s18] =	ssyncadd.s32 $0xFFFFFC18  }
0x45: {  	[hbm4b:s14+s21] =	stream.linear.scatter [tilespmem:s28], [sflag:$0x2], $0x3E8, $0x38;
	[tilespmem:$0x7780] =	vst v63  }
0x46: {  	_ =	swait.ge [sflag:s18], $0x3E8  }
0x47: {  	[sflag:s18] =	ssyncset.done $0x0  }
0x48: {  	[sflag:s18] =	ssyncadd.s32 $0xFFFFFC18  }
0x49: {  	[hbm4b:s15+s21] =	stream.linear.scatter [tilespmem:s29], [sflag:$0x2], $0x3E8, $0x38;
	[tilespmem:$0x7780] =	vst v63  }
0x4a: {  	_ =	swait.ge [sflag:s18], $0x3E8  }
0x4b: {  	[sflag:s18] =	ssyncset.done $0x0  }
0x4c: {  	s16 =	smov.u32 s23;
	s17 =	smov.u32 s22;
	[sflag:s18] =	ssyncadd.s32 $0xFFFFFC18  }
.LBB2_6:
0x4d: {  	[tilespmem:s30], [sflag:$0x2] =	stream.linear.gather [hbm4b:s17+s3], $0x50, $0x38;
	[tilespmem:$0x7780] =	vst v63  }
0x4e: {  	_ =	swait.ge [sflag:s18], $0x50  }
0x4f: {  	[sflag:s18] =	ssyncset.done $0x0  }
0x50: {  	[sflag:s18] =	ssyncadd.s32 $0xFFFFFFB0  }
0x51: {  	[tilespmem:s0], [sflag:$0x1] =	stream.indirect.gather [hbm4b:s1+s31], $0x80, s30, s31, $0xb8;
	[tilespmem:$0x7780] =	vst v63  }
0x52: {  	p1 =	slt.u32 @!p0 s21, $0x3;
	_ =	swait.ge [sflag:s2], $0x2800  }
0x53: {  	p1 =	por p0, !p1;
	[sflag:s2] =	ssyncset.done $0x0  }
.Ltmp2:
0x54: {  	[sflag:s2] =	ssyncadd.s32 $0xFFFFD800;
	(pc) =	sbr.rel @!p1 .LBB2_6-.Ltmp2, $4  }
0x55: {  	[hbm4b:s16+s3] =	stream.linear.scatter [tilespmem:s0], [sflag:$0x2], $0x2800, $0x38;
	[tilespmem:$0x7780] =	vst v63  }
0x56: {  	_ =	swait.ge [sflag:s18], $0x2800  }
0x57: {  	s21 =	sadd.s32 $0x1, s21;
	[sflag:s18] =	ssyncset.done $0x0  }
0x58: {  	s17 =	sadd.s32 $0xA, s17;
	s16 =	sadd.s32 $0x500, s16;
	[sflag:s18] =	ssyncadd.s32 $0xFFFFD800  }
0x59: {  	s20 =	sadd.s32 $0x1, s20  }
0x5a: {  	p1 =	sne.s32 s20, s5  }
.Ltmp3:
0x5b: {  	_ = 	snop;
	(pc) =	sbr.rel @p1 .LBB2_1-.Ltmp3, $1  }
0x5c: {  	_ =	sdelay $0x3  }
0x5d: {  	_ =	sfence.sel $0x180000  }
0x5e: {  	[bflag:$0x0] =	sbarrier.arrive $0xFFFF  }
0x5f: {  	_ =	strace $0x90000047  }
0x60: {  	s0 =	stileid.u32;
	[bflag:$0x2] =	sbarrier.arrive $0xFFFF  }
0x61: {  	p0 =	sne.s32 s0, $0x0;
	s0 =	rddreg [dreg:$0x3]  }
0x62: {  	s0 =	sadd.s32 @!p0 $0x100000, s0  }
0x63: {  	[sflag:s0] =	ssyncadd.tile.s32 @!p0 $0x1;
	_ =	shalt  }
.Lfunc_end2:
_tile_overlayer_lowered:
.L_overlay_start_2:
0x64: {  	(tag) =	ssettag $0x2  }
0x65: {  	s0 =	rddreg [dreg:$0x0];
	s2 =	stileid.u32  }
0x66: {  	s1 =	rddreg [dreg:$0x1];
	p0 =	sne.s32 s2, $0x0  }
0x67: {  	s3 =	rddreg [dreg:$0x2];
	[bflag:$0x3] =	sbarrier.arrive $0xFFFF;
	s2 =	simm.s32 @!p0 $0x1C02  }
0x68: {  	[timem:s3], [sflag:s2] =	dma.local @!p0 [hbm:s0], s1  }
0x69: {  	s0 =	simm.s32 @!p0 $0x2  }
0x6a: {  	_ =	swait.ge @!p0 [sflag:s0], s1  }
0x6b: {  	s1 =	ssub.s32 @!p0 $0x0, s1;
	[sflag:s0] =	ssyncset.done @!p0 $0x0  }
0x6c: {  	[sflag:s0] =	ssyncadd.s32 @!p0 s1  }
0x6d: {  	[bflag:$0x3] =	sbarrier.arrive $0xFFFF  }
0x6e: {  	_ =	shalt  }

</sc_bundles>
